<compile_context>
chip_gen: v7x
topology: tpu7x:2x2x1
jax: 0.10.2.dev20260603
libtpu: 0.0.44.dev20260713+nightly
codegen_flags: <defaults>
</compile_context>

<pallas_src>
import functools

import jax
import jax.numpy as jnp
from jax import lax
from jax.experimental import pallas as pl
from jax.experimental.pallas import tpu as pltpu
from jax.experimental.pallas import tpu_sc as plsc

RATES = 5
HID = 64
HPAD = 128
NSUB = 16
NCHUNK = 32
CHUNK = 64
ACC_ROWS = 10240
NBUF = 4
ZROWS = 16


def _proj_body(feat_ref, w_ref, out_ref):
    res = lax.dot_general(
        feat_ref[0].astype(jnp.bfloat16), w_ref[0].astype(jnp.bfloat16),
        (((1,), (0,)), ((), ())), preferred_element_type=jnp.float32)
    out_ref[0, 0] = jnp.concatenate(
        [res, jnp.zeros_like(res)], axis=1)


def _project(feat2, W):
    _, n, f = feat2.shape
    B = 2000
    return pl.pallas_call(
        _proj_body,
        grid=(2, n // B, RATES),
        in_specs=[
            pl.BlockSpec((1, B, f), lambda d, b, r: (d, b, 0)),
            pl.BlockSpec((1, f, HID), lambda d, b, r: (r, 0, 0)),
        ],
        out_specs=pl.BlockSpec((1, 1, B, HPAD), lambda d, b, r: (d, r, b, 0)),
        out_shape=jax.ShapeDtypeStruct((2, RATES, n, HPAD), jnp.float32),
    )(feat2, W)


def _segment_sums(P_flat, src_idx, dst_idx, n):
    mesh = plsc.VectorSubcoreMesh(core_axis_name="c", subcore_axis_name="s")
    rps = 624
    last_rows = n - rps * (NSUB - 1)

    @functools.partial(
        pl.kernel,
        mesh=mesh,
        out_type=jax.ShapeDtypeStruct((2 * RATES * n, HPAD), jnp.float32),
        scratch_types=[
            pltpu.VMEM((ZROWS, HPAD), jnp.float32),
            pltpu.VMEM((NCHUNK, CHUNK), jnp.int32),
            pltpu.VMEM((NCHUNK, CHUNK), jnp.int32),
            pltpu.VMEM((NBUF, CHUNK, HPAD), jnp.float32),
            pltpu.VMEM_SHARED((ACC_ROWS, HPAD), jnp.float32),
            pltpu.SemaphoreType.DMA,
            pltpu.SemaphoreType.DMA,
        ] + [pltpu.SemaphoreType.DMA] * NBUF,
    )
    def k(p_hbm, sidx_hbm, didx_hbm, out_hbm, zbuf, sidx_v, didx_v, gat_v,
          acc, isem0, isem1, *gsems):
        d = lax.axis_index("c")
        s = lax.axis_index("s")

        @pl.loop(0, ZROWS)
        def _(i):
            for c in range(HPAD // 16):
                zbuf[i, pl.ds(c * 16, 16)] = jnp.zeros((16,), jnp.float32)

        def zero_stripe():
            @pl.when(s < NSUB - 1)
            def _():
                @pl.loop(0, rps // ZROWS)
                def _(kk):
                    pltpu.sync_copy(
                        zbuf, acc.at[pl.ds(s * rps + kk * ZROWS, ZROWS)])

            @pl.when(s == NSUB - 1)
            def _():
                @pl.loop(0, (n - (NSUB - 1) * rps) // ZROWS)
                def _(kk):
                    pltpu.sync_copy(
                        zbuf,
                        acc.at[pl.ds((NSUB - 1) * rps + kk * ZROWS, ZROWS)])

        zero_stripe()

        @pl.loop(0, RATES)
        def _(r):
            g = (d * RATES + r) * NSUB + s
            ic0 = pltpu.async_copy(sidx_hbm.at[g], sidx_v, isem0)
            ic1 = pltpu.async_copy(didx_hbm.at[g], didx_v, isem1)
            plsc.subcore_barrier()

            ic0.wait()
            gathers = [
                pltpu.async_copy(p_hbm.at[sidx_v.at[b]], gat_v.at[b],
                                 gsems[b])
                for b in range(NBUF)
            ]
            ic1.wait()
            for j in range(NCHUNK):
                b = j % NBUF
                gathers[b].wait()
                pltpu.sync_copy(gat_v.at[b], acc.at[didx_v.at[j]], add=True)
                if j + NBUF < NCHUNK:
                    gathers[b] = pltpu.async_copy(
                        p_hbm.at[sidx_v.at[j + NBUF]], gat_v.at[b], gsems[b])
            plsc.subcore_barrier()

            @pl.when(s < NSUB - 1)
            def _():
                pltpu.sync_copy(
                    acc.at[pl.ds(s * rps, rps)],
                    out_hbm.at[pl.ds((d * RATES + r) * n + s * rps, rps)])

            @pl.when(s == NSUB - 1)
            def _():
                pltpu.sync_copy(
                    acc.at[pl.ds((NSUB - 1) * rps, last_rows)],
                    out_hbm.at[pl.ds((d * RATES + r) * n + (NSUB - 1) * rps,
                                     last_rows)])

            @pl.when(r < RATES - 1)
            def _():
                zero_stripe()

    return k(P_flat, src_idx, dst_idx)


def _bf16_dot(a, b):
    return lax.dot_general(a.astype(jnp.bfloat16), b.astype(jnp.bfloat16),
                           (((1,), (0,)), ((), ())),
                           preferred_element_type=jnp.float32)


def _embed_body(h_ref, side_ref, wside_ref, bias_ref, wcat_ref,
                out_u_ref, out_v_ref):
    for d, out_ref in ((0, out_u_ref), (1, out_v_ref)):
        side = _bf16_dot(side_ref[d], wside_ref[...])
        side = jnp.maximum(side + bias_ref[d], 0.0)
        acc = _bf16_dot(side, wcat_ref[d, RATES * HPAD:, :])
        for r in range(RATES):
            acc += _bf16_dot(jnp.maximum(h_ref[d, r], 0.0),
                             wcat_ref[d, r * HPAD:(r + 1) * HPAD, :])
        out_ref[...] = jnp.maximum(acc, 0.0)


def _embed(H, side2, W_side, bias2, wcat2):
    _, _, n, _ = H.shape
    sdim = side2.shape[2]
    out_dim = wcat2.shape[2]
    B = 2000
    return pl.pallas_call(
        _embed_body,
        grid=(n // B,),
        in_specs=[
            pl.BlockSpec((2, RATES, B, HPAD), lambda b: (0, 0, b, 0)),
            pl.BlockSpec((2, B, sdim), lambda b: (0, b, 0)),
            pl.BlockSpec((sdim, wcat2.shape[1] - RATES * HPAD),
                         lambda b: (0, 0)),
            pl.BlockSpec((2, 1, bias2.shape[2]), lambda b: (0, 0, 0)),
            pl.BlockSpec((2, wcat2.shape[1], out_dim), lambda b: (0, 0, 0)),
        ],
        out_specs=[pl.BlockSpec((B, out_dim), lambda b: (b, 0)),
                   pl.BlockSpec((B, out_dim), lambda b: (b, 0))],
        out_shape=[jax.ShapeDtypeStruct((n, out_dim), jnp.float32),
                   jax.ShapeDtypeStruct((n, out_dim), jnp.float32)],
    )(H, side2, W_side, bias2, wcat2)


def kernel(feature_u, feature_v, edge_rows, edge_cols, side_feature_u,
           side_feature_v, W, W_side, bias_u, bias_v, W_cat_u, W_cat_v):
    n = feature_u.shape[0]
    rows = edge_rows.astype(jnp.int32)
    cols = edge_cols.astype(jnp.int32)

    feat2 = jnp.stack([feature_u, feature_v])
    P = _project(feat2, W)
    P_flat = P.reshape(2 * RATES * n, HPAD)

    roff = (jnp.arange(RATES, dtype=jnp.int32) * n)[:, None]
    src = jnp.stack([cols + roff + RATES * n, rows + roff])
    dst = jnp.stack([rows, cols])
    e = src.shape[2]
    pad = NSUB * NCHUNK * CHUNK - e
    src = jnp.concatenate(
        [src, jnp.zeros((2, RATES, pad), jnp.int32)], axis=2)
    dst = jnp.concatenate(
        [dst, jnp.full((2, RATES, pad), n, jnp.int32)], axis=2)
    src = src.reshape(2 * RATES * NSUB, NCHUNK, CHUNK)
    dst = dst.reshape(2 * RATES * NSUB, NCHUNK, CHUNK)

    H = _segment_sums(P_flat, src, dst, n).reshape(2, RATES, n, HPAD)

    side2 = jnp.stack([side_feature_u, side_feature_v])
    bias2 = jnp.stack([bias_u, bias_v])[:, None, :]
    wcat2 = jnp.stack([W_cat_u, W_cat_v])
    wcat_rates = wcat2[:, :RATES * HID, :].reshape(2, RATES, HID, -1)
    wcat_rates = jnp.concatenate(
        [wcat_rates,
         jnp.zeros((2, RATES, HPAD - HID, wcat2.shape[2]), jnp.float32)],
        axis=2).reshape(2, RATES * HPAD, -1)
    wcat2 = jnp.concatenate([wcat_rates, wcat2[:, RATES * HID:, :]], axis=1)
    emb_u, emb_v = _embed(H, side2, W_side, bias2, wcat2)
    return emb_u, emb_v

# --- scband reference (transcript-rebuilt; emitter-appended) ---
"""Pipeline reference for scband-gcmc-17798344475012 (READ-ONLY COPY).

The authoritative reference and input builder live on the scoring server;
editing this copy changes nothing except your own understanding.
"""

import jax, jax.numpy as jnp
import numpy as np

N_U = 10000
N_V = 10000
FEATURE_DIM = 256
HIDDEN_DIM = 64
SIDE_FEATURE_DIM = 128
SIDE_HIDDEN_DIM = 64
RATE_NUM = 5
OUT_DIM = 64
E_PER_RATE = 32000


def setup_inputs(seed: int = 0) -> dict:
    key = jax.random.key(seed)
    ks = jax.random.split(key, 12)
    feature_u = jax.random.normal(ks[0], (N_U, FEATURE_DIM), dtype=jnp.float32)
    feature_v = jax.random.normal(ks[1], (N_V, FEATURE_DIM), dtype=jnp.float32)
    edge_rows = jax.random.randint(ks[2], (RATE_NUM, E_PER_RATE), 0, N_U, dtype=jnp.int64)
    edge_cols = jax.random.randint(ks[3], (RATE_NUM, E_PER_RATE), 0, N_V, dtype=jnp.int64)
    side_feature_u = jax.random.normal(ks[4], (N_U, SIDE_FEATURE_DIM), dtype=jnp.float32)
    side_feature_v = jax.random.normal(ks[5], (N_V, SIDE_FEATURE_DIM), dtype=jnp.float32)
    # learned parameters
    W = jax.random.normal(ks[6], (RATE_NUM, FEATURE_DIM, HIDDEN_DIM), dtype=jnp.float32) * 0.05
    W_side = jax.random.normal(ks[7], (SIDE_FEATURE_DIM, SIDE_HIDDEN_DIM), dtype=jnp.float32) * 0.05
    bias_u = jax.random.normal(ks[8], (SIDE_HIDDEN_DIM,), dtype=jnp.float32)
    bias_v = jax.random.normal(ks[9], (SIDE_HIDDEN_DIM,), dtype=jnp.float32)
    cat_dim = RATE_NUM * HIDDEN_DIM + SIDE_HIDDEN_DIM
    W_cat_u = jax.random.normal(ks[10], (cat_dim, OUT_DIM), dtype=jnp.float32) * 0.05
    W_cat_v = jax.random.normal(ks[11], (cat_dim, OUT_DIM), dtype=jnp.float32) * 0.05
    return {"feature_u": feature_u, "feature_v": feature_v, "edge_rows": edge_rows,
            "edge_cols": edge_cols, "side_feature_u": side_feature_u, "side_feature_v": side_feature_v,
            "W": W, "W_side": W_side, "bias_u": bias_u, "bias_v": bias_v,
            "W_cat_u": W_cat_u, "W_cat_v": W_cat_v}


def reference(feature_u, feature_v, edge_rows, edge_cols, side_feature_u, side_feature_v,
              W, W_side, bias_u, bias_v, W_cat_u, W_cat_v):
    rate_num = W.shape[0]
    n_u = feature_u.shape[0]
    n_v = feature_v.shape[0]
    hidden_feature_u = []
    hidden_feature_v = []
    for r in range(rate_num):
        Wr = W[r]
        rows = edge_rows[r]
        cols = edge_cols[r]
        # hidden_u = ReLU(M @ (feature_v @ Wr))  -> scatter-add over edges (rows <- cols)
        hv_proj = feature_v @ Wr  # [n_v, hidden]
        hidden_u = jax.nn.relu(jax.ops.segment_sum(jnp.take(hv_proj, cols, axis=0), rows, num_segments=n_u))
        # hidden_v = ReLU(M.T @ (feature_u @ Wr)) -> scatter-add over edges (cols <- rows)
        hu_proj = feature_u @ Wr  # [n_u, hidden]
        hidden_v = jax.nn.relu(jax.ops.segment_sum(jnp.take(hu_proj, rows, axis=0), cols, num_segments=n_v))
        hidden_feature_u.append(hidden_u)
        hidden_feature_v.append(hidden_v)
    h_u = jnp.concatenate(hidden_feature_u, axis=1)  # [n_u, rate_num*hidden]
    h_v = jnp.concatenate(hidden_feature_v, axis=1)  # [n_v, rate_num*hidden]
    side_u = jax.nn.relu(side_feature_u @ W_side + bias_u)
    side_v = jax.nn.relu(side_feature_v @ W_side + bias_v)
    cat_u = jnp.concatenate([h_u, side_u], axis=1)
    cat_v = jnp.concatenate([h_v, side_v], axis=1)
    embed_u = jax.nn.relu(cat_u @ W_cat_u)
    embed_v = jax.nn.relu(cat_v @ W_cat_v)
    return embed_u, embed_v

if __name__ == "__main__":
    import jax
    _d = setup_inputs()
    print(jax.jit(kernel)(*tuple(_d.values())))

</pallas_src>

<mosaic_0001>
#map = affine_map<(d0, d1) -> (0, 0)>
#map1 = affine_map<(d0, d1) -> (0, 0, 0)>
module attributes {stable_mosaic.version = 14 : i64} {
  func.func @k(%arg0: i32, %arg1: i32, %arg2: memref<100000x128xf32, #tpu.memory_space<hbm>>, %arg3: memref<160x32x64xi32, #tpu.memory_space<hbm>>, %arg4: memref<160x32x64xi32, #tpu.memory_space<hbm>>, %arg5: memref<100000x128xf32, #tpu.memory_space<hbm>>, %arg6: memref<16x128xf32, #tpu.memory_space<vmem>>, %arg7: memref<32x64xi32, #tpu.memory_space<vmem>>, %arg8: memref<32x64xi32, #tpu.memory_space<vmem>>, %arg9: memref<4x64x128xf32, #tpu.memory_space<vmem>>, %arg10: memref<10240x128xf32, #tpu.memory_space<vmem_shared>>, %arg11: memref<!tpu.dma_semaphore, #tpu.memory_space<semaphore_mem>>, %arg12: memref<!tpu.dma_semaphore, #tpu.memory_space<semaphore_mem>>, %arg13: memref<!tpu.dma_semaphore, #tpu.memory_space<semaphore_mem>>, %arg14: memref<!tpu.dma_semaphore, #tpu.memory_space<semaphore_mem>>, %arg15: memref<!tpu.dma_semaphore, #tpu.memory_space<semaphore_mem>>, %arg16: memref<!tpu.dma_semaphore, #tpu.memory_space<semaphore_mem>>) attributes {dimension_semantics = [#tpu.dimension_semantics<core_parallel>, #tpu.dimension_semantics<subcore_parallel>], iteration_bounds = array<i64: 2, 16>, scalar_prefetch = 0 : i64, scratch_operands = 11 : i64, tpu.core_type = #tpu.core_type<sc_vector_subcore>, window_params = [{transform_indices = #map}, {transform_indices = #map1}, {transform_indices = #map1}, {transform_indices = #map}]} {
    %scan3A = arith.constant 0 : i32
    %scan3A_0 = arith.constant 16 : i32
    %scan3A_1 = arith.addi %scan3A, %scan3A_0 : i32
    %scan3A_2 = arith.constant 1 : i32
    scf.for %scan3A_15 = %scan3A to %scan3A_1 step %scan3A_2  : i32 {
      %mul3A = arith.constant 1 : i32
      %mul3A_16 = arith.muli %scan3A_15, %mul3A : i32
      %add3A = arith.constant 0 : i32
      %add3A_17 = arith.addi %add3A, %mul3A_16 : i32
      %broadcast_in_dim3A = arith.constant 0.000000e+00 : f32
      %broadcast_in_dim3A_18 = vector.broadcast %broadcast_in_dim3A : f32 to vector<16xf32>
      %swap3A = arith.index_cast %add3A_17 : i32 to index
      %swap3A_19 = arith.constant 0 : index
      %swap3A_20 = tpu.vector_load %arg6[%swap3A, %swap3A_19] {strides = array<i32>} : memref<16x128xf32, #tpu.memory_space<vmem>>, vector<1x16xf32>,
      %swap3A_21 = vector.shape_cast %swap3A_20 : vector<1x16xf32> to vector<16xf32>
      %swap3A_22 = vector.shape_cast %broadcast_in_dim3A_18 : vector<16xf32> to vector<1x16xf32>
      tpu.vector_store %arg6[%swap3A, %swap3A_19], %swap3A_22 {strides = array<i32>} : memref<16x128xf32, #tpu.memory_space<vmem>>, vector<1x16xf32>,
      %broadcast_in_dim3A_23 = arith.constant 0.000000e+00 : f32
      %broadcast_in_dim3A_24 = vector.broadcast %broadcast_in_dim3A_23 : f32 to vector<16xf32>
      %swap3A_25 = arith.index_cast %add3A_17 : i32 to index
      %swap3A_26 = arith.constant 16 : index
      %swap3A_27 = tpu.vector_load %arg6[%swap3A_25, %swap3A_26] {strides = array<i32>} : memref<16x128xf32, #tpu.memory_space<vmem>>, vector<1x16xf32>,
      %swap3A_28 = vector.shape_cast %swap3A_27 : vector<1x16xf32> to vector<16xf32>
      %swap3A_29 = vector.shape_cast %broadcast_in_dim3A_24 : vector<16xf32> to vector<1x16xf32>
      tpu.vector_store %arg6[%swap3A_25, %swap3A_26], %swap3A_29 {strides = array<i32>} : memref<16x128xf32, #tpu.memory_space<vmem>>, vector<1x16xf32>,
      %broadcast_in_dim3A_30 = arith.constant 0.000000e+00 : f32
      %broadcast_in_dim3A_31 = vector.broadcast %broadcast_in_dim3A_30 : f32 to vector<16xf32>
      %swap3A_32 = arith.index_cast %add3A_17 : i32 to index
      %swap3A_33 = arith.constant 32 : index
      %swap3A_34 = tpu.vector_load %arg6[%swap3A_32, %swap3A_33] {strides = array<i32>} : memref<16x128xf32, #tpu.memory_space<vmem>>, vector<1x16xf32>,
      %swap3A_35 = vector.shape_cast %swap3A_34 : vector<1x16xf32> to vector<16xf32>
      %swap3A_36 = vector.shape_cast %broadcast_in_dim3A_31 : vector<16xf32> to vector<1x16xf32>
      tpu.vector_store %arg6[%swap3A_32, %swap3A_33], %swap3A_36 {strides = array<i32>} : memref<16x128xf32, #tpu.memory_space<vmem>>, vector<1x16xf32>,
      %broadcast_in_dim3A_37 = arith.constant 0.000000e+00 : f32
      %broadcast_in_dim3A_38 = vector.broadcast %broadcast_in_dim3A_37 : f32 to vector<16xf32>
      %swap3A_39 = arith.index_cast %add3A_17 : i32 to index
      %swap3A_40 = arith.constant 48 : index
      %swap3A_41 = tpu.vector_load %arg6[%swap3A_39, %swap3A_40] {strides = array<i32>} : memref<16x128xf32, #tpu.memory_space<vmem>>, vector<1x16xf32>,
      %swap3A_42 = vector.shape_cast %swap3A_41 : vector<1x16xf32> to vector<16xf32>
      %swap3A_43 = vector.shape_cast %broadcast_in_dim3A_38 : vector<16xf32> to vector<1x16xf32>
      tpu.vector_store %arg6[%swap3A_39, %swap3A_40], %swap3A_43 {strides = array<i32>} : memref<16x128xf32, #tpu.memory_space<vmem>>, vector<1x16xf32>,
      %broadcast_in_dim3A_44 = arith.constant 0.000000e+00 : f32
      %broadcast_in_dim3A_45 = vector.broadcast %broadcast_in_dim3A_44 : f32 to vector<16xf32>
      %swap3A_46 = arith.index_cast %add3A_17 : i32 to index
      %swap3A_47 = arith.constant 64 : index
      %swap3A_48 = tpu.vector_load %arg6[%swap3A_46, %swap3A_47] {strides = array<i32>} : memref<16x128xf32, #tpu.memory_space<vmem>>, vector<1x16xf32>,
      %swap3A_49 = vector.shape_cast %swap3A_48 : vector<1x16xf32> to vector<16xf32>
      %swap3A_50 = vector.shape_cast %broadcast_in_dim3A_45 : vector<16xf32> to vector<1x16xf32>
      tpu.vector_store %arg6[%swap3A_46, %swap3A_47], %swap3A_50 {strides = array<i32>} : memref<16x128xf32, #tpu.memory_space<vmem>>, vector<1x16xf32>,
      %broadcast_in_dim3A_51 = arith.constant 0.000000e+00 : f32
      %broadcast_in_dim3A_52 = vector.broadcast %broadcast_in_dim3A_51 : f32 to vector<16xf32>
      %swap3A_53 = arith.index_cast %add3A_17 : i32 to index
      %swap3A_54 = arith.constant 80 : index
      %swap3A_55 = tpu.vector_load %arg6[%swap3A_53, %swap3A_54] {strides = array<i32>} : memref<16x128xf32, #tpu.memory_space<vmem>>, vector<1x16xf32>,
      %swap3A_56 = vector.shape_cast %swap3A_55 : vector<1x16xf32> to vector<16xf32>
      %swap3A_57 = vector.shape_cast %broadcast_in_dim3A_52 : vector<16xf32> to vector<1x16xf32>
      tpu.vector_store %arg6[%swap3A_53, %swap3A_54], %swap3A_57 {strides = array<i32>} : memref<16x128xf32, #tpu.memory_space<vmem>>, vector<1x16xf32>,
      %broadcast_in_dim3A_58 = arith.constant 0.000000e+00 : f32
      %broadcast_in_dim3A_59 = vector.broadcast %broadcast_in_dim3A_58 : f32 to vector<16xf32>
      %swap3A_60 = arith.index_cast %add3A_17 : i32 to index
      %swap3A_61 = arith.constant 96 : index
      %swap3A_62 = tpu.vector_load %arg6[%swap3A_60, %swap3A_61] {strides = array<i32>} : memref<16x128xf32, #tpu.memory_space<vmem>>, vector<1x16xf32>,
      %swap3A_63 = vector.shape_cast %swap3A_62 : vector<1x16xf32> to vector<16xf32>
      %swap3A_64 = vector.shape_cast %broadcast_in_dim3A_59 : vector<16xf32> to vector<1x16xf32>
      tpu.vector_store %arg6[%swap3A_60, %swap3A_61], %swap3A_64 {strides = array<i32>} : memref<16x128xf32, #tpu.memory_space<vmem>>, vector<1x16xf32>,
      %broadcast_in_dim3A_65 = arith.constant 0.000000e+00 : f32
      %broadcast_in_dim3A_66 = vector.broadcast %broadcast_in_dim3A_65 : f32 to vector<16xf32>
      %swap3A_67 = arith.index_cast %add3A_17 : i32 to index
      %swap3A_68 = arith.constant 112 : index
      %swap3A_69 = tpu.vector_load %arg6[%swap3A_67, %swap3A_68] {strides = array<i32>} : memref<16x128xf32, #tpu.memory_space<vmem>>, vector<1x16xf32>,
      %swap3A_70 = vector.shape_cast %swap3A_69 : vector<1x16xf32> to vector<16xf32>
      %swap3A_71 = vector.shape_cast %broadcast_in_dim3A_66 : vector<16xf32> to vector<1x16xf32>
      tpu.vector_store %arg6[%swap3A_67, %swap3A_68], %swap3A_71 {strides = array<i32>} : memref<16x128xf32, #tpu.memory_space<vmem>>, vector<1x16xf32>,
    }
    %scan3A_3 = arith.constant 16 : i32
    %lt3A = arith.constant 15 : i32
    %lt3A_4 = arith.cmpi slt, %arg1, %lt3A : i32
    %convert_element_type3A = arith.extui %lt3A_4 : i1 to i32
    %cond3A = arith.constant 0 : i32
    %cond3A_5 = arith.cmpi ne, %convert_element_type3A, %cond3A : i32
    scf.if %cond3A_5 {
      %scan3A_15 = arith.constant 0 : i32
      %scan3A_16 = arith.constant 39 : i32
      %scan3A_17 = arith.addi %scan3A_15, %scan3A_16 : i32
      %scan3A_18 = arith.constant 1 : i32
      scf.for %scan3A_20 = %scan3A_15 to %scan3A_17 step %scan3A_18  : i32 {
        %mul3A = arith.constant 1 : i32
        %mul3A_21 = arith.muli %scan3A_20, %mul3A : i32
        %add3A = arith.constant 0 : i32
        %add3A_22 = arith.addi %add3A, %mul3A_21 : i32
        %mul3A_23 = arith.constant 624 : i32
        %mul3A_24 = arith.muli %arg1, %mul3A_23 : i32
        %mul3A_25 = arith.constant 16 : i32
        %mul3A_26 = arith.muli %add3A_22, %mul3A_25 : i32
        %add3A_27 = arith.addi %mul3A_24, %mul3A_26 : i32
        "tpu.region"() ({
          %run_scoped3A = tpu.sem_alloc : memref<!tpu.dma_semaphore, #tpu.memory_space<semaphore_mem>>
          %dma_start3A = arith.constant 0 : i32
          %dma_start3A_28 = tpu.memref_slice %arg10[%add3A_27, %dma_start3A] : memref<10240x128xf32, #tpu.memory_space<vmem_shared>> -> memref<16x128xf32, #tpu.memory_space<vmem_shared>>
          %dma_start3A_29 = arith.constant 0 : i32
          %dma_start3A_30 = tpu.memref_slice %arg10[%add3A_27, %dma_start3A_29] : memref<10240x128xf32, #tpu.memory_space<vmem_shared>> -> memref<16x128xf32, #tpu.memory_space<vmem_shared>>
          tpu.enqueue_dma source(%arg6 : memref<16x128xf32, #tpu.memory_space<vmem>>) target(%dma_start3A_30 : memref<16x128xf32, #tpu.memory_space<vmem_shared>>) target_semaphore(%run_scoped3A : memref<!tpu.dma_semaphore, #tpu.memory_space<semaphore_mem>>)
          %dma_wait3A = arith.constant 0 : i32
          %dma_wait3A_31 = tpu.memref_slice %arg10[%add3A_27, %dma_wait3A] : memref<10240x128xf32, #tpu.memory_space<vmem_shared>> -> memref<16x128xf32, #tpu.memory_space<vmem_shared>>
          %dma_wait3A_32 = arith.constant 0 : i32
          %dma_wait3A_33 = tpu.memref_slice %arg10[%add3A_27, %dma_wait3A_32] : memref<10240x128xf32, #tpu.memory_space<vmem_shared>> -> memref<16x128xf32, #tpu.memory_space<vmem_shared>>
          tpu.wait_dma2 semaphore(%run_scoped3A : memref<!tpu.dma_semaphore, #tpu.memory_space<semaphore_mem>>) src(%arg6 : memref<16x128xf32, #tpu.memory_space<vmem>>) dst(%dma_wait3A_33 : memref<16x128xf32, #tpu.memory_space<vmem_shared>>)
          tpu.yield
        }) : () -> ()
      }
      %scan3A_19 = arith.constant 39 : i32
    } else {
    }
    %eq3A = arith.constant 15 : i32
    %eq3A_6 = arith.cmpi eq, %arg1, %eq3A : i32
    %convert_element_type3A_7 = arith.extui %eq3A_6 : i1 to i32
    %cond3A_8 = arith.constant 0 : i32
    %cond3A_9 = arith.cmpi ne, %convert_element_type3A_7, %cond3A_8 : i32
    scf.if %cond3A_9 {
      %scan3A_15 = arith.constant 0 : i32
      %scan3A_16 = arith.constant 40 : i32
      %scan3A_17 = arith.addi %scan3A_15, %scan3A_16 : i32
      %scan3A_18 = arith.constant 1 : i32
      scf.for %scan3A_20 = %scan3A_15 to %scan3A_17 step %scan3A_18  : i32 {
        %mul3A = arith.constant 1 : i32
        %mul3A_21 = arith.muli %scan3A_20, %mul3A : i32
        %add3A = arith.constant 0 : i32
        %add3A_22 = arith.addi %add3A, %mul3A_21 : i32
        %mul3A_23 = arith.constant 16 : i32
        %mul3A_24 = arith.muli %add3A_22, %mul3A_23 : i32
        %add3A_25 = arith.constant 9360 : i32
        %add3A_26 = arith.addi %add3A_25, %mul3A_24 : i32
        "tpu.region"() ({
          %run_scoped3A = tpu.sem_alloc : memref<!tpu.dma_semaphore, #tpu.memory_space<semaphore_mem>>
          %dma_start3A = arith.constant 0 : i32
          %dma_start3A_27 = tpu.memref_slice %arg10[%add3A_26, %dma_start3A] : memref<10240x128xf32, #tpu.memory_space<vmem_shared>> -> memref<16x128xf32, #tpu.memory_space<vmem_shared>>
          %dma_start3A_28 = arith.constant 0 : i32
          %dma_start3A_29 = tpu.memref_slice %arg10[%add3A_26, %dma_start3A_28] : memref<10240x128xf32, #tpu.memory_space<vmem_shared>> -> memref<16x128xf32, #tpu.memory_space<vmem_shared>>
          tpu.enqueue_dma source(%arg6 : memref<16x128xf32, #tpu.memory_space<vmem>>) target(%dma_start3A_29 : memref<16x128xf32, #tpu.memory_space<vmem_shared>>) target_semaphore(%run_scoped3A : memref<!tpu.dma_semaphore, #tpu.memory_space<semaphore_mem>>)
          %dma_wait3A = arith.constant 0 : i32
          %dma_wait3A_30 = tpu.memref_slice %arg10[%add3A_26, %dma_wait3A] : memref<10240x128xf32, #tpu.memory_space<vmem_shared>> -> memref<16x128xf32, #tpu.memory_space<vmem_shared>>
          %dma_wait3A_31 = arith.constant 0 : i32
          %dma_wait3A_32 = tpu.memref_slice %arg10[%add3A_26, %dma_wait3A_31] : memref<10240x128xf32, #tpu.memory_space<vmem_shared>> -> memref<16x128xf32, #tpu.memory_space<vmem_shared>>
          tpu.wait_dma2 semaphore(%run_scoped3A : memref<!tpu.dma_semaphore, #tpu.memory_space<semaphore_mem>>) src(%arg6 : memref<16x128xf32, #tpu.memory_space<vmem>>) dst(%dma_wait3A_32 : memref<16x128xf32, #tpu.memory_space<vmem_shared>>)
          tpu.yield
        }) : () -> ()
      }
      %scan3A_19 = arith.constant 40 : i32
    } else {
    }
    %scan3A_10 = arith.constant 0 : i32
    %scan3A_11 = arith.constant 5 : i32
    %scan3A_12 = arith.addi %scan3A_10, %scan3A_11 : i32
    %scan3A_13 = arith.constant 1 : i32
    scf.for %scan3A_15 = %scan3A_10 to %scan3A_12 step %scan3A_13  : i32 {
      %mul3A = arith.constant 1 : i32
      %mul3A_16 = arith.muli %scan3A_15, %mul3A : i32
      %add3A = arith.constant 0 : i32
      %add3A_17 = arith.addi %add3A, %mul3A_16 : i32
      %mul3A_18 = arith.constant 5 : i32
      %mul3A_19 = arith.muli %arg0, %mul3A_18 : i32
      %add3A_20 = arith.addi %mul3A_19, %add3A_17 : i32
      %mul3A_21 = arith.constant 16 : i32
      %mul3A_22 = arith.muli %add3A_20, %mul3A_21 : i32
      %add3A_23 = arith.addi %mul3A_22, %arg1 : i32
      %dma_start3A = arith.constant 0 : i32
      %dma_start3A_24 = arith.constant 0 : i32
      %dma_start3A_25 = tpu.memref_slice %arg3[%add3A_23, %dma_start3A, %dma_start3A_24] : memref<160x32x64xi32, #tpu.memory_space<hbm>> -> memref<1x32x64xi32, #tpu.memory_space<hbm>>
      %dma_start3A_26 = tpu.memref_squeeze %dma_start3A_25 : memref<1x32x64xi32, #tpu.memory_space<hbm>> -> memref<32x64xi32, #tpu.memory_space<hbm>>
      %dma_start3A_27 = arith.constant 0 : i32
      %dma_start3A_28 = arith.constant 0 : i32
      %dma_start3A_29 = tpu.memref_slice %arg3[%add3A_23, %dma_start3A_27, %dma_start3A_28] : memref<160x32x64xi32, #tpu.memory_space<hbm>> -> memref<1x32x64xi32, #tpu.memory_space<hbm>>
      %dma_start3A_30 = tpu.memref_squeeze %dma_start3A_29 : memref<1x32x64xi32, #tpu.memory_space<hbm>> -> memref<32x64xi32, #tpu.memory_space<hbm>>
      tpu.enqueue_dma source(%dma_start3A_30 : memref<32x64xi32, #tpu.memory_space<hbm>>) target(%arg7 : memref<32x64xi32, #tpu.memory_space<vmem>>) target_semaphore(%arg11 : memref<!tpu.dma_semaphore, #tpu.memory_space<semaphore_mem>>)
      %dma_start3A_31 = arith.constant 0 : i32
      %dma_start3A_32 = arith.constant 0 : i32
      %dma_start3A_33 = tpu.memref_slice %arg4[%add3A_23, %dma_start3A_31, %dma_start3A_32] : memref<160x32x64xi32, #tpu.memory_space<hbm>> -> memref<1x32x64xi32, #tpu.memory_space<hbm>>
      %dma_start3A_34 = tpu.memref_squeeze %dma_start3A_33 : memref<1x32x64xi32, #tpu.memory_space<hbm>> -> memref<32x64xi32, #tpu.memory_space<hbm>>
      %dma_start3A_35 = arith.constant 0 : i32
      %dma_start3A_36 = arith.constant 0 : i32
      %dma_start3A_37 = tpu.memref_slice %arg4[%add3A_23, %dma_start3A_35, %dma_start3A_36] : memref<160x32x64xi32, #tpu.memory_space<hbm>> -> memref<1x32x64xi32, #tpu.memory_space<hbm>>
      %dma_start3A_38 = tpu.memref_squeeze %dma_start3A_37 : memref<1x32x64xi32, #tpu.memory_space<hbm>> -> memref<32x64xi32, #tpu.memory_space<hbm>>
      tpu.enqueue_dma source(%dma_start3A_38 : memref<32x64xi32, #tpu.memory_space<hbm>>) target(%arg8 : memref<32x64xi32, #tpu.memory_space<vmem>>) target_semaphore(%arg12 : memref<!tpu.dma_semaphore, #tpu.memory_space<semaphore_mem>>)
      %barrier3A = arith.constant 0 : index
      tpu.barrier barrier_id(%barrier3A)
      %dma_wait3A = arith.constant 0 : i32
      %dma_wait3A_39 = arith.constant 0 : i32
      %dma_wait3A_40 = tpu.memref_slice %arg3[%add3A_23, %dma_wait3A, %dma_wait3A_39] : memref<160x32x64xi32, #tpu.memory_space<hbm>> -> memref<1x32x64xi32, #tpu.memory_space<hbm>>
      %dma_wait3A_41 = tpu.memref_squeeze %dma_wait3A_40 : memref<1x32x64xi32, #tpu.memory_space<hbm>> -> memref<32x64xi32, #tpu.memory_space<hbm>>
      %dma_wait3A_42 = arith.constant 0 : i32
      %dma_wait3A_43 = arith.constant 0 : i32
      %dma_wait3A_44 = tpu.memref_slice %arg3[%add3A_23, %dma_wait3A_42, %dma_wait3A_43] : memref<160x32x64xi32, #tpu.memory_space<hbm>> -> memref<1x32x64xi32, #tpu.memory_space<hbm>>
      %dma_wait3A_45 = tpu.memref_squeeze %dma_wait3A_44 : memref<1x32x64xi32, #tpu.memory_space<hbm>> -> memref<32x64xi32, #tpu.memory_space<hbm>>
      tpu.wait_dma2 semaphore(%arg11 : memref<!tpu.dma_semaphore, #tpu.memory_space<semaphore_mem>>) src(%dma_wait3A_45 : memref<32x64xi32, #tpu.memory_space<hbm>>) dst(%arg7 : memref<32x64xi32, #tpu.memory_space<vmem>>)
      %dma_start3A_46 = arith.constant 0 : i32
      %dma_start3A_47 = arith.constant 0 : i32
      %dma_start3A_48 = arith.constant 0 : i32
      %dma_start3A_49 = arith.constant 0 : i32
      %dma_start3A_50 = tpu.memref_slice %arg9[%dma_start3A_47, %dma_start3A_48, %dma_start3A_49] : memref<4x64x128xf32, #tpu.memory_space<vmem>> -> memref<1x64x128xf32, #tpu.memory_space<vmem>>
      %dma_start3A_51 = tpu.memref_squeeze %dma_start3A_50 : memref<1x64x128xf32, #tpu.memory_space<vmem>> -> memref<64x128xf32, #tpu.memory_space<vmem>>
      %dma_start3A_52 = arith.constant 0 : i32
      %dma_start3A_53 = tpu.memref_slice %arg7[%dma_start3A_46, %dma_start3A_52] : memref<32x64xi32, #tpu.memory_space<vmem>> -> memref<1x64xi32, #tpu.memory_space<vmem>>
      %dma_start3A_54 = tpu.memref_squeeze %dma_start3A_53 : memref<1x64xi32, #tpu.memory_space<vmem>> -> memref<64xi32, #tpu.memory_space<vmem>>
      %dma_start3A_55 = arith.constant 0 : i32
      %dma_start3A_56 = arith.constant 0 : i32
      %dma_start3A_57 = tpu.memref_slice %arg2[%dma_start3A_55, %dma_start3A_56] : memref<100000x128xf32, #tpu.memory_space<hbm>> -> memref<100000x128xf32, #tpu.memory_space<hbm>>
      tpu.enqueue_indirect_dma source(%dma_start3A_57 : memref<100000x128xf32, #tpu.memory_space<hbm>>) target(%dma_start3A_51 : memref<64x128xf32, #tpu.memory_space<vmem>>) offsets(%dma_start3A_54 : memref<64xi32, #tpu.memory_space<vmem>>) semaphore(%arg13 : memref<!tpu.dma_semaphore, #tpu.memory_space<semaphore_mem>>)
      %dma_start3A_58 = arith.constant 1 : i32
      %dma_start3A_59 = arith.constant 1 : i32
      %dma_start3A_60 = arith.constant 0 : i32
      %dma_start3A_61 = arith.constant 0 : i32
      %dma_start3A_62 = tpu.memref_slice %arg9[%dma_start3A_59, %dma_start3A_60, %dma_start3A_61] : memref<4x64x128xf32, #tpu.memory_space<vmem>> -> memref<1x64x128xf32, #tpu.memory_space<vmem>>
      %dma_start3A_63 = tpu.memref_squeeze %dma_start3A_62 : memref<1x64x128xf32, #tpu.memory_space<vmem>> -> memref<64x128xf32, #tpu.memory_space<vmem>>
      %dma_start3A_64 = arith.constant 0 : i32
      %dma_start3A_65 = tpu.memref_slice %arg7[%dma_start3A_58, %dma_start3A_64] : memref<32x64xi32, #tpu.memory_space<vmem>> -> memref<1x64xi32, #tpu.memory_space<vmem>>
      %dma_start3A_66 = tpu.memref_squeeze %dma_start3A_65 : memref<1x64xi32, #tpu.memory_space<vmem>> -> memref<64xi32, #tpu.memory_space<vmem>>
      %dma_start3A_67 = arith.constant 0 : i32
      %dma_start3A_68 = arith.constant 0 : i32
      %dma_start3A_69 = tpu.memref_slice %arg2[%dma_start3A_67, %dma_start3A_68] : memref<100000x128xf32, #tpu.memory_space<hbm>> -> memref<100000x128xf32, #tpu.memory_space<hbm>>
      tpu.enqueue_indirect_dma source(%dma_start3A_69 : memref<100000x128xf32, #tpu.memory_space<hbm>>) target(%dma_start3A_63 : memref<64x128xf32, #tpu.memory_space<vmem>>) offsets(%dma_start3A_66 : memref<64xi32, #tpu.memory_space<vmem>>) semaphore(%arg14 : memref<!tpu.dma_semaphore, #tpu.memory_space<semaphore_mem>>)
      %dma_start3A_70 = arith.constant 2 : i32
      %dma_start3A_71 = arith.constant 2 : i32
      %dma_start3A_72 = arith.constant 0 : i32
      %dma_start3A_73 = arith.constant 0 : i32
      %dma_start3A_74 = tpu.memref_slice %arg9[%dma_start3A_71, %dma_start3A_72, %dma_start3A_73] : memref<4x64x128xf32, #tpu.memory_space<vmem>> -> memref<1x64x128xf32, #tpu.memory_space<vmem>>
      %dma_start3A_75 = tpu.memref_squeeze %dma_start3A_74 : memref<1x64x128xf32, #tpu.memory_space<vmem>> -> memref<64x128xf32, #tpu.memory_space<vmem>>
      %dma_start3A_76 = arith.constant 0 : i32
      %dma_start3A_77 = tpu.memref_slice %arg7[%dma_start3A_70, %dma_start3A_76] : memref<32x64xi32, #tpu.memory_space<vmem>> -> memref<1x64xi32, #tpu.memory_space<vmem>>
      %dma_start3A_78 = tpu.memref_squeeze %dma_start3A_77 : memref<1x64xi32, #tpu.memory_space<vmem>> -> memref<64xi32, #tpu.memory_space<vmem>>
      %dma_start3A_79 = arith.constant 0 : i32
      %dma_start3A_80 = arith.constant 0 : i32
      %dma_start3A_81 = tpu.memref_slice %arg2[%dma_start3A_79, %dma_start3A_80] : memref<100000x128xf32, #tpu.memory_space<hbm>> -> memref<100000x128xf32, #tpu.memory_space<hbm>>
      tpu.enqueue_indirect_dma source(%dma_start3A_81 : memref<100000x128xf32, #tpu.memory_space<hbm>>) target(%dma_start3A_75 : memref<64x128xf32, #tpu.memory_space<vmem>>) offsets(%dma_start3A_78 : memref<64xi32, #tpu.memory_space<vmem>>) semaphore(%arg15 : memref<!tpu.dma_semaphore, #tpu.memory_space<semaphore_mem>>)
      %dma_start3A_82 = arith.constant 3 : i32
      %dma_start3A_83 = arith.constant 3 : i32
      %dma_start3A_84 = arith.constant 0 : i32
      %dma_start3A_85 = arith.constant 0 : i32
      %dma_start3A_86 = tpu.memref_slice %arg9[%dma_start3A_83, %dma_start3A_84, %dma_start3A_85] : memref<4x64x128xf32, #tpu.memory_space<vmem>> -> memref<1x64x128xf32, #tpu.memory_space<vmem>>
      %dma_start3A_87 = tpu.memref_squeeze %dma_start3A_86 : memref<1x64x128xf32, #tpu.memory_space<vmem>> -> memref<64x128xf32, #tpu.memory_space<vmem>>
      %dma_start3A_88 = arith.constant 0 : i32
      %dma_start3A_89 = tpu.memref_slice %arg7[%dma_start3A_82, %dma_start3A_88] : memref<32x64xi32, #tpu.memory_space<vmem>> -> memref<1x64xi32, #tpu.memory_space<vmem>>
      %dma_start3A_90 = tpu.memref_squeeze %dma_start3A_89 : memref<1x64xi32, #tpu.memory_space<vmem>> -> memref<64xi32, #tpu.memory_space<vmem>>
      %dma_start3A_91 = arith.constant 0 : i32
      %dma_start3A_92 = arith.constant 0 : i32
      %dma_start3A_93 = tpu.memref_slice %arg2[%dma_start3A_91, %dma_start3A_92] : memref<100000x128xf32, #tpu.memory_space<hbm>> -> memref<100000x128xf32, #tpu.memory_space<hbm>>
      tpu.enqueue_indirect_dma source(%dma_start3A_93 : memref<100000x128xf32, #tpu.memory_space<hbm>>) target(%dma_start3A_87 : memref<64x128xf32, #tpu.memory_space<vmem>>) offsets(%dma_start3A_90 : memref<64xi32, #tpu.memory_space<vmem>>) semaphore(%arg16 : memref<!tpu.dma_semaphore, #tpu.memory_space<semaphore_mem>>)
      %dma_wait3A_94 = arith.constant 0 : i32
      %dma_wait3A_95 = arith.constant 0 : i32
      %dma_wait3A_96 = tpu.memref_slice %arg4[%add3A_23, %dma_wait3A_94, %dma_wait3A_95] : memref<160x32x64xi32, #tpu.memory_space<hbm>> -> memref<1x32x64xi32, #tpu.memory_space<hbm>>
      %dma_wait3A_97 = tpu.memref_squeeze %dma_wait3A_96 : memref<1x32x64xi32, #tpu.memory_space<hbm>> -> memref<32x64xi32, #tpu.memory_space<hbm>>
      %dma_wait3A_98 = arith.constant 0 : i32
      %dma_wait3A_99 = arith.constant 0 : i32
      %dma_wait3A_100 = tpu.memref_slice %arg4[%add3A_23, %dma_wait3A_98, %dma_wait3A_99] : memref<160x32x64xi32, #tpu.memory_space<hbm>> -> memref<1x32x64xi32, #tpu.memory_space<hbm>>
      %dma_wait3A_101 = tpu.memref_squeeze %dma_wait3A_100 : memref<1x32x64xi32, #tpu.memory_space<hbm>> -> memref<32x64xi32, #tpu.memory_space<hbm>>
      tpu.wait_dma2 semaphore(%arg12 : memref<!tpu.dma_semaphore, #tpu.memory_space<semaphore_mem>>) src(%dma_wait3A_101 : memref<32x64xi32, #tpu.memory_space<hbm>>) dst(%arg8 : memref<32x64xi32, #tpu.memory_space<vmem>>)
      %dma_wait3A_102 = arith.constant 0 : i32
      %dma_wait3A_103 = arith.constant 0 : i32
      %dma_wait3A_104 = arith.constant 0 : i32
      %dma_wait3A_105 = arith.constant 0 : i32
      %dma_wait3A_106 = tpu.memref_slice %arg9[%dma_wait3A_103, %dma_wait3A_104, %dma_wait3A_105] : memref<4x64x128xf32, #tpu.memory_space<vmem>> -> memref<1x64x128xf32, #tpu.memory_space<vmem>>
      %dma_wait3A_107 = tpu.memref_squeeze %dma_wait3A_106 : memref<1x64x128xf32, #tpu.memory_space<vmem>> -> memref<64x128xf32, #tpu.memory_space<vmem>>
      %dma_wait3A_108 = arith.constant 0 : i32
      %dma_wait3A_109 = tpu.memref_slice %arg7[%dma_wait3A_102, %dma_wait3A_108] : memref<32x64xi32, #tpu.memory_space<vmem>> -> memref<1x64xi32, #tpu.memory_space<vmem>>
      %dma_wait3A_110 = tpu.memref_squeeze %dma_wait3A_109 : memref<1x64xi32, #tpu.memory_space<vmem>> -> memref<64xi32, #tpu.memory_space<vmem>>
      %dma_wait3A_111 = arith.constant 0 : i32
      %dma_wait3A_112 = arith.constant 0 : i32
      %dma_wait3A_113 = tpu.memref_slice %arg2[%dma_wait3A_111, %dma_wait3A_112] : memref<100000x128xf32, #tpu.memory_space<hbm>> -> memref<100000x128xf32, #tpu.memory_space<hbm>>
      tpu.wait_indirect_dma semaphore(%arg13 : memref<!tpu.dma_semaphore, #tpu.memory_space<semaphore_mem>>) src(%dma_wait3A_113 : memref<100000x128xf32, #tpu.memory_space<hbm>>) dst(%dma_wait3A_107 : memref<64x128xf32, #tpu.memory_space<vmem>>)
      %run_scoped3A = arith.constant 0 : i32
      %run_scoped3A_114 = arith.constant 0 : i32
      "tpu.region"() ({
        %run_scoped3A_901 = tpu.sem_alloc : memref<!tpu.dma_semaphore, #tpu.memory_space<semaphore_mem>>
        %dma_start3A_902 = arith.constant 0 : i32
        %dma_start3A_903 = arith.constant 0 : i32
        %dma_start3A_904 = tpu.memref_slice %arg9[%run_scoped3A, %dma_start3A_902, %dma_start3A_903] : memref<4x64x128xf32, #tpu.memory_space<vmem>> -> memref<1x64x128xf32, #tpu.memory_space<vmem>>
        %dma_start3A_905 = tpu.memref_squeeze %dma_start3A_904 : memref<1x64x128xf32, #tpu.memory_space<vmem>> -> memref<64x128xf32, #tpu.memory_space<vmem>>
        %dma_start3A_906 = arith.constant 0 : i32
        %dma_start3A_907 = tpu.memref_slice %arg8[%run_scoped3A_114, %dma_start3A_906] : memref<32x64xi32, #tpu.memory_space<vmem>> -> memref<1x64xi32, #tpu.memory_space<vmem>>
        %dma_start3A_908 = tpu.memref_squeeze %dma_start3A_907 : memref<1x64xi32, #tpu.memory_space<vmem>> -> memref<64xi32, #tpu.memory_space<vmem>>
        %dma_start3A_909 = arith.constant 0 : i32
        %dma_start3A_910 = arith.constant 0 : i32
        %dma_start3A_911 = tpu.memref_slice %arg10[%dma_start3A_909, %dma_start3A_910] : memref<10240x128xf32, #tpu.memory_space<vmem_shared>> -> memref<10240x128xf32, #tpu.memory_space<vmem_shared>>
        tpu.enqueue_indirect_dma source(%dma_start3A_905 : memref<64x128xf32, #tpu.memory_space<vmem>>) target(%dma_start3A_911 : memref<10240x128xf32, #tpu.memory_space<vmem_shared>>) offsets(%dma_start3A_908 : memref<64xi32, #tpu.memory_space<vmem>>) semaphore(%run_scoped3A_901 : memref<!tpu.dma_semaphore, #tpu.memory_space<semaphore_mem>>) {add = true}
        %dma_wait3A_912 = arith.constant 0 : i32
        %dma_wait3A_913 = arith.constant 0 : i32
        %dma_wait3A_914 = tpu.memref_slice %arg9[%run_scoped3A, %dma_wait3A_912, %dma_wait3A_913] : memref<4x64x128xf32, #tpu.memory_space<vmem>> -> memref<1x64x128xf32, #tpu.memory_space<vmem>>
        %dma_wait3A_915 = tpu.memref_squeeze %dma_wait3A_914 : memref<1x64x128xf32, #tpu.memory_space<vmem>> -> memref<64x128xf32, #tpu.memory_space<vmem>>
        %dma_wait3A_916 = arith.constant 0 : i32
        %dma_wait3A_917 = tpu.memref_slice %arg8[%run_scoped3A_114, %dma_wait3A_916] : memref<32x64xi32, #tpu.memory_space<vmem>> -> memref<1x64xi32, #tpu.memory_space<vmem>>
        %dma_wait3A_918 = tpu.memref_squeeze %dma_wait3A_917 : memref<1x64xi32, #tpu.memory_space<vmem>> -> memref<64xi32, #tpu.memory_space<vmem>>
        %dma_wait3A_919 = arith.constant 0 : i32
        %dma_wait3A_920 = arith.constant 0 : i32
        %dma_wait3A_921 = tpu.memref_slice %arg10[%dma_wait3A_919, %dma_wait3A_920] : memref<10240x128xf32, #tpu.memory_space<vmem_shared>> -> memref<10240x128xf32, #tpu.memory_space<vmem_shared>>
        tpu.wait_indirect_dma semaphore(%run_scoped3A_901 : memref<!tpu.dma_semaphore, #tpu.memory_space<semaphore_mem>>) src(%dma_wait3A_915 : memref<64x128xf32, #tpu.memory_space<vmem>>) dst(%dma_wait3A_921 : memref<10240x128xf32, #tpu.memory_space<vmem_shared>>)
        tpu.yield
      }) : () -> ()
      %dma_start3A_115 = arith.constant 4 : i32
      %dma_start3A_116 = arith.constant 0 : i32
      %dma_start3A_117 = arith.constant 0 : i32
      %dma_start3A_118 = arith.constant 0 : i32
      %dma_start3A_119 = tpu.memref_slice %arg9[%dma_start3A_116, %dma_start3A_117, %dma_start3A_118] : memref<4x64x128xf32, #tpu.memory_space<vmem>> -> memref<1x64x128xf32, #tpu.memory_space<vmem>>
      %dma_start3A_120 = tpu.memref_squeeze %dma_start3A_119 : memref<1x64x128xf32, #tpu.memory_space<vmem>> -> memref<64x128xf32, #tpu.memory_space<vmem>>
      %dma_start3A_121 = arith.constant 0 : i32
      %dma_start3A_122 = tpu.memref_slice %arg7[%dma_start3A_115, %dma_start3A_121] : memref<32x64xi32, #tpu.memory_space<vmem>> -> memref<1x64xi32, #tpu.memory_space<vmem>>
      %dma_start3A_123 = tpu.memref_squeeze %dma_start3A_122 : memref<1x64xi32, #tpu.memory_space<vmem>> -> memref<64xi32, #tpu.memory_space<vmem>>
      %dma_start3A_124 = arith.constant 0 : i32
      %dma_start3A_125 = arith.constant 0 : i32
      %dma_start3A_126 = tpu.memref_slice %arg2[%dma_start3A_124, %dma_start3A_125] : memref<100000x128xf32, #tpu.memory_space<hbm>> -> memref<100000x128xf32, #tpu.memory_space<hbm>>
      tpu.enqueue_indirect_dma source(%dma_start3A_126 : memref<100000x128xf32, #tpu.memory_space<hbm>>) target(%dma_start3A_120 : memref<64x128xf32, #tpu.memory_space<vmem>>) offsets(%dma_start3A_123 : memref<64xi32, #tpu.memory_space<vmem>>) semaphore(%arg13 : memref<!tpu.dma_semaphore, #tpu.memory_space<semaphore_mem>>)
      %dma_wait3A_127 = arith.constant 1 : i32
      %dma_wait3A_128 = arith.constant 1 : i32
      %dma_wait3A_129 = arith.constant 0 : i32
      %dma_wait3A_130 = arith.constant 0 : i32
      %dma_wait3A_131 = tpu.memref_slice %arg9[%dma_wait3A_128, %dma_wait3A_129, %dma_wait3A_130] : memref<4x64x128xf32, #tpu.memory_space<vmem>> -> memref<1x64x128xf32, #tpu.memory_space<vmem>>
      %dma_wait3A_132 = tpu.memref_squeeze %dma_wait3A_131 : memref<1x64x128xf32, #tpu.memory_space<vmem>> -> memref<64x128xf32, #tpu.memory_space<vmem>>
      %dma_wait3A_133 = arith.constant 0 : i32
      %dma_wait3A_134 = tpu.memref_slice %arg7[%dma_wait3A_127, %dma_wait3A_133] : memref<32x64xi32, #tpu.memory_space<vmem>> -> memref<1x64xi32, #tpu.memory_space<vmem>>
      %dma_wait3A_135 = tpu.memref_squeeze %dma_wait3A_134 : memref<1x64xi32, #tpu.memory_space<vmem>> -> memref<64xi32, #tpu.memory_space<vmem>>
      %dma_wait3A_136 = arith.constant 0 : i32
      %dma_wait3A_137 = arith.constant 0 : i32
      %dma_wait3A_138 = tpu.memref_slice %arg2[%dma_wait3A_136, %dma_wait3A_137] : memref<100000x128xf32, #tpu.memory_space<hbm>> -> memref<100000x128xf32, #tpu.memory_space<hbm>>
      tpu.wait_indirect_dma semaphore(%arg14 : memref<!tpu.dma_semaphore, #tpu.memory_space<semaphore_mem>>) src(%dma_wait3A_138 : memref<100000x128xf32, #tpu.memory_space<hbm>>) dst(%dma_wait3A_132 : memref<64x128xf32, #tpu.memory_space<vmem>>)
      %run_scoped3A_139 = arith.constant 1 : i32
      %run_scoped3A_140 = arith.constant 1 : i32
      "tpu.region"() ({
        %run_scoped3A_901 = tpu.sem_alloc : memref<!tpu.dma_semaphore, #tpu.memory_space<semaphore_mem>>
        %dma_start3A_902 = arith.constant 0 : i32
        %dma_start3A_903 = arith.constant 0 : i32
        %dma_start3A_904 = tpu.memref_slice %arg9[%run_scoped3A_139, %dma_start3A_902, %dma_start3A_903] : memref<4x64x128xf32, #tpu.memory_space<vmem>> -> memref<1x64x128xf32, #tpu.memory_space<vmem>>
        %dma_start3A_905 = tpu.memref_squeeze %dma_start3A_904 : memref<1x64x128xf32, #tpu.memory_space<vmem>> -> memref<64x128xf32, #tpu.memory_space<vmem>>
        %dma_start3A_906 = arith.constant 0 : i32
        %dma_start3A_907 = tpu.memref_slice %arg8[%run_scoped3A_140, %dma_start3A_906] : memref<32x64xi32, #tpu.memory_space<vmem>> -> memref<1x64xi32, #tpu.memory_space<vmem>>
        %dma_start3A_908 = tpu.memref_squeeze %dma_start3A_907 : memref<1x64xi32, #tpu.memory_space<vmem>> -> memref<64xi32, #tpu.memory_space<vmem>>
        %dma_start3A_909 = arith.constant 0 : i32
        %dma_start3A_910 = arith.constant 0 : i32
        %dma_start3A_911 = tpu.memref_slice %arg10[%dma_start3A_909, %dma_start3A_910] : memref<10240x128xf32, #tpu.memory_space<vmem_shared>> -> memref<10240x128xf32, #tpu.memory_space<vmem_shared>>
        tpu.enqueue_indirect_dma source(%dma_start3A_905 : memref<64x128xf32, #tpu.memory_space<vmem>>) target(%dma_start3A_911 : memref<10240x128xf32, #tpu.memory_space<vmem_shared>>) offsets(%dma_start3A_908 : memref<64xi32, #tpu.memory_space<vmem>>) semaphore(%run_scoped3A_901 : memref<!tpu.dma_semaphore, #tpu.memory_space<semaphore_mem>>) {add = true}
        %dma_wait3A_912 = arith.constant 0 : i32
        %dma_wait3A_913 = arith.constant 0 : i32
        %dma_wait3A_914 = tpu.memref_slice %arg9[%run_scoped3A_139, %dma_wait3A_912, %dma_wait3A_913] : memref<4x64x128xf32, #tpu.memory_space<vmem>> -> memref<1x64x128xf32, #tpu.memory_space<vmem>>
        %dma_wait3A_915 = tpu.memref_squeeze %dma_wait3A_914 : memref<1x64x128xf32, #tpu.memory_space<vmem>> -> memref<64x128xf32, #tpu.memory_space<vmem>>
        %dma_wait3A_916 = arith.constant 0 : i32
        %dma_wait3A_917 = tpu.memref_slice %arg8[%run_scoped3A_140, %dma_wait3A_916] : memref<32x64xi32, #tpu.memory_space<vmem>> -> memref<1x64xi32, #tpu.memory_space<vmem>>
        %dma_wait3A_918 = tpu.memref_squeeze %dma_wait3A_917 : memref<1x64xi32, #tpu.memory_space<vmem>> -> memref<64xi32, #tpu.memory_space<vmem>>
        %dma_wait3A_919 = arith.constant 0 : i32
        %dma_wait3A_920 = arith.constant 0 : i32
        %dma_wait3A_921 = tpu.memref_slice %arg10[%dma_wait3A_919, %dma_wait3A_920] : memref<10240x128xf32, #tpu.memory_space<vmem_shared>> -> memref<10240x128xf32, #tpu.memory_space<vmem_shared>>
        tpu.wait_indirect_dma semaphore(%run_scoped3A_901 : memref<!tpu.dma_semaphore, #tpu.memory_space<semaphore_mem>>) src(%dma_wait3A_915 : memref<64x128xf32, #tpu.memory_space<vmem>>) dst(%dma_wait3A_921 : memref<10240x128xf32, #tpu.memory_space<vmem_shared>>)
        tpu.yield
      }) : () -> ()
      %dma_start3A_141 = arith.constant 5 : i32
      %dma_start3A_142 = arith.constant 1 : i32
      %dma_start3A_143 = arith.constant 0 : i32
      %dma_start3A_144 = arith.constant 0 : i32
      %dma_start3A_145 = tpu.memref_slice %arg9[%dma_start3A_142, %dma_start3A_143, %dma_start3A_144] : memref<4x64x128xf32, #tpu.memory_space<vmem>> -> memref<1x64x128xf32, #tpu.memory_space<vmem>>
      %dma_start3A_146 = tpu.memref_squeeze %dma_start3A_145 : memref<1x64x128xf32, #tpu.memory_space<vmem>> -> memref<64x128xf32, #tpu.memory_space<vmem>>
      %dma_start3A_147 = arith.constant 0 : i32
      %dma_start3A_148 = tpu.memref_slice %arg7[%dma_start3A_141, %dma_start3A_147] : memref<32x64xi32, #tpu.memory_space<vmem>> -> memref<1x64xi32, #tpu.memory_space<vmem>>
      %dma_start3A_149 = tpu.memref_squeeze %dma_start3A_148 : memref<1x64xi32, #tpu.memory_space<vmem>> -> memref<64xi32, #tpu.memory_space<vmem>>
      %dma_start3A_150 = arith.constant 0 : i32
      %dma_start3A_151 = arith.constant 0 : i32
      %dma_start3A_152 = tpu.memref_slice %arg2[%dma_start3A_150, %dma_start3A_151] : memref<100000x128xf32, #tpu.memory_space<hbm>> -> memref<100000x128xf32, #tpu.memory_space<hbm>>
      tpu.enqueue_indirect_dma source(%dma_start3A_152 : memref<100000x128xf32, #tpu.memory_space<hbm>>) target(%dma_start3A_146 : memref<64x128xf32, #tpu.memory_space<vmem>>) offsets(%dma_start3A_149 : memref<64xi32, #tpu.memory_space<vmem>>) semaphore(%arg14 : memref<!tpu.dma_semaphore, #tpu.memory_space<semaphore_mem>>)
      %dma_wait3A_153 = arith.constant 2 : i32
      %dma_wait3A_154 = arith.constant 2 : i32
      %dma_wait3A_155 = arith.constant 0 : i32
      %dma_wait3A_156 = arith.constant 0 : i32
      %dma_wait3A_157 = tpu.memref_slice %arg9[%dma_wait3A_154, %dma_wait3A_155, %dma_wait3A_156] : memref<4x64x128xf32, #tpu.memory_space<vmem>> -> memref<1x64x128xf32, #tpu.memory_space<vmem>>
      %dma_wait3A_158 = tpu.memref_squeeze %dma_wait3A_157 : memref<1x64x128xf32, #tpu.memory_space<vmem>> -> memref<64x128xf32, #tpu.memory_space<vmem>>
      %dma_wait3A_159 = arith.constant 0 : i32
      %dma_wait3A_160 = tpu.memref_slice %arg7[%dma_wait3A_153, %dma_wait3A_159] : memref<32x64xi32, #tpu.memory_space<vmem>> -> memref<1x64xi32, #tpu.memory_space<vmem>>
      %dma_wait3A_161 = tpu.memref_squeeze %dma_wait3A_160 : memref<1x64xi32, #tpu.memory_space<vmem>> -> memref<64xi32, #tpu.memory_space<vmem>>
      %dma_wait3A_162 = arith.constant 0 : i32
      %dma_wait3A_163 = arith.constant 0 : i32
      %dma_wait3A_164 = tpu.memref_slice %arg2[%dma_wait3A_162, %dma_wait3A_163] : memref<100000x128xf32, #tpu.memory_space<hbm>> -> memref<100000x128xf32, #tpu.memory_space<hbm>>
      tpu.wait_indirect_dma semaphore(%arg15 : memref<!tpu.dma_semaphore, #tpu.memory_space<semaphore_mem>>) src(%dma_wait3A_164 : memref<100000x128xf32, #tpu.memory_space<hbm>>) dst(%dma_wait3A_158 : memref<64x128xf32, #tpu.memory_space<vmem>>)
      %run_scoped3A_165 = arith.constant 2 : i32
      %run_scoped3A_166 = arith.constant 2 : i32
      "tpu.region"() ({
        %run_scoped3A_901 = tpu.sem_alloc : memref<!tpu.dma_semaphore, #tpu.memory_space<semaphore_mem>>
        %dma_start3A_902 = arith.constant 0 : i32
        %dma_start3A_903 = arith.constant 0 : i32
        %dma_start3A_904 = tpu.memref_slice %arg9[%run_scoped3A_165, %dma_start3A_902, %dma_start3A_903] : memref<4x64x128xf32, #tpu.memory_space<vmem>> -> memref<1x64x128xf32, #tpu.memory_space<vmem>>
        %dma_start3A_905 = tpu.memref_squeeze %dma_start3A_904 : memref<1x64x128xf32, #tpu.memory_space<vmem>> -> memref<64x128xf32, #tpu.memory_space<vmem>>
        %dma_start3A_906 = arith.constant 0 : i32
        %dma_start3A_907 = tpu.memref_slice %arg8[%run_scoped3A_166, %dma_start3A_906] : memref<32x64xi32, #tpu.memory_space<vmem>> -> memref<1x64xi32, #tpu.memory_space<vmem>>
        %dma_start3A_908 = tpu.memref_squeeze %dma_start3A_907 : memref<1x64xi32, #tpu.memory_space<vmem>> -> memref<64xi32, #tpu.memory_space<vmem>>
        %dma_start3A_909 = arith.constant 0 : i32
        %dma_start3A_910 = arith.constant 0 : i32
        %dma_start3A_911 = tpu.memref_slice %arg10[%dma_start3A_909, %dma_start3A_910] : memref<10240x128xf32, #tpu.memory_space<vmem_shared>> -> memref<10240x128xf32, #tpu.memory_space<vmem_shared>>
        tpu.enqueue_indirect_dma source(%dma_start3A_905 : memref<64x128xf32, #tpu.memory_space<vmem>>) target(%dma_start3A_911 : memref<10240x128xf32, #tpu.memory_space<vmem_shared>>) offsets(%dma_start3A_908 : memref<64xi32, #tpu.memory_space<vmem>>) semaphore(%run_scoped3A_901 : memref<!tpu.dma_semaphore, #tpu.memory_space<semaphore_mem>>) {add = true}
        %dma_wait3A_912 = arith.constant 0 : i32
        %dma_wait3A_913 = arith.constant 0 : i32
        %dma_wait3A_914 = tpu.memref_slice %arg9[%run_scoped3A_165, %dma_wait3A_912, %dma_wait3A_913] : memref<4x64x128xf32, #tpu.memory_space<vmem>> -> memref<1x64x128xf32, #tpu.memory_space<vmem>>
        %dma_wait3A_915 = tpu.memref_squeeze %dma_wait3A_914 : memref<1x64x128xf32, #tpu.memory_space<vmem>> -> memref<64x128xf32, #tpu.memory_space<vmem>>
        %dma_wait3A_916 = arith.constant 0 : i32
        %dma_wait3A_917 = tpu.memref_slice %arg8[%run_scoped3A_166, %dma_wait3A_916] : memref<32x64xi32, #tpu.memory_space<vmem>> -> memref<1x64xi32, #tpu.memory_space<vmem>>
        %dma_wait3A_918 = tpu.memref_squeeze %dma_wait3A_917 : memref<1x64xi32, #tpu.memory_space<vmem>> -> memref<64xi32, #tpu.memory_space<vmem>>
        %dma_wait3A_919 = arith.constant 0 : i32
        %dma_wait3A_920 = arith.constant 0 : i32
        %dma_wait3A_921 = tpu.memref_slice %arg10[%dma_wait3A_919, %dma_wait3A_920] : memref<10240x128xf32, #tpu.memory_space<vmem_shared>> -> memref<10240x128xf32, #tpu.memory_space<vmem_shared>>
        tpu.wait_indirect_dma semaphore(%run_scoped3A_901 : memref<!tpu.dma_semaphore, #tpu.memory_space<semaphore_mem>>) src(%dma_wait3A_915 : memref<64x128xf32, #tpu.memory_space<vmem>>) dst(%dma_wait3A_921 : memref<10240x128xf32, #tpu.memory_space<vmem_shared>>)
        tpu.yield
      }) : () -> ()
      %dma_start3A_167 = arith.constant 6 : i32
      %dma_start3A_168 = arith.constant 2 : i32
      %dma_start3A_169 = arith.constant 0 : i32
      %dma_start3A_170 = arith.constant 0 : i32
      %dma_start3A_171 = tpu.memref_slice %arg9[%dma_start3A_168, %dma_start3A_169, %dma_start3A_170] : memref<4x64x128xf32, #tpu.memory_space<vmem>> -> memref<1x64x128xf32, #tpu.memory_space<vmem>>
      %dma_start3A_172 = tpu.memref_squeeze %dma_start3A_171 : memref<1x64x128xf32, #tpu.memory_space<vmem>> -> memref<64x128xf32, #tpu.memory_space<vmem>>
      %dma_start3A_173 = arith.constant 0 : i32
      %dma_start3A_174 = tpu.memref_slice %arg7[%dma_start3A_167, %dma_start3A_173] : memref<32x64xi32, #tpu.memory_space<vmem>> -> memref<1x64xi32, #tpu.memory_space<vmem>>
      %dma_start3A_175 = tpu.memref_squeeze %dma_start3A_174 : memref<1x64xi32, #tpu.memory_space<vmem>> -> memref<64xi32, #tpu.memory_space<vmem>>
      %dma_start3A_176 = arith.constant 0 : i32
      %dma_start3A_177 = arith.constant 0 : i32
      %dma_start3A_178 = tpu.memref_slice %arg2[%dma_start3A_176, %dma_start3A_177] : memref<100000x128xf32, #tpu.memory_space<hbm>> -> memref<100000x128xf32, #tpu.memory_space<hbm>>
      tpu.enqueue_indirect_dma source(%dma_start3A_178 : memref<100000x128xf32, #tpu.memory_space<hbm>>) target(%dma_start3A_172 : memref<64x128xf32, #tpu.memory_space<vmem>>) offsets(%dma_start3A_175 : memref<64xi32, #tpu.memory_space<vmem>>) semaphore(%arg15 : memref<!tpu.dma_semaphore, #tpu.memory_space<semaphore_mem>>)
      %dma_wait3A_179 = arith.constant 3 : i32
      %dma_wait3A_180 = arith.constant 3 : i32
      %dma_wait3A_181 = arith.constant 0 : i32
      %dma_wait3A_182 = arith.constant 0 : i32
      %dma_wait3A_183 = tpu.memref_slice %arg9[%dma_wait3A_180, %dma_wait3A_181, %dma_wait3A_182] : memref<4x64x128xf32, #tpu.memory_space<vmem>> -> memref<1x64x128xf32, #tpu.memory_space<vmem>>
      %dma_wait3A_184 = tpu.memref_squeeze %dma_wait3A_183 : memref<1x64x128xf32, #tpu.memory_space<vmem>> -> memref<64x128xf32, #tpu.memory_space<vmem>>
      %dma_wait3A_185 = arith.constant 0 : i32
      %dma_wait3A_186 = tpu.memref_slice %arg7[%dma_wait3A_179, %dma_wait3A_185] : memref<32x64xi32, #tpu.memory_space<vmem>> -> memref<1x64xi32, #tpu.memory_space<vmem>>
      %dma_wait3A_187 = tpu.memref_squeeze %dma_wait3A_186 : memref<1x64xi32, #tpu.memory_space<vmem>> -> memref<64xi32, #tpu.memory_space<vmem>>
      %dma_wait3A_188 = arith.constant 0 : i32
      %dma_wait3A_189 = arith.constant 0 : i32
      %dma_wait3A_190 = tpu.memref_slice %arg2[%dma_wait3A_188, %dma_wait3A_189] : memref<100000x128xf32, #tpu.memory_space<hbm>> -> memref<100000x128xf32, #tpu.memory_space<hbm>>
      tpu.wait_indirect_dma semaphore(%arg16 : memref<!tpu.dma_semaphore, #tpu.memory_space<semaphore_mem>>) src(%dma_wait3A_190 : memref<100000x128xf32, #tpu.memory_space<hbm>>) dst(%dma_wait3A_184 : memref<64x128xf32, #tpu.memory_space<vmem>>)
      %run_scoped3A_191 = arith.constant 3 : i32
      %run_scoped3A_192 = arith.constant 3 : i32
      "tpu.region"() ({
        %run_scoped3A_901 = tpu.sem_alloc : memref<!tpu.dma_semaphore, #tpu.memory_space<semaphore_mem>>
        %dma_start3A_902 = arith.constant 0 : i32
        %dma_start3A_903 = arith.constant 0 : i32
        %dma_start3A_904 = tpu.memref_slice %arg9[%run_scoped3A_191, %dma_start3A_902, %dma_start3A_903] : memref<4x64x128xf32, #tpu.memory_space<vmem>> -> memref<1x64x128xf32, #tpu.memory_space<vmem>>
        %dma_start3A_905 = tpu.memref_squeeze %dma_start3A_904 : memref<1x64x128xf32, #tpu.memory_space<vmem>> -> memref<64x128xf32, #tpu.memory_space<vmem>>
        %dma_start3A_906 = arith.constant 0 : i32
        %dma_start3A_907 = tpu.memref_slice %arg8[%run_scoped3A_192, %dma_start3A_906] : memref<32x64xi32, #tpu.memory_space<vmem>> -> memref<1x64xi32, #tpu.memory_space<vmem>>
        %dma_start3A_908 = tpu.memref_squeeze %dma_start3A_907 : memref<1x64xi32, #tpu.memory_space<vmem>> -> memref<64xi32, #tpu.memory_space<vmem>>
        %dma_start3A_909 = arith.constant 0 : i32
        %dma_start3A_910 = arith.constant 0 : i32
        %dma_start3A_911 = tpu.memref_slice %arg10[%dma_start3A_909, %dma_start3A_910] : memref<10240x128xf32, #tpu.memory_space<vmem_shared>> -> memref<10240x128xf32, #tpu.memory_space<vmem_shared>>
        tpu.enqueue_indirect_dma source(%dma_start3A_905 : memref<64x128xf32, #tpu.memory_space<vmem>>) target(%dma_start3A_911 : memref<10240x128xf32, #tpu.memory_space<vmem_shared>>) offsets(%dma_start3A_908 : memref<64xi32, #tpu.memory_space<vmem>>) semaphore(%run_scoped3A_901 : memref<!tpu.dma_semaphore, #tpu.memory_space<semaphore_mem>>) {add = true}
        %dma_wait3A_912 = arith.constant 0 : i32
        %dma_wait3A_913 = arith.constant 0 : i32
        %dma_wait3A_914 = tpu.memref_slice %arg9[%run_scoped3A_191, %dma_wait3A_912, %dma_wait3A_913] : memref<4x64x128xf32, #tpu.memory_space<vmem>> -> memref<1x64x128xf32, #tpu.memory_space<vmem>>
        %dma_wait3A_915 = tpu.memref_squeeze %dma_wait3A_914 : memref<1x64x128xf32, #tpu.memory_space<vmem>> -> memref<64x128xf32, #tpu.memory_space<vmem>>
        %dma_wait3A_916 = arith.constant 0 : i32
        %dma_wait3A_917 = tpu.memref_slice %arg8[%run_scoped3A_192, %dma_wait3A_916] : memref<32x64xi32, #tpu.memory_space<vmem>> -> memref<1x64xi32, #tpu.memory_space<vmem>>
        %dma_wait3A_918 = tpu.memref_squeeze %dma_wait3A_917 : memref<1x64xi32, #tpu.memory_space<vmem>> -> memref<64xi32, #tpu.memory_space<vmem>>
        %dma_wait3A_919 = arith.constant 0 : i32
        %dma_wait3A_920 = arith.constant 0 : i32
        %dma_wait3A_921 = tpu.memref_slice %arg10[%dma_wait3A_919, %dma_wait3A_920] : memref<10240x128xf32, #tpu.memory_space<vmem_shared>> -> memref<10240x128xf32, #tpu.memory_space<vmem_shared>>
        tpu.wait_indirect_dma semaphore(%run_scoped3A_901 : memref<!tpu.dma_semaphore, #tpu.memory_space<semaphore_mem>>) src(%dma_wait3A_915 : memref<64x128xf32, #tpu.memory_space<vmem>>) dst(%dma_wait3A_921 : memref<10240x128xf32, #tpu.memory_space<vmem_shared>>)
        tpu.yield
      }) : () -> ()
      %dma_start3A_193 = arith.constant 7 : i32
      %dma_start3A_194 = arith.constant 3 : i32
      %dma_start3A_195 = arith.constant 0 : i32
      %dma_start3A_196 = arith.constant 0 : i32
      %dma_start3A_197 = tpu.memref_slice %arg9[%dma_start3A_194, %dma_start3A_195, %dma_start3A_196] : memref<4x64x128xf32, #tpu.memory_space<vmem>> -> memref<1x64x128xf32, #tpu.memory_space<vmem>>
      %dma_start3A_198 = tpu.memref_squeeze %dma_start3A_197 : memref<1x64x128xf32, #tpu.memory_space<vmem>> -> memref<64x128xf32, #tpu.memory_space<vmem>>
      %dma_start3A_199 = arith.constant 0 : i32
      %dma_start3A_200 = tpu.memref_slice %arg7[%dma_start3A_193, %dma_start3A_199] : memref<32x64xi32, #tpu.memory_space<vmem>> -> memref<1x64xi32, #tpu.memory_space<vmem>>
      %dma_start3A_201 = tpu.memref_squeeze %dma_start3A_200 : memref<1x64xi32, #tpu.memory_space<vmem>> -> memref<64xi32, #tpu.memory_space<vmem>>
      %dma_start3A_202 = arith.constant 0 : i32
      %dma_start3A_203 = arith.constant 0 : i32
      %dma_start3A_204 = tpu.memref_slice %arg2[%dma_start3A_202, %dma_start3A_203] : memref<100000x128xf32, #tpu.memory_space<hbm>> -> memref<100000x128xf32, #tpu.memory_space<hbm>>
      tpu.enqueue_indirect_dma source(%dma_start3A_204 : memref<100000x128xf32, #tpu.memory_space<hbm>>) target(%dma_start3A_198 : memref<64x128xf32, #tpu.memory_space<vmem>>) offsets(%dma_start3A_201 : memref<64xi32, #tpu.memory_space<vmem>>) semaphore(%arg16 : memref<!tpu.dma_semaphore, #tpu.memory_space<semaphore_mem>>)
      %dma_wait3A_205 = arith.constant 4 : i32
      %dma_wait3A_206 = arith.constant 0 : i32
      %dma_wait3A_207 = arith.constant 0 : i32
      %dma_wait3A_208 = arith.constant 0 : i32
      %dma_wait3A_209 = tpu.memref_slice %arg9[%dma_wait3A_206, %dma_wait3A_207, %dma_wait3A_208] : memref<4x64x128xf32, #tpu.memory_space<vmem>> -> memref<1x64x128xf32, #tpu.memory_space<vmem>>
      %dma_wait3A_210 = tpu.memref_squeeze %dma_wait3A_209 : memref<1x64x128xf32, #tpu.memory_space<vmem>> -> memref<64x128xf32, #tpu.memory_space<vmem>>
      %dma_wait3A_211 = arith.constant 0 : i32
      %dma_wait3A_212 = tpu.memref_slice %arg7[%dma_wait3A_205, %dma_wait3A_211] : memref<32x64xi32, #tpu.memory_space<vmem>> -> memref<1x64xi32, #tpu.memory_space<vmem>>
      %dma_wait3A_213 = tpu.memref_squeeze %dma_wait3A_212 : memref<1x64xi32, #tpu.memory_space<vmem>> -> memref<64xi32, #tpu.memory_space<vmem>>
      %dma_wait3A_214 = arith.constant 0 : i32
      %dma_wait3A_215 = arith.constant 0 : i32
      %dma_wait3A_216 = tpu.memref_slice %arg2[%dma_wait3A_214, %dma_wait3A_215] : memref<100000x128xf32, #tpu.memory_space<hbm>> -> memref<100000x128xf32, #tpu.memory_space<hbm>>
      tpu.wait_indirect_dma semaphore(%arg13 : memref<!tpu.dma_semaphore, #tpu.memory_space<semaphore_mem>>) src(%dma_wait3A_216 : memref<100000x128xf32, #tpu.memory_space<hbm>>) dst(%dma_wait3A_210 : memref<64x128xf32, #tpu.memory_space<vmem>>)
      %run_scoped3A_217 = arith.constant 0 : i32
      %run_scoped3A_218 = arith.constant 4 : i32
      "tpu.region"() ({
        %run_scoped3A_901 = tpu.sem_alloc : memref<!tpu.dma_semaphore, #tpu.memory_space<semaphore_mem>>
        %dma_start3A_902 = arith.constant 0 : i32
        %dma_start3A_903 = arith.constant 0 : i32
        %dma_start3A_904 = tpu.memref_slice %arg9[%run_scoped3A_217, %dma_start3A_902, %dma_start3A_903] : memref<4x64x128xf32, #tpu.memory_space<vmem>> -> memref<1x64x128xf32, #tpu.memory_space<vmem>>
        %dma_start3A_905 = tpu.memref_squeeze %dma_start3A_904 : memref<1x64x128xf32, #tpu.memory_space<vmem>> -> memref<64x128xf32, #tpu.memory_space<vmem>>
        %dma_start3A_906 = arith.constant 0 : i32
        %dma_start3A_907 = tpu.memref_slice %arg8[%run_scoped3A_218, %dma_start3A_906] : memref<32x64xi32, #tpu.memory_space<vmem>> -> memref<1x64xi32, #tpu.memory_space<vmem>>
        %dma_start3A_908 = tpu.memref_squeeze %dma_start3A_907 : memref<1x64xi32, #tpu.memory_space<vmem>> -> memref<64xi32, #tpu.memory_space<vmem>>
        %dma_start3A_909 = arith.constant 0 : i32
        %dma_start3A_910 = arith.constant 0 : i32
        %dma_start3A_911 = tpu.memref_slice %arg10[%dma_start3A_909, %dma_start3A_910] : memref<10240x128xf32, #tpu.memory_space<vmem_shared>> -> memref<10240x128xf32, #tpu.memory_space<vmem_shared>>
        tpu.enqueue_indirect_dma source(%dma_start3A_905 : memref<64x128xf32, #tpu.memory_space<vmem>>) target(%dma_start3A_911 : memref<10240x128xf32, #tpu.memory_space<vmem_shared>>) offsets(%dma_start3A_908 : memref<64xi32, #tpu.memory_space<vmem>>) semaphore(%run_scoped3A_901 : memref<!tpu.dma_semaphore, #tpu.memory_space<semaphore_mem>>) {add = true}
        %dma_wait3A_912 = arith.constant 0 : i32
        %dma_wait3A_913 = arith.constant 0 : i32
        %dma_wait3A_914 = tpu.memref_slice %arg9[%run_scoped3A_217, %dma_wait3A_912, %dma_wait3A_913] : memref<4x64x128xf32, #tpu.memory_space<vmem>> -> memref<1x64x128xf32, #tpu.memory_space<vmem>>
        %dma_wait3A_915 = tpu.memref_squeeze %dma_wait3A_914 : memref<1x64x128xf32, #tpu.memory_space<vmem>> -> memref<64x128xf32, #tpu.memory_space<vmem>>
        %dma_wait3A_916 = arith.constant 0 : i32
        %dma_wait3A_917 = tpu.memref_slice %arg8[%run_scoped3A_218, %dma_wait3A_916] : memref<32x64xi32, #tpu.memory_space<vmem>> -> memref<1x64xi32, #tpu.memory_space<vmem>>
        %dma_wait3A_918 = tpu.memref_squeeze %dma_wait3A_917 : memref<1x64xi32, #tpu.memory_space<vmem>> -> memref<64xi32, #tpu.memory_space<vmem>>
        %dma_wait3A_919 = arith.constant 0 : i32
        %dma_wait3A_920 = arith.constant 0 : i32
        %dma_wait3A_921 = tpu.memref_slice %arg10[%dma_wait3A_919, %dma_wait3A_920] : memref<10240x128xf32, #tpu.memory_space<vmem_shared>> -> memref<10240x128xf32, #tpu.memory_space<vmem_shared>>
        tpu.wait_indirect_dma semaphore(%run_scoped3A_901 : memref<!tpu.dma_semaphore, #tpu.memory_space<semaphore_mem>>) src(%dma_wait3A_915 : memref<64x128xf32, #tpu.memory_space<vmem>>) dst(%dma_wait3A_921 : memref<10240x128xf32, #tpu.memory_space<vmem_shared>>)
        tpu.yield
      }) : () -> ()
      %dma_start3A_219 = arith.constant 8 : i32
      %dma_start3A_220 = arith.constant 0 : i32
      %dma_start3A_221 = arith.constant 0 : i32
      %dma_start3A_222 = arith.constant 0 : i32
      %dma_start3A_223 = tpu.memref_slice %arg9[%dma_start3A_220, %dma_start3A_221, %dma_start3A_222] : memref<4x64x128xf32, #tpu.memory_space<vmem>> -> memref<1x64x128xf32, #tpu.memory_space<vmem>>
      %dma_start3A_224 = tpu.memref_squeeze %dma_start3A_223 : memref<1x64x128xf32, #tpu.memory_space<vmem>> -> memref<64x128xf32, #tpu.memory_space<vmem>>
      %dma_start3A_225 = arith.constant 0 : i32
      %dma_start3A_226 = tpu.memref_slice %arg7[%dma_start3A_219, %dma_start3A_225] : memref<32x64xi32, #tpu.memory_space<vmem>> -> memref<1x64xi32, #tpu.memory_space<vmem>>
      %dma_start3A_227 = tpu.memref_squeeze %dma_start3A_226 : memref<1x64xi32, #tpu.memory_space<vmem>> -> memref<64xi32, #tpu.memory_space<vmem>>
      %dma_start3A_228 = arith.constant 0 : i32
      %dma_start3A_229 = arith.constant 0 : i32
      %dma_start3A_230 = tpu.memref_slice %arg2[%dma_start3A_228, %dma_start3A_229] : memref<100000x128xf32, #tpu.memory_space<hbm>> -> memref<100000x128xf32, #tpu.memory_space<hbm>>
      tpu.enqueue_indirect_dma source(%dma_start3A_230 : memref<100000x128xf32, #tpu.memory_space<hbm>>) target(%dma_start3A_224 : memref<64x128xf32, #tpu.memory_space<vmem>>) offsets(%dma_start3A_227 : memref<64xi32, #tpu.memory_space<vmem>>) semaphore(%arg13 : memref<!tpu.dma_semaphore, #tpu.memory_space<semaphore_mem>>)
      %dma_wait3A_231 = arith.constant 5 : i32
      %dma_wait3A_232 = arith.constant 1 : i32
      %dma_wait3A_233 = arith.constant 0 : i32
      %dma_wait3A_234 = arith.constant 0 : i32
      %dma_wait3A_235 = tpu.memref_slice %arg9[%dma_wait3A_232, %dma_wait3A_233, %dma_wait3A_234] : memref<4x64x128xf32, #tpu.memory_space<vmem>> -> memref<1x64x128xf32, #tpu.memory_space<vmem>>
      %dma_wait3A_236 = tpu.memref_squeeze %dma_wait3A_235 : memref<1x64x128xf32, #tpu.memory_space<vmem>> -> memref<64x128xf32, #tpu.memory_space<vmem>>
      %dma_wait3A_237 = arith.constant 0 : i32
      %dma_wait3A_238 = tpu.memref_slice %arg7[%dma_wait3A_231, %dma_wait3A_237] : memref<32x64xi32, #tpu.memory_space<vmem>> -> memref<1x64xi32, #tpu.memory_space<vmem>>
      %dma_wait3A_239 = tpu.memref_squeeze %dma_wait3A_238 : memref<1x64xi32, #tpu.memory_space<vmem>> -> memref<64xi32, #tpu.memory_space<vmem>>
      %dma_wait3A_240 = arith.constant 0 : i32
      %dma_wait3A_241 = arith.constant 0 : i32
      %dma_wait3A_242 = tpu.memref_slice %arg2[%dma_wait3A_240, %dma_wait3A_241] : memref<100000x128xf32, #tpu.memory_space<hbm>> -> memref<100000x128xf32, #tpu.memory_space<hbm>>
      tpu.wait_indirect_dma semaphore(%arg14 : memref<!tpu.dma_semaphore, #tpu.memory_space<semaphore_mem>>) src(%dma_wait3A_242 : memref<100000x128xf32, #tpu.memory_space<hbm>>) dst(%dma_wait3A_236 : memref<64x128xf32, #tpu.memory_space<vmem>>)
      %run_scoped3A_243 = arith.constant 1 : i32
      %run_scoped3A_244 = arith.constant 5 : i32
      "tpu.region"() ({
        %run_scoped3A_901 = tpu.sem_alloc : memref<!tpu.dma_semaphore, #tpu.memory_space<semaphore_mem>>
        %dma_start3A_902 = arith.constant 0 : i32
        %dma_start3A_903 = arith.constant 0 : i32
        %dma_start3A_904 = tpu.memref_slice %arg9[%run_scoped3A_243, %dma_start3A_902, %dma_start3A_903] : memref<4x64x128xf32, #tpu.memory_space<vmem>> -> memref<1x64x128xf32, #tpu.memory_space<vmem>>
        %dma_start3A_905 = tpu.memref_squeeze %dma_start3A_904 : memref<1x64x128xf32, #tpu.memory_space<vmem>> -> memref<64x128xf32, #tpu.memory_space<vmem>>
        %dma_start3A_906 = arith.constant 0 : i32
        %dma_start3A_907 = tpu.memref_slice %arg8[%run_scoped3A_244, %dma_start3A_906] : memref<32x64xi32, #tpu.memory_space<vmem>> -> memref<1x64xi32, #tpu.memory_space<vmem>>
        %dma_start3A_908 = tpu.memref_squeeze %dma_start3A_907 : memref<1x64xi32, #tpu.memory_space<vmem>> -> memref<64xi32, #tpu.memory_space<vmem>>
        %dma_start3A_909 = arith.constant 0 : i32
        %dma_start3A_910 = arith.constant 0 : i32
        %dma_start3A_911 = tpu.memref_slice %arg10[%dma_start3A_909, %dma_start3A_910] : memref<10240x128xf32, #tpu.memory_space<vmem_shared>> -> memref<10240x128xf32, #tpu.memory_space<vmem_shared>>
        tpu.enqueue_indirect_dma source(%dma_start3A_905 : memref<64x128xf32, #tpu.memory_space<vmem>>) target(%dma_start3A_911 : memref<10240x128xf32, #tpu.memory_space<vmem_shared>>) offsets(%dma_start3A_908 : memref<64xi32, #tpu.memory_space<vmem>>) semaphore(%run_scoped3A_901 : memref<!tpu.dma_semaphore, #tpu.memory_space<semaphore_mem>>) {add = true}
        %dma_wait3A_912 = arith.constant 0 : i32
        %dma_wait3A_913 = arith.constant 0 : i32
        %dma_wait3A_914 = tpu.memref_slice %arg9[%run_scoped3A_243, %dma_wait3A_912, %dma_wait3A_913] : memref<4x64x128xf32, #tpu.memory_space<vmem>> -> memref<1x64x128xf32, #tpu.memory_space<vmem>>
        %dma_wait3A_915 = tpu.memref_squeeze %dma_wait3A_914 : memref<1x64x128xf32, #tpu.memory_space<vmem>> -> memref<64x128xf32, #tpu.memory_space<vmem>>
        %dma_wait3A_916 = arith.constant 0 : i32
        %dma_wait3A_917 = tpu.memref_slice %arg8[%run_scoped3A_244, %dma_wait3A_916] : memref<32x64xi32, #tpu.memory_space<vmem>> -> memref<1x64xi32, #tpu.memory_space<vmem>>
        %dma_wait3A_918 = tpu.memref_squeeze %dma_wait3A_917 : memref<1x64xi32, #tpu.memory_space<vmem>> -> memref<64xi32, #tpu.memory_space<vmem>>
        %dma_wait3A_919 = arith.constant 0 : i32
        %dma_wait3A_920 = arith.constant 0 : i32
        %dma_wait3A_921 = tpu.memref_slice %arg10[%dma_wait3A_919, %dma_wait3A_920] : memref<10240x128xf32, #tpu.memory_space<vmem_shared>> -> memref<10240x128xf32, #tpu.memory_space<vmem_shared>>
        tpu.wait_indirect_dma semaphore(%run_scoped3A_901 : memref<!tpu.dma_semaphore, #tpu.memory_space<semaphore_mem>>) src(%dma_wait3A_915 : memref<64x128xf32, #tpu.memory_space<vmem>>) dst(%dma_wait3A_921 : memref<10240x128xf32, #tpu.memory_space<vmem_shared>>)
        tpu.yield
      }) : () -> ()
      %dma_start3A_245 = arith.constant 9 : i32
      %dma_start3A_246 = arith.constant 1 : i32
      %dma_start3A_247 = arith.constant 0 : i32
      %dma_start3A_248 = arith.constant 0 : i32
      %dma_start3A_249 = tpu.memref_slice %arg9[%dma_start3A_246, %dma_start3A_247, %dma_start3A_248] : memref<4x64x128xf32, #tpu.memory_space<vmem>> -> memref<1x64x128xf32, #tpu.memory_space<vmem>>
      %dma_start3A_250 = tpu.memref_squeeze %dma_start3A_249 : memref<1x64x128xf32, #tpu.memory_space<vmem>> -> memref<64x128xf32, #tpu.memory_space<vmem>>
      %dma_start3A_251 = arith.constant 0 : i32
      %dma_start3A_252 = tpu.memref_slice %arg7[%dma_start3A_245, %dma_start3A_251] : memref<32x64xi32, #tpu.memory_space<vmem>> -> memref<1x64xi32, #tpu.memory_space<vmem>>
      %dma_start3A_253 = tpu.memref_squeeze %dma_start3A_252 : memref<1x64xi32, #tpu.memory_space<vmem>> -> memref<64xi32, #tpu.memory_space<vmem>>
      %dma_start3A_254 = arith.constant 0 : i32
      %dma_start3A_255 = arith.constant 0 : i32
      %dma_start3A_256 = tpu.memref_slice %arg2[%dma_start3A_254, %dma_start3A_255] : memref<100000x128xf32, #tpu.memory_space<hbm>> -> memref<100000x128xf32, #tpu.memory_space<hbm>>
      tpu.enqueue_indirect_dma source(%dma_start3A_256 : memref<100000x128xf32, #tpu.memory_space<hbm>>) target(%dma_start3A_250 : memref<64x128xf32, #tpu.memory_space<vmem>>) offsets(%dma_start3A_253 : memref<64xi32, #tpu.memory_space<vmem>>) semaphore(%arg14 : memref<!tpu.dma_semaphore, #tpu.memory_space<semaphore_mem>>)
      %dma_wait3A_257 = arith.constant 6 : i32
      %dma_wait3A_258 = arith.constant 2 : i32
      %dma_wait3A_259 = arith.constant 0 : i32
      %dma_wait3A_260 = arith.constant 0 : i32
      %dma_wait3A_261 = tpu.memref_slice %arg9[%dma_wait3A_258, %dma_wait3A_259, %dma_wait3A_260] : memref<4x64x128xf32, #tpu.memory_space<vmem>> -> memref<1x64x128xf32, #tpu.memory_space<vmem>>
      %dma_wait3A_262 = tpu.memref_squeeze %dma_wait3A_261 : memref<1x64x128xf32, #tpu.memory_space<vmem>> -> memref<64x128xf32, #tpu.memory_space<vmem>>
      %dma_wait3A_263 = arith.constant 0 : i32
      %dma_wait3A_264 = tpu.memref_slice %arg7[%dma_wait3A_257, %dma_wait3A_263] : memref<32x64xi32, #tpu.memory_space<vmem>> -> memref<1x64xi32, #tpu.memory_space<vmem>>
      %dma_wait3A_265 = tpu.memref_squeeze %dma_wait3A_264 : memref<1x64xi32, #tpu.memory_space<vmem>> -> memref<64xi32, #tpu.memory_space<vmem>>
      %dma_wait3A_266 = arith.constant 0 : i32
      %dma_wait3A_267 = arith.constant 0 : i32
      %dma_wait3A_268 = tpu.memref_slice %arg2[%dma_wait3A_266, %dma_wait3A_267] : memref<100000x128xf32, #tpu.memory_space<hbm>> -> memref<100000x128xf32, #tpu.memory_space<hbm>>
      tpu.wait_indirect_dma semaphore(%arg15 : memref<!tpu.dma_semaphore, #tpu.memory_space<semaphore_mem>>) src(%dma_wait3A_268 : memref<100000x128xf32, #tpu.memory_space<hbm>>) dst(%dma_wait3A_262 : memref<64x128xf32, #tpu.memory_space<vmem>>)
      %run_scoped3A_269 = arith.constant 2 : i32
      %run_scoped3A_270 = arith.constant 6 : i32
      "tpu.region"() ({
        %run_scoped3A_901 = tpu.sem_alloc : memref<!tpu.dma_semaphore, #tpu.memory_space<semaphore_mem>>
        %dma_start3A_902 = arith.constant 0 : i32
        %dma_start3A_903 = arith.constant 0 : i32
        %dma_start3A_904 = tpu.memref_slice %arg9[%run_scoped3A_269, %dma_start3A_902, %dma_start3A_903] : memref<4x64x128xf32, #tpu.memory_space<vmem>> -> memref<1x64x128xf32, #tpu.memory_space<vmem>>
        %dma_start3A_905 = tpu.memref_squeeze %dma_start3A_904 : memref<1x64x128xf32, #tpu.memory_space<vmem>> -> memref<64x128xf32, #tpu.memory_space<vmem>>
        %dma_start3A_906 = arith.constant 0 : i32
        %dma_start3A_907 = tpu.memref_slice %arg8[%run_scoped3A_270, %dma_start3A_906] : memref<32x64xi32, #tpu.memory_space<vmem>> -> memref<1x64xi32, #tpu.memory_space<vmem>>
        %dma_start3A_908 = tpu.memref_squeeze %dma_start3A_907 : memref<1x64xi32, #tpu.memory_space<vmem>> -> memref<64xi32, #tpu.memory_space<vmem>>
        %dma_start3A_909 = arith.constant 0 : i32
        %dma_start3A_910 = arith.constant 0 : i32
        %dma_start3A_911 = tpu.memref_slice %arg10[%dma_start3A_909, %dma_start3A_910] : memref<10240x128xf32, #tpu.memory_space<vmem_shared>> -> memref<10240x128xf32, #tpu.memory_space<vmem_shared>>
        tpu.enqueue_indirect_dma source(%dma_start3A_905 : memref<64x128xf32, #tpu.memory_space<vmem>>) target(%dma_start3A_911 : memref<10240x128xf32, #tpu.memory_space<vmem_shared>>) offsets(%dma_start3A_908 : memref<64xi32, #tpu.memory_space<vmem>>) semaphore(%run_scoped3A_901 : memref<!tpu.dma_semaphore, #tpu.memory_space<semaphore_mem>>) {add = true}
        %dma_wait3A_912 = arith.constant 0 : i32
        %dma_wait3A_913 = arith.constant 0 : i32
        %dma_wait3A_914 = tpu.memref_slice %arg9[%run_scoped3A_269, %dma_wait3A_912, %dma_wait3A_913] : memref<4x64x128xf32, #tpu.memory_space<vmem>> -> memref<1x64x128xf32, #tpu.memory_space<vmem>>
        %dma_wait3A_915 = tpu.memref_squeeze %dma_wait3A_914 : memref<1x64x128xf32, #tpu.memory_space<vmem>> -> memref<64x128xf32, #tpu.memory_space<vmem>>
        %dma_wait3A_916 = arith.constant 0 : i32
        %dma_wait3A_917 = tpu.memref_slice %arg8[%run_scoped3A_270, %dma_wait3A_916] : memref<32x64xi32, #tpu.memory_space<vmem>> -> memref<1x64xi32, #tpu.memory_space<vmem>>
        %dma_wait3A_918 = tpu.memref_squeeze %dma_wait3A_917 : memref<1x64xi32, #tpu.memory_space<vmem>> -> memref<64xi32, #tpu.memory_space<vmem>>
        %dma_wait3A_919 = arith.constant 0 : i32
        %dma_wait3A_920 = arith.constant 0 : i32
        %dma_wait3A_921 = tpu.memref_slice %arg10[%dma_wait3A_919, %dma_wait3A_920] : memref<10240x128xf32, #tpu.memory_space<vmem_shared>> -> memref<10240x128xf32, #tpu.memory_space<vmem_shared>>
        tpu.wait_indirect_dma semaphore(%run_scoped3A_901 : memref<!tpu.dma_semaphore, #tpu.memory_space<semaphore_mem>>) src(%dma_wait3A_915 : memref<64x128xf32, #tpu.memory_space<vmem>>) dst(%dma_wait3A_921 : memref<10240x128xf32, #tpu.memory_space<vmem_shared>>)
        tpu.yield
      }) : () -> ()
      %dma_start3A_271 = arith.constant 10 : i32
      %dma_start3A_272 = arith.constant 2 : i32
      %dma_start3A_273 = arith.constant 0 : i32
      %dma_start3A_274 = arith.constant 0 : i32
      %dma_start3A_275 = tpu.memref_slice %arg9[%dma_start3A_272, %dma_start3A_273, %dma_start3A_274] : memref<4x64x128xf32, #tpu.memory_space<vmem>> -> memref<1x64x128xf32, #tpu.memory_space<vmem>>
      %dma_start3A_276 = tpu.memref_squeeze %dma_start3A_275 : memref<1x64x128xf32, #tpu.memory_space<vmem>> -> memref<64x128xf32, #tpu.memory_space<vmem>>
      %dma_start3A_277 = arith.constant 0 : i32
      %dma_start3A_278 = tpu.memref_slice %arg7[%dma_start3A_271, %dma_start3A_277] : memref<32x64xi32, #tpu.memory_space<vmem>> -> memref<1x64xi32, #tpu.memory_space<vmem>>
      %dma_start3A_279 = tpu.memref_squeeze %dma_start3A_278 : memref<1x64xi32, #tpu.memory_space<vmem>> -> memref<64xi32, #tpu.memory_space<vmem>>
      %dma_start3A_280 = arith.constant 0 : i32
      %dma_start3A_281 = arith.constant 0 : i32
      %dma_start3A_282 = tpu.memref_slice %arg2[%dma_start3A_280, %dma_start3A_281] : memref<100000x128xf32, #tpu.memory_space<hbm>> -> memref<100000x128xf32, #tpu.memory_space<hbm>>
      tpu.enqueue_indirect_dma source(%dma_start3A_282 : memref<100000x128xf32, #tpu.memory_space<hbm>>) target(%dma_start3A_276 : memref<64x128xf32, #tpu.memory_space<vmem>>) offsets(%dma_start3A_279 : memref<64xi32, #tpu.memory_space<vmem>>) semaphore(%arg15 : memref<!tpu.dma_semaphore, #tpu.memory_space<semaphore_mem>>)
      %dma_wait3A_283 = arith.constant 7 : i32
      %dma_wait3A_284 = arith.constant 3 : i32
      %dma_wait3A_285 = arith.constant 0 : i32
      %dma_wait3A_286 = arith.constant 0 : i32
      %dma_wait3A_287 = tpu.memref_slice %arg9[%dma_wait3A_284, %dma_wait3A_285, %dma_wait3A_286] : memref<4x64x128xf32, #tpu.memory_space<vmem>> -> memref<1x64x128xf32, #tpu.memory_space<vmem>>
      %dma_wait3A_288 = tpu.memref_squeeze %dma_wait3A_287 : memref<1x64x128xf32, #tpu.memory_space<vmem>> -> memref<64x128xf32, #tpu.memory_space<vmem>>
      %dma_wait3A_289 = arith.constant 0 : i32
      %dma_wait3A_290 = tpu.memref_slice %arg7[%dma_wait3A_283, %dma_wait3A_289] : memref<32x64xi32, #tpu.memory_space<vmem>> -> memref<1x64xi32, #tpu.memory_space<vmem>>
      %dma_wait3A_291 = tpu.memref_squeeze %dma_wait3A_290 : memref<1x64xi32, #tpu.memory_space<vmem>> -> memref<64xi32, #tpu.memory_space<vmem>>
      %dma_wait3A_292 = arith.constant 0 : i32
      %dma_wait3A_293 = arith.constant 0 : i32
      %dma_wait3A_294 = tpu.memref_slice %arg2[%dma_wait3A_292, %dma_wait3A_293] : memref<100000x128xf32, #tpu.memory_space<hbm>> -> memref<100000x128xf32, #tpu.memory_space<hbm>>
      tpu.wait_indirect_dma semaphore(%arg16 : memref<!tpu.dma_semaphore, #tpu.memory_space<semaphore_mem>>) src(%dma_wait3A_294 : memref<100000x128xf32, #tpu.memory_space<hbm>>) dst(%dma_wait3A_288 : memref<64x128xf32, #tpu.memory_space<vmem>>)
      %run_scoped3A_295 = arith.constant 3 : i32
      %run_scoped3A_296 = arith.constant 7 : i32
      "tpu.region"() ({
        %run_scoped3A_901 = tpu.sem_alloc : memref<!tpu.dma_semaphore, #tpu.memory_space<semaphore_mem>>
        %dma_start3A_902 = arith.constant 0 : i32
        %dma_start3A_903 = arith.constant 0 : i32
        %dma_start3A_904 = tpu.memref_slice %arg9[%run_scoped3A_295, %dma_start3A_902, %dma_start3A_903] : memref<4x64x128xf32, #tpu.memory_space<vmem>> -> memref<1x64x128xf32, #tpu.memory_space<vmem>>
        %dma_start3A_905 = tpu.memref_squeeze %dma_start3A_904 : memref<1x64x128xf32, #tpu.memory_space<vmem>> -> memref<64x128xf32, #tpu.memory_space<vmem>>
        %dma_start3A_906 = arith.constant 0 : i32
        %dma_start3A_907 = tpu.memref_slice %arg8[%run_scoped3A_296, %dma_start3A_906] : memref<32x64xi32, #tpu.memory_space<vmem>> -> memref<1x64xi32, #tpu.memory_space<vmem>>
        %dma_start3A_908 = tpu.memref_squeeze %dma_start3A_907 : memref<1x64xi32, #tpu.memory_space<vmem>> -> memref<64xi32, #tpu.memory_space<vmem>>
        %dma_start3A_909 = arith.constant 0 : i32
        %dma_start3A_910 = arith.constant 0 : i32
        %dma_start3A_911 = tpu.memref_slice %arg10[%dma_start3A_909, %dma_start3A_910] : memref<10240x128xf32, #tpu.memory_space<vmem_shared>> -> memref<10240x128xf32, #tpu.memory_space<vmem_shared>>
        tpu.enqueue_indirect_dma source(%dma_start3A_905 : memref<64x128xf32, #tpu.memory_space<vmem>>) target(%dma_start3A_911 : memref<10240x128xf32, #tpu.memory_space<vmem_shared>>) offsets(%dma_start3A_908 : memref<64xi32, #tpu.memory_space<vmem>>) semaphore(%run_scoped3A_901 : memref<!tpu.dma_semaphore, #tpu.memory_space<semaphore_mem>>) {add = true}
        %dma_wait3A_912 = arith.constant 0 : i32
        %dma_wait3A_913 = arith.constant 0 : i32
        %dma_wait3A_914 = tpu.memref_slice %arg9[%run_scoped3A_295, %dma_wait3A_912, %dma_wait3A_913] : memref<4x64x128xf32, #tpu.memory_space<vmem>> -> memref<1x64x128xf32, #tpu.memory_space<vmem>>
        %dma_wait3A_915 = tpu.memref_squeeze %dma_wait3A_914 : memref<1x64x128xf32, #tpu.memory_space<vmem>> -> memref<64x128xf32, #tpu.memory_space<vmem>>
        %dma_wait3A_916 = arith.constant 0 : i32
        %dma_wait3A_917 = tpu.memref_slice %arg8[%run_scoped3A_296, %dma_wait3A_916] : memref<32x64xi32, #tpu.memory_space<vmem>> -> memref<1x64xi32, #tpu.memory_space<vmem>>
        %dma_wait3A_918 = tpu.memref_squeeze %dma_wait3A_917 : memref<1x64xi32, #tpu.memory_space<vmem>> -> memref<64xi32, #tpu.memory_space<vmem>>
        %dma_wait3A_919 = arith.constant 0 : i32
        %dma_wait3A_920 = arith.constant 0 : i32
        %dma_wait3A_921 = tpu.memref_slice %arg10[%dma_wait3A_919, %dma_wait3A_920] : memref<10240x128xf32, #tpu.memory_space<vmem_shared>> -> memref<10240x128xf32, #tpu.memory_space<vmem_shared>>
        tpu.wait_indirect_dma semaphore(%run_scoped3A_901 : memref<!tpu.dma_semaphore, #tpu.memory_space<semaphore_mem>>) src(%dma_wait3A_915 : memref<64x128xf32, #tpu.memory_space<vmem>>) dst(%dma_wait3A_921 : memref<10240x128xf32, #tpu.memory_space<vmem_shared>>)
        tpu.yield
      }) : () -> ()
      %dma_start3A_297 = arith.constant 11 : i32
      %dma_start3A_298 = arith.constant 3 : i32
      %dma_start3A_299 = arith.constant 0 : i32
      %dma_start3A_300 = arith.constant 0 : i32
      %dma_start3A_301 = tpu.memref_slice %arg9[%dma_start3A_298, %dma_start3A_299, %dma_start3A_300] : memref<4x64x128xf32, #tpu.memory_space<vmem>> -> memref<1x64x128xf32, #tpu.memory_space<vmem>>
      %dma_start3A_302 = tpu.memref_squeeze %dma_start3A_301 : memref<1x64x128xf32, #tpu.memory_space<vmem>> -> memref<64x128xf32, #tpu.memory_space<vmem>>
      %dma_start3A_303 = arith.constant 0 : i32
      %dma_start3A_304 = tpu.memref_slice %arg7[%dma_start3A_297, %dma_start3A_303] : memref<32x64xi32, #tpu.memory_space<vmem>> -> memref<1x64xi32, #tpu.memory_space<vmem>>
      %dma_start3A_305 = tpu.memref_squeeze %dma_start3A_304 : memref<1x64xi32, #tpu.memory_space<vmem>> -> memref<64xi32, #tpu.memory_space<vmem>>
      %dma_start3A_306 = arith.constant 0 : i32
      %dma_start3A_307 = arith.constant 0 : i32
      %dma_start3A_308 = tpu.memref_slice %arg2[%dma_start3A_306, %dma_start3A_307] : memref<100000x128xf32, #tpu.memory_space<hbm>> -> memref<100000x128xf32, #tpu.memory_space<hbm>>
      tpu.enqueue_indirect_dma source(%dma_start3A_308 : memref<100000x128xf32, #tpu.memory_space<hbm>>) target(%dma_start3A_302 : memref<64x128xf32, #tpu.memory_space<vmem>>) offsets(%dma_start3A_305 : memref<64xi32, #tpu.memory_space<vmem>>) semaphore(%arg16 : memref<!tpu.dma_semaphore, #tpu.memory_space<semaphore_mem>>)
      %dma_wait3A_309 = arith.constant 8 : i32
      %dma_wait3A_310 = arith.constant 0 : i32
      %dma_wait3A_311 = arith.constant 0 : i32
      %dma_wait3A_312 = arith.constant 0 : i32
      %dma_wait3A_313 = tpu.memref_slice %arg9[%dma_wait3A_310, %dma_wait3A_311, %dma_wait3A_312] : memref<4x64x128xf32, #tpu.memory_space<vmem>> -> memref<1x64x128xf32, #tpu.memory_space<vmem>>
      %dma_wait3A_314 = tpu.memref_squeeze %dma_wait3A_313 : memref<1x64x128xf32, #tpu.memory_space<vmem>> -> memref<64x128xf32, #tpu.memory_space<vmem>>
      %dma_wait3A_315 = arith.constant 0 : i32
      %dma_wait3A_316 = tpu.memref_slice %arg7[%dma_wait3A_309, %dma_wait3A_315] : memref<32x64xi32, #tpu.memory_space<vmem>> -> memref<1x64xi32, #tpu.memory_space<vmem>>
      %dma_wait3A_317 = tpu.memref_squeeze %dma_wait3A_316 : memref<1x64xi32, #tpu.memory_space<vmem>> -> memref<64xi32, #tpu.memory_space<vmem>>
      %dma_wait3A_318 = arith.constant 0 : i32
      %dma_wait3A_319 = arith.constant 0 : i32
      %dma_wait3A_320 = tpu.memref_slice %arg2[%dma_wait3A_318, %dma_wait3A_319] : memref<100000x128xf32, #tpu.memory_space<hbm>> -> memref<100000x128xf32, #tpu.memory_space<hbm>>
      tpu.wait_indirect_dma semaphore(%arg13 : memref<!tpu.dma_semaphore, #tpu.memory_space<semaphore_mem>>) src(%dma_wait3A_320 : memref<100000x128xf32, #tpu.memory_space<hbm>>) dst(%dma_wait3A_314 : memref<64x128xf32, #tpu.memory_space<vmem>>)
      %run_scoped3A_321 = arith.constant 0 : i32
      %run_scoped3A_322 = arith.constant 8 : i32
      "tpu.region"() ({
        %run_scoped3A_901 = tpu.sem_alloc : memref<!tpu.dma_semaphore, #tpu.memory_space<semaphore_mem>>
        %dma_start3A_902 = arith.constant 0 : i32
        %dma_start3A_903 = arith.constant 0 : i32
        %dma_start3A_904 = tpu.memref_slice %arg9[%run_scoped3A_321, %dma_start3A_902, %dma_start3A_903] : memref<4x64x128xf32, #tpu.memory_space<vmem>> -> memref<1x64x128xf32, #tpu.memory_space<vmem>>
        %dma_start3A_905 = tpu.memref_squeeze %dma_start3A_904 : memref<1x64x128xf32, #tpu.memory_space<vmem>> -> memref<64x128xf32, #tpu.memory_space<vmem>>
        %dma_start3A_906 = arith.constant 0 : i32
        %dma_start3A_907 = tpu.memref_slice %arg8[%run_scoped3A_322, %dma_start3A_906] : memref<32x64xi32, #tpu.memory_space<vmem>> -> memref<1x64xi32, #tpu.memory_space<vmem>>
        %dma_start3A_908 = tpu.memref_squeeze %dma_start3A_907 : memref<1x64xi32, #tpu.memory_space<vmem>> -> memref<64xi32, #tpu.memory_space<vmem>>
        %dma_start3A_909 = arith.constant 0 : i32
        %dma_start3A_910 = arith.constant 0 : i32
        %dma_start3A_911 = tpu.memref_slice %arg10[%dma_start3A_909, %dma_start3A_910] : memref<10240x128xf32, #tpu.memory_space<vmem_shared>> -> memref<10240x128xf32, #tpu.memory_space<vmem_shared>>
        tpu.enqueue_indirect_dma source(%dma_start3A_905 : memref<64x128xf32, #tpu.memory_space<vmem>>) target(%dma_start3A_911 : memref<10240x128xf32, #tpu.memory_space<vmem_shared>>) offsets(%dma_start3A_908 : memref<64xi32, #tpu.memory_space<vmem>>) semaphore(%run_scoped3A_901 : memref<!tpu.dma_semaphore, #tpu.memory_space<semaphore_mem>>) {add = true}
        %dma_wait3A_912 = arith.constant 0 : i32
        %dma_wait3A_913 = arith.constant 0 : i32
        %dma_wait3A_914 = tpu.memref_slice %arg9[%run_scoped3A_321, %dma_wait3A_912, %dma_wait3A_913] : memref<4x64x128xf32, #tpu.memory_space<vmem>> -> memref<1x64x128xf32, #tpu.memory_space<vmem>>
        %dma_wait3A_915 = tpu.memref_squeeze %dma_wait3A_914 : memref<1x64x128xf32, #tpu.memory_space<vmem>> -> memref<64x128xf32, #tpu.memory_space<vmem>>
        %dma_wait3A_916 = arith.constant 0 : i32
        %dma_wait3A_917 = tpu.memref_slice %arg8[%run_scoped3A_322, %dma_wait3A_916] : memref<32x64xi32, #tpu.memory_space<vmem>> -> memref<1x64xi32, #tpu.memory_space<vmem>>
        %dma_wait3A_918 = tpu.memref_squeeze %dma_wait3A_917 : memref<1x64xi32, #tpu.memory_space<vmem>> -> memref<64xi32, #tpu.memory_space<vmem>>
        %dma_wait3A_919 = arith.constant 0 : i32
        %dma_wait3A_920 = arith.constant 0 : i32
        %dma_wait3A_921 = tpu.memref_slice %arg10[%dma_wait3A_919, %dma_wait3A_920] : memref<10240x128xf32, #tpu.memory_space<vmem_shared>> -> memref<10240x128xf32, #tpu.memory_space<vmem_shared>>
        tpu.wait_indirect_dma semaphore(%run_scoped3A_901 : memref<!tpu.dma_semaphore, #tpu.memory_space<semaphore_mem>>) src(%dma_wait3A_915 : memref<64x128xf32, #tpu.memory_space<vmem>>) dst(%dma_wait3A_921 : memref<10240x128xf32, #tpu.memory_space<vmem_shared>>)
        tpu.yield
      }) : () -> ()
      %dma_start3A_323 = arith.constant 12 : i32
      %dma_start3A_324 = arith.constant 0 : i32
      %dma_start3A_325 = arith.constant 0 : i32
      %dma_start3A_326 = arith.constant 0 : i32
      %dma_start3A_327 = tpu.memref_slice %arg9[%dma_start3A_324, %dma_start3A_325, %dma_start3A_326] : memref<4x64x128xf32, #tpu.memory_space<vmem>> -> memref<1x64x128xf32, #tpu.memory_space<vmem>>
      %dma_start3A_328 = tpu.memref_squeeze %dma_start3A_327 : memref<1x64x128xf32, #tpu.memory_space<vmem>> -> memref<64x128xf32, #tpu.memory_space<vmem>>
      %dma_start3A_329 = arith.constant 0 : i32
      %dma_start3A_330 = tpu.memref_slice %arg7[%dma_start3A_323, %dma_start3A_329] : memref<32x64xi32, #tpu.memory_space<vmem>> -> memref<1x64xi32, #tpu.memory_space<vmem>>
      %dma_start3A_331 = tpu.memref_squeeze %dma_start3A_330 : memref<1x64xi32, #tpu.memory_space<vmem>> -> memref<64xi32, #tpu.memory_space<vmem>>
      %dma_start3A_332 = arith.constant 0 : i32
      %dma_start3A_333 = arith.constant 0 : i32
      %dma_start3A_334 = tpu.memref_slice %arg2[%dma_start3A_332, %dma_start3A_333] : memref<100000x128xf32, #tpu.memory_space<hbm>> -> memref<100000x128xf32, #tpu.memory_space<hbm>>
      tpu.enqueue_indirect_dma source(%dma_start3A_334 : memref<100000x128xf32, #tpu.memory_space<hbm>>) target(%dma_start3A_328 : memref<64x128xf32, #tpu.memory_space<vmem>>) offsets(%dma_start3A_331 : memref<64xi32, #tpu.memory_space<vmem>>) semaphore(%arg13 : memref<!tpu.dma_semaphore, #tpu.memory_space<semaphore_mem>>)
      %dma_wait3A_335 = arith.constant 9 : i32
      %dma_wait3A_336 = arith.constant 1 : i32
      %dma_wait3A_337 = arith.constant 0 : i32
      %dma_wait3A_338 = arith.constant 0 : i32
      %dma_wait3A_339 = tpu.memref_slice %arg9[%dma_wait3A_336, %dma_wait3A_337, %dma_wait3A_338] : memref<4x64x128xf32, #tpu.memory_space<vmem>> -> memref<1x64x128xf32, #tpu.memory_space<vmem>>
      %dma_wait3A_340 = tpu.memref_squeeze %dma_wait3A_339 : memref<1x64x128xf32, #tpu.memory_space<vmem>> -> memref<64x128xf32, #tpu.memory_space<vmem>>
      %dma_wait3A_341 = arith.constant 0 : i32
      %dma_wait3A_342 = tpu.memref_slice %arg7[%dma_wait3A_335, %dma_wait3A_341] : memref<32x64xi32, #tpu.memory_space<vmem>> -> memref<1x64xi32, #tpu.memory_space<vmem>>
      %dma_wait3A_343 = tpu.memref_squeeze %dma_wait3A_342 : memref<1x64xi32, #tpu.memory_space<vmem>> -> memref<64xi32, #tpu.memory_space<vmem>>
      %dma_wait3A_344 = arith.constant 0 : i32
      %dma_wait3A_345 = arith.constant 0 : i32
      %dma_wait3A_346 = tpu.memref_slice %arg2[%dma_wait3A_344, %dma_wait3A_345] : memref<100000x128xf32, #tpu.memory_space<hbm>> -> memref<100000x128xf32, #tpu.memory_space<hbm>>
      tpu.wait_indirect_dma semaphore(%arg14 : memref<!tpu.dma_semaphore, #tpu.memory_space<semaphore_mem>>) src(%dma_wait3A_346 : memref<100000x128xf32, #tpu.memory_space<hbm>>) dst(%dma_wait3A_340 : memref<64x128xf32, #tpu.memory_space<vmem>>)
      %run_scoped3A_347 = arith.constant 1 : i32
      %run_scoped3A_348 = arith.constant 9 : i32
      "tpu.region"() ({
        %run_scoped3A_901 = tpu.sem_alloc : memref<!tpu.dma_semaphore, #tpu.memory_space<semaphore_mem>>
        %dma_start3A_902 = arith.constant 0 : i32
        %dma_start3A_903 = arith.constant 0 : i32
        %dma_start3A_904 = tpu.memref_slice %arg9[%run_scoped3A_347, %dma_start3A_902, %dma_start3A_903] : memref<4x64x128xf32, #tpu.memory_space<vmem>> -> memref<1x64x128xf32, #tpu.memory_space<vmem>>
        %dma_start3A_905 = tpu.memref_squeeze %dma_start3A_904 : memref<1x64x128xf32, #tpu.memory_space<vmem>> -> memref<64x128xf32, #tpu.memory_space<vmem>>
        %dma_start3A_906 = arith.constant 0 : i32
        %dma_start3A_907 = tpu.memref_slice %arg8[%run_scoped3A_348, %dma_start3A_906] : memref<32x64xi32, #tpu.memory_space<vmem>> -> memref<1x64xi32, #tpu.memory_space<vmem>>
        %dma_start3A_908 = tpu.memref_squeeze %dma_start3A_907 : memref<1x64xi32, #tpu.memory_space<vmem>> -> memref<64xi32, #tpu.memory_space<vmem>>
        %dma_start3A_909 = arith.constant 0 : i32
        %dma_start3A_910 = arith.constant 0 : i32
        %dma_start3A_911 = tpu.memref_slice %arg10[%dma_start3A_909, %dma_start3A_910] : memref<10240x128xf32, #tpu.memory_space<vmem_shared>> -> memref<10240x128xf32, #tpu.memory_space<vmem_shared>>
        tpu.enqueue_indirect_dma source(%dma_start3A_905 : memref<64x128xf32, #tpu.memory_space<vmem>>) target(%dma_start3A_911 : memref<10240x128xf32, #tpu.memory_space<vmem_shared>>) offsets(%dma_start3A_908 : memref<64xi32, #tpu.memory_space<vmem>>) semaphore(%run_scoped3A_901 : memref<!tpu.dma_semaphore, #tpu.memory_space<semaphore_mem>>) {add = true}
        %dma_wait3A_912 = arith.constant 0 : i32
        %dma_wait3A_913 = arith.constant 0 : i32
        %dma_wait3A_914 = tpu.memref_slice %arg9[%run_scoped3A_347, %dma_wait3A_912, %dma_wait3A_913] : memref<4x64x128xf32, #tpu.memory_space<vmem>> -> memref<1x64x128xf32, #tpu.memory_space<vmem>>
        %dma_wait3A_915 = tpu.memref_squeeze %dma_wait3A_914 : memref<1x64x128xf32, #tpu.memory_space<vmem>> -> memref<64x128xf32, #tpu.memory_space<vmem>>
        %dma_wait3A_916 = arith.constant 0 : i32
        %dma_wait3A_917 = tpu.memref_slice %arg8[%run_scoped3A_348, %dma_wait3A_916] : memref<32x64xi32, #tpu.memory_space<vmem>> -> memref<1x64xi32, #tpu.memory_space<vmem>>
        %dma_wait3A_918 = tpu.memref_squeeze %dma_wait3A_917 : memref<1x64xi32, #tpu.memory_space<vmem>> -> memref<64xi32, #tpu.memory_space<vmem>>
        %dma_wait3A_919 = arith.constant 0 : i32
        %dma_wait3A_920 = arith.constant 0 : i32
        %dma_wait3A_921 = tpu.memref_slice %arg10[%dma_wait3A_919, %dma_wait3A_920] : memref<10240x128xf32, #tpu.memory_space<vmem_shared>> -> memref<10240x128xf32, #tpu.memory_space<vmem_shared>>
        tpu.wait_indirect_dma semaphore(%run_scoped3A_901 : memref<!tpu.dma_semaphore, #tpu.memory_space<semaphore_mem>>) src(%dma_wait3A_915 : memref<64x128xf32, #tpu.memory_space<vmem>>) dst(%dma_wait3A_921 : memref<10240x128xf32, #tpu.memory_space<vmem_shared>>)
        tpu.yield
      }) : () -> ()
      %dma_start3A_349 = arith.constant 13 : i32
      %dma_start3A_350 = arith.constant 1 : i32
      %dma_start3A_351 = arith.constant 0 : i32
      %dma_start3A_352 = arith.constant 0 : i32
      %dma_start3A_353 = tpu.memref_slice %arg9[%dma_start3A_350, %dma_start3A_351, %dma_start3A_352] : memref<4x64x128xf32, #tpu.memory_space<vmem>> -> memref<1x64x128xf32, #tpu.memory_space<vmem>>
      %dma_start3A_354 = tpu.memref_squeeze %dma_start3A_353 : memref<1x64x128xf32, #tpu.memory_space<vmem>> -> memref<64x128xf32, #tpu.memory_space<vmem>>
      %dma_start3A_355 = arith.constant 0 : i32
      %dma_start3A_356 = tpu.memref_slice %arg7[%dma_start3A_349, %dma_start3A_355] : memref<32x64xi32, #tpu.memory_space<vmem>> -> memref<1x64xi32, #tpu.memory_space<vmem>>
      %dma_start3A_357 = tpu.memref_squeeze %dma_start3A_356 : memref<1x64xi32, #tpu.memory_space<vmem>> -> memref<64xi32, #tpu.memory_space<vmem>>
      %dma_start3A_358 = arith.constant 0 : i32
      %dma_start3A_359 = arith.constant 0 : i32
      %dma_start3A_360 = tpu.memref_slice %arg2[%dma_start3A_358, %dma_start3A_359] : memref<100000x128xf32, #tpu.memory_space<hbm>> -> memref<100000x128xf32, #tpu.memory_space<hbm>>
      tpu.enqueue_indirect_dma source(%dma_start3A_360 : memref<100000x128xf32, #tpu.memory_space<hbm>>) target(%dma_start3A_354 : memref<64x128xf32, #tpu.memory_space<vmem>>) offsets(%dma_start3A_357 : memref<64xi32, #tpu.memory_space<vmem>>) semaphore(%arg14 : memref<!tpu.dma_semaphore, #tpu.memory_space<semaphore_mem>>)
      %dma_wait3A_361 = arith.constant 10 : i32
      %dma_wait3A_362 = arith.constant 2 : i32
      %dma_wait3A_363 = arith.constant 0 : i32
      %dma_wait3A_364 = arith.constant 0 : i32
      %dma_wait3A_365 = tpu.memref_slice %arg9[%dma_wait3A_362, %dma_wait3A_363, %dma_wait3A_364] : memref<4x64x128xf32, #tpu.memory_space<vmem>> -> memref<1x64x128xf32, #tpu.memory_space<vmem>>
      %dma_wait3A_366 = tpu.memref_squeeze %dma_wait3A_365 : memref<1x64x128xf32, #tpu.memory_space<vmem>> -> memref<64x128xf32, #tpu.memory_space<vmem>>
      %dma_wait3A_367 = arith.constant 0 : i32
      %dma_wait3A_368 = tpu.memref_slice %arg7[%dma_wait3A_361, %dma_wait3A_367] : memref<32x64xi32, #tpu.memory_space<vmem>> -> memref<1x64xi32, #tpu.memory_space<vmem>>
      %dma_wait3A_369 = tpu.memref_squeeze %dma_wait3A_368 : memref<1x64xi32, #tpu.memory_space<vmem>> -> memref<64xi32, #tpu.memory_space<vmem>>
      %dma_wait3A_370 = arith.constant 0 : i32
      %dma_wait3A_371 = arith.constant 0 : i32
      %dma_wait3A_372 = tpu.memref_slice %arg2[%dma_wait3A_370, %dma_wait3A_371] : memref<100000x128xf32, #tpu.memory_space<hbm>> -> memref<100000x128xf32, #tpu.memory_space<hbm>>
      tpu.wait_indirect_dma semaphore(%arg15 : memref<!tpu.dma_semaphore, #tpu.memory_space<semaphore_mem>>) src(%dma_wait3A_372 : memref<100000x128xf32, #tpu.memory_space<hbm>>) dst(%dma_wait3A_366 : memref<64x128xf32, #tpu.memory_space<vmem>>)
      %run_scoped3A_373 = arith.constant 2 : i32
      %run_scoped3A_374 = arith.constant 10 : i32
      "tpu.region"() ({
        %run_scoped3A_901 = tpu.sem_alloc : memref<!tpu.dma_semaphore, #tpu.memory_space<semaphore_mem>>
        %dma_start3A_902 = arith.constant 0 : i32
        %dma_start3A_903 = arith.constant 0 : i32
        %dma_start3A_904 = tpu.memref_slice %arg9[%run_scoped3A_373, %dma_start3A_902, %dma_start3A_903] : memref<4x64x128xf32, #tpu.memory_space<vmem>> -> memref<1x64x128xf32, #tpu.memory_space<vmem>>
        %dma_start3A_905 = tpu.memref_squeeze %dma_start3A_904 : memref<1x64x128xf32, #tpu.memory_space<vmem>> -> memref<64x128xf32, #tpu.memory_space<vmem>>
        %dma_start3A_906 = arith.constant 0 : i32
        %dma_start3A_907 = tpu.memref_slice %arg8[%run_scoped3A_374, %dma_start3A_906] : memref<32x64xi32, #tpu.memory_space<vmem>> -> memref<1x64xi32, #tpu.memory_space<vmem>>
        %dma_start3A_908 = tpu.memref_squeeze %dma_start3A_907 : memref<1x64xi32, #tpu.memory_space<vmem>> -> memref<64xi32, #tpu.memory_space<vmem>>
        %dma_start3A_909 = arith.constant 0 : i32
        %dma_start3A_910 = arith.constant 0 : i32
        %dma_start3A_911 = tpu.memref_slice %arg10[%dma_start3A_909, %dma_start3A_910] : memref<10240x128xf32, #tpu.memory_space<vmem_shared>> -> memref<10240x128xf32, #tpu.memory_space<vmem_shared>>
        tpu.enqueue_indirect_dma source(%dma_start3A_905 : memref<64x128xf32, #tpu.memory_space<vmem>>) target(%dma_start3A_911 : memref<10240x128xf32, #tpu.memory_space<vmem_shared>>) offsets(%dma_start3A_908 : memref<64xi32, #tpu.memory_space<vmem>>) semaphore(%run_scoped3A_901 : memref<!tpu.dma_semaphore, #tpu.memory_space<semaphore_mem>>) {add = true}
        %dma_wait3A_912 = arith.constant 0 : i32
        %dma_wait3A_913 = arith.constant 0 : i32
        %dma_wait3A_914 = tpu.memref_slice %arg9[%run_scoped3A_373, %dma_wait3A_912, %dma_wait3A_913] : memref<4x64x128xf32, #tpu.memory_space<vmem>> -> memref<1x64x128xf32, #tpu.memory_space<vmem>>
        %dma_wait3A_915 = tpu.memref_squeeze %dma_wait3A_914 : memref<1x64x128xf32, #tpu.memory_space<vmem>> -> memref<64x128xf32, #tpu.memory_space<vmem>>
        %dma_wait3A_916 = arith.constant 0 : i32
        %dma_wait3A_917 = tpu.memref_slice %arg8[%run_scoped3A_374, %dma_wait3A_916] : memref<32x64xi32, #tpu.memory_space<vmem>> -> memref<1x64xi32, #tpu.memory_space<vmem>>
        %dma_wait3A_918 = tpu.memref_squeeze %dma_wait3A_917 : memref<1x64xi32, #tpu.memory_space<vmem>> -> memref<64xi32, #tpu.memory_space<vmem>>
        %dma_wait3A_919 = arith.constant 0 : i32
        %dma_wait3A_920 = arith.constant 0 : i32
        %dma_wait3A_921 = tpu.memref_slice %arg10[%dma_wait3A_919, %dma_wait3A_920] : memref<10240x128xf32, #tpu.memory_space<vmem_shared>> -> memref<10240x128xf32, #tpu.memory_space<vmem_shared>>
        tpu.wait_indirect_dma semaphore(%run_scoped3A_901 : memref<!tpu.dma_semaphore, #tpu.memory_space<semaphore_mem>>) src(%dma_wait3A_915 : memref<64x128xf32, #tpu.memory_space<vmem>>) dst(%dma_wait3A_921 : memref<10240x128xf32, #tpu.memory_space<vmem_shared>>)
        tpu.yield
      }) : () -> ()
      %dma_start3A_375 = arith.constant 14 : i32
      %dma_start3A_376 = arith.constant 2 : i32
      %dma_start3A_377 = arith.constant 0 : i32
      %dma_start3A_378 = arith.constant 0 : i32
      %dma_start3A_379 = tpu.memref_slice %arg9[%dma_start3A_376, %dma_start3A_377, %dma_start3A_378] : memref<4x64x128xf32, #tpu.memory_space<vmem>> -> memref<1x64x128xf32, #tpu.memory_space<vmem>>
      %dma_start3A_380 = tpu.memref_squeeze %dma_start3A_379 : memref<1x64x128xf32, #tpu.memory_space<vmem>> -> memref<64x128xf32, #tpu.memory_space<vmem>>
      %dma_start3A_381 = arith.constant 0 : i32
      %dma_start3A_382 = tpu.memref_slice %arg7[%dma_start3A_375, %dma_start3A_381] : memref<32x64xi32, #tpu.memory_space<vmem>> -> memref<1x64xi32, #tpu.memory_space<vmem>>
      %dma_start3A_383 = tpu.memref_squeeze %dma_start3A_382 : memref<1x64xi32, #tpu.memory_space<vmem>> -> memref<64xi32, #tpu.memory_space<vmem>>
      %dma_start3A_384 = arith.constant 0 : i32
      %dma_start3A_385 = arith.constant 0 : i32
      %dma_start3A_386 = tpu.memref_slice %arg2[%dma_start3A_384, %dma_start3A_385] : memref<100000x128xf32, #tpu.memory_space<hbm>> -> memref<100000x128xf32, #tpu.memory_space<hbm>>
      tpu.enqueue_indirect_dma source(%dma_start3A_386 : memref<100000x128xf32, #tpu.memory_space<hbm>>) target(%dma_start3A_380 : memref<64x128xf32, #tpu.memory_space<vmem>>) offsets(%dma_start3A_383 : memref<64xi32, #tpu.memory_space<vmem>>) semaphore(%arg15 : memref<!tpu.dma_semaphore, #tpu.memory_space<semaphore_mem>>)
      %dma_wait3A_387 = arith.constant 11 : i32
      %dma_wait3A_388 = arith.constant 3 : i32
      %dma_wait3A_389 = arith.constant 0 : i32
      %dma_wait3A_390 = arith.constant 0 : i32
      %dma_wait3A_391 = tpu.memref_slice %arg9[%dma_wait3A_388, %dma_wait3A_389, %dma_wait3A_390] : memref<4x64x128xf32, #tpu.memory_space<vmem>> -> memref<1x64x128xf32, #tpu.memory_space<vmem>>
      %dma_wait3A_392 = tpu.memref_squeeze %dma_wait3A_391 : memref<1x64x128xf32, #tpu.memory_space<vmem>> -> memref<64x128xf32, #tpu.memory_space<vmem>>
      %dma_wait3A_393 = arith.constant 0 : i32
      %dma_wait3A_394 = tpu.memref_slice %arg7[%dma_wait3A_387, %dma_wait3A_393] : memref<32x64xi32, #tpu.memory_space<vmem>> -> memref<1x64xi32, #tpu.memory_space<vmem>>
      %dma_wait3A_395 = tpu.memref_squeeze %dma_wait3A_394 : memref<1x64xi32, #tpu.memory_space<vmem>> -> memref<64xi32, #tpu.memory_space<vmem>>
      %dma_wait3A_396 = arith.constant 0 : i32
      %dma_wait3A_397 = arith.constant 0 : i32
      %dma_wait3A_398 = tpu.memref_slice %arg2[%dma_wait3A_396, %dma_wait3A_397] : memref<100000x128xf32, #tpu.memory_space<hbm>> -> memref<100000x128xf32, #tpu.memory_space<hbm>>
      tpu.wait_indirect_dma semaphore(%arg16 : memref<!tpu.dma_semaphore, #tpu.memory_space<semaphore_mem>>) src(%dma_wait3A_398 : memref<100000x128xf32, #tpu.memory_space<hbm>>) dst(%dma_wait3A_392 : memref<64x128xf32, #tpu.memory_space<vmem>>)
      %run_scoped3A_399 = arith.constant 3 : i32
      %run_scoped3A_400 = arith.constant 11 : i32
      "tpu.region"() ({
        %run_scoped3A_901 = tpu.sem_alloc : memref<!tpu.dma_semaphore, #tpu.memory_space<semaphore_mem>>
        %dma_start3A_902 = arith.constant 0 : i32
        %dma_start3A_903 = arith.constant 0 : i32
        %dma_start3A_904 = tpu.memref_slice %arg9[%run_scoped3A_399, %dma_start3A_902, %dma_start3A_903] : memref<4x64x128xf32, #tpu.memory_space<vmem>> -> memref<1x64x128xf32, #tpu.memory_space<vmem>>
        %dma_start3A_905 = tpu.memref_squeeze %dma_start3A_904 : memref<1x64x128xf32, #tpu.memory_space<vmem>> -> memref<64x128xf32, #tpu.memory_space<vmem>>
        %dma_start3A_906 = arith.constant 0 : i32
        %dma_start3A_907 = tpu.memref_slice %arg8[%run_scoped3A_400, %dma_start3A_906] : memref<32x64xi32, #tpu.memory_space<vmem>> -> memref<1x64xi32, #tpu.memory_space<vmem>>
        %dma_start3A_908 = tpu.memref_squeeze %dma_start3A_907 : memref<1x64xi32, #tpu.memory_space<vmem>> -> memref<64xi32, #tpu.memory_space<vmem>>
        %dma_start3A_909 = arith.constant 0 : i32
        %dma_start3A_910 = arith.constant 0 : i32
        %dma_start3A_911 = tpu.memref_slice %arg10[%dma_start3A_909, %dma_start3A_910] : memref<10240x128xf32, #tpu.memory_space<vmem_shared>> -> memref<10240x128xf32, #tpu.memory_space<vmem_shared>>
        tpu.enqueue_indirect_dma source(%dma_start3A_905 : memref<64x128xf32, #tpu.memory_space<vmem>>) target(%dma_start3A_911 : memref<10240x128xf32, #tpu.memory_space<vmem_shared>>) offsets(%dma_start3A_908 : memref<64xi32, #tpu.memory_space<vmem>>) semaphore(%run_scoped3A_901 : memref<!tpu.dma_semaphore, #tpu.memory_space<semaphore_mem>>) {add = true}
        %dma_wait3A_912 = arith.constant 0 : i32
        %dma_wait3A_913 = arith.constant 0 : i32
        %dma_wait3A_914 = tpu.memref_slice %arg9[%run_scoped3A_399, %dma_wait3A_912, %dma_wait3A_913] : memref<4x64x128xf32, #tpu.memory_space<vmem>> -> memref<1x64x128xf32, #tpu.memory_space<vmem>>
        %dma_wait3A_915 = tpu.memref_squeeze %dma_wait3A_914 : memref<1x64x128xf32, #tpu.memory_space<vmem>> -> memref<64x128xf32, #tpu.memory_space<vmem>>
        %dma_wait3A_916 = arith.constant 0 : i32
        %dma_wait3A_917 = tpu.memref_slice %arg8[%run_scoped3A_400, %dma_wait3A_916] : memref<32x64xi32, #tpu.memory_space<vmem>> -> memref<1x64xi32, #tpu.memory_space<vmem>>
        %dma_wait3A_918 = tpu.memref_squeeze %dma_wait3A_917 : memref<1x64xi32, #tpu.memory_space<vmem>> -> memref<64xi32, #tpu.memory_space<vmem>>
        %dma_wait3A_919 = arith.constant 0 : i32
        %dma_wait3A_920 = arith.constant 0 : i32
        %dma_wait3A_921 = tpu.memref_slice %arg10[%dma_wait3A_919, %dma_wait3A_920] : memref<10240x128xf32, #tpu.memory_space<vmem_shared>> -> memref<10240x128xf32, #tpu.memory_space<vmem_shared>>
        tpu.wait_indirect_dma semaphore(%run_scoped3A_901 : memref<!tpu.dma_semaphore, #tpu.memory_space<semaphore_mem>>) src(%dma_wait3A_915 : memref<64x128xf32, #tpu.memory_space<vmem>>) dst(%dma_wait3A_921 : memref<10240x128xf32, #tpu.memory_space<vmem_shared>>)
        tpu.yield
      }) : () -> ()
      %dma_start3A_401 = arith.constant 15 : i32
      %dma_start3A_402 = arith.constant 3 : i32
      %dma_start3A_403 = arith.constant 0 : i32
      %dma_start3A_404 = arith.constant 0 : i32
      %dma_start3A_405 = tpu.memref_slice %arg9[%dma_start3A_402, %dma_start3A_403, %dma_start3A_404] : memref<4x64x128xf32, #tpu.memory_space<vmem>> -> memref<1x64x128xf32, #tpu.memory_space<vmem>>
      %dma_start3A_406 = tpu.memref_squeeze %dma_start3A_405 : memref<1x64x128xf32, #tpu.memory_space<vmem>> -> memref<64x128xf32, #tpu.memory_space<vmem>>
      %dma_start3A_407 = arith.constant 0 : i32
      %dma_start3A_408 = tpu.memref_slice %arg7[%dma_start3A_401, %dma_start3A_407] : memref<32x64xi32, #tpu.memory_space<vmem>> -> memref<1x64xi32, #tpu.memory_space<vmem>>
      %dma_start3A_409 = tpu.memref_squeeze %dma_start3A_408 : memref<1x64xi32, #tpu.memory_space<vmem>> -> memref<64xi32, #tpu.memory_space<vmem>>
      %dma_start3A_410 = arith.constant 0 : i32
      %dma_start3A_411 = arith.constant 0 : i32
      %dma_start3A_412 = tpu.memref_slice %arg2[%dma_start3A_410, %dma_start3A_411] : memref<100000x128xf32, #tpu.memory_space<hbm>> -> memref<100000x128xf32, #tpu.memory_space<hbm>>
      tpu.enqueue_indirect_dma source(%dma_start3A_412 : memref<100000x128xf32, #tpu.memory_space<hbm>>) target(%dma_start3A_406 : memref<64x128xf32, #tpu.memory_space<vmem>>) offsets(%dma_start3A_409 : memref<64xi32, #tpu.memory_space<vmem>>) semaphore(%arg16 : memref<!tpu.dma_semaphore, #tpu.memory_space<semaphore_mem>>)
      %dma_wait3A_413 = arith.constant 12 : i32
      %dma_wait3A_414 = arith.constant 0 : i32
      %dma_wait3A_415 = arith.constant 0 : i32
      %dma_wait3A_416 = arith.constant 0 : i32
      %dma_wait3A_417 = tpu.memref_slice %arg9[%dma_wait3A_414, %dma_wait3A_415, %dma_wait3A_416] : memref<4x64x128xf32, #tpu.memory_space<vmem>> -> memref<1x64x128xf32, #tpu.memory_space<vmem>>
      %dma_wait3A_418 = tpu.memref_squeeze %dma_wait3A_417 : memref<1x64x128xf32, #tpu.memory_space<vmem>> -> memref<64x128xf32, #tpu.memory_space<vmem>>
      %dma_wait3A_419 = arith.constant 0 : i32
      %dma_wait3A_420 = tpu.memref_slice %arg7[%dma_wait3A_413, %dma_wait3A_419] : memref<32x64xi32, #tpu.memory_space<vmem>> -> memref<1x64xi32, #tpu.memory_space<vmem>>
      %dma_wait3A_421 = tpu.memref_squeeze %dma_wait3A_420 : memref<1x64xi32, #tpu.memory_space<vmem>> -> memref<64xi32, #tpu.memory_space<vmem>>
      %dma_wait3A_422 = arith.constant 0 : i32
      %dma_wait3A_423 = arith.constant 0 : i32
      %dma_wait3A_424 = tpu.memref_slice %arg2[%dma_wait3A_422, %dma_wait3A_423] : memref<100000x128xf32, #tpu.memory_space<hbm>> -> memref<100000x128xf32, #tpu.memory_space<hbm>>
      tpu.wait_indirect_dma semaphore(%arg13 : memref<!tpu.dma_semaphore, #tpu.memory_space<semaphore_mem>>) src(%dma_wait3A_424 : memref<100000x128xf32, #tpu.memory_space<hbm>>) dst(%dma_wait3A_418 : memref<64x128xf32, #tpu.memory_space<vmem>>)
      %run_scoped3A_425 = arith.constant 0 : i32
      %run_scoped3A_426 = arith.constant 12 : i32
      "tpu.region"() ({
        %run_scoped3A_901 = tpu.sem_alloc : memref<!tpu.dma_semaphore, #tpu.memory_space<semaphore_mem>>
        %dma_start3A_902 = arith.constant 0 : i32
        %dma_start3A_903 = arith.constant 0 : i32
        %dma_start3A_904 = tpu.memref_slice %arg9[%run_scoped3A_425, %dma_start3A_902, %dma_start3A_903] : memref<4x64x128xf32, #tpu.memory_space<vmem>> -> memref<1x64x128xf32, #tpu.memory_space<vmem>>
        %dma_start3A_905 = tpu.memref_squeeze %dma_start3A_904 : memref<1x64x128xf32, #tpu.memory_space<vmem>> -> memref<64x128xf32, #tpu.memory_space<vmem>>
        %dma_start3A_906 = arith.constant 0 : i32
        %dma_start3A_907 = tpu.memref_slice %arg8[%run_scoped3A_426, %dma_start3A_906] : memref<32x64xi32, #tpu.memory_space<vmem>> -> memref<1x64xi32, #tpu.memory_space<vmem>>
        %dma_start3A_908 = tpu.memref_squeeze %dma_start3A_907 : memref<1x64xi32, #tpu.memory_space<vmem>> -> memref<64xi32, #tpu.memory_space<vmem>>
        %dma_start3A_909 = arith.constant 0 : i32
        %dma_start3A_910 = arith.constant 0 : i32
        %dma_start3A_911 = tpu.memref_slice %arg10[%dma_start3A_909, %dma_start3A_910] : memref<10240x128xf32, #tpu.memory_space<vmem_shared>> -> memref<10240x128xf32, #tpu.memory_space<vmem_shared>>
        tpu.enqueue_indirect_dma source(%dma_start3A_905 : memref<64x128xf32, #tpu.memory_space<vmem>>) target(%dma_start3A_911 : memref<10240x128xf32, #tpu.memory_space<vmem_shared>>) offsets(%dma_start3A_908 : memref<64xi32, #tpu.memory_space<vmem>>) semaphore(%run_scoped3A_901 : memref<!tpu.dma_semaphore, #tpu.memory_space<semaphore_mem>>) {add = true}
        %dma_wait3A_912 = arith.constant 0 : i32
        %dma_wait3A_913 = arith.constant 0 : i32
        %dma_wait3A_914 = tpu.memref_slice %arg9[%run_scoped3A_425, %dma_wait3A_912, %dma_wait3A_913] : memref<4x64x128xf32, #tpu.memory_space<vmem>> -> memref<1x64x128xf32, #tpu.memory_space<vmem>>
        %dma_wait3A_915 = tpu.memref_squeeze %dma_wait3A_914 : memref<1x64x128xf32, #tpu.memory_space<vmem>> -> memref<64x128xf32, #tpu.memory_space<vmem>>
        %dma_wait3A_916 = arith.constant 0 : i32
        %dma_wait3A_917 = tpu.memref_slice %arg8[%run_scoped3A_426, %dma_wait3A_916] : memref<32x64xi32, #tpu.memory_space<vmem>> -> memref<1x64xi32, #tpu.memory_space<vmem>>
        %dma_wait3A_918 = tpu.memref_squeeze %dma_wait3A_917 : memref<1x64xi32, #tpu.memory_space<vmem>> -> memref<64xi32, #tpu.memory_space<vmem>>
        %dma_wait3A_919 = arith.constant 0 : i32
        %dma_wait3A_920 = arith.constant 0 : i32
        %dma_wait3A_921 = tpu.memref_slice %arg10[%dma_wait3A_919, %dma_wait3A_920] : memref<10240x128xf32, #tpu.memory_space<vmem_shared>> -> memref<10240x128xf32, #tpu.memory_space<vmem_shared>>
        tpu.wait_indirect_dma semaphore(%run_scoped3A_901 : memref<!tpu.dma_semaphore, #tpu.memory_space<semaphore_mem>>) src(%dma_wait3A_915 : memref<64x128xf32, #tpu.memory_space<vmem>>) dst(%dma_wait3A_921 : memref<10240x128xf32, #tpu.memory_space<vmem_shared>>)
        tpu.yield
      }) : () -> ()
      %dma_start3A_427 = arith.constant 16 : i32
      %dma_start3A_428 = arith.constant 0 : i32
      %dma_start3A_429 = arith.constant 0 : i32
      %dma_start3A_430 = arith.constant 0 : i32
      %dma_start3A_431 = tpu.memref_slice %arg9[%dma_start3A_428, %dma_start3A_429, %dma_start3A_430] : memref<4x64x128xf32, #tpu.memory_space<vmem>> -> memref<1x64x128xf32, #tpu.memory_space<vmem>>
      %dma_start3A_432 = tpu.memref_squeeze %dma_start3A_431 : memref<1x64x128xf32, #tpu.memory_space<vmem>> -> memref<64x128xf32, #tpu.memory_space<vmem>>
      %dma_start3A_433 = arith.constant 0 : i32
      %dma_start3A_434 = tpu.memref_slice %arg7[%dma_start3A_427, %dma_start3A_433] : memref<32x64xi32, #tpu.memory_space<vmem>> -> memref<1x64xi32, #tpu.memory_space<vmem>>
      %dma_start3A_435 = tpu.memref_squeeze %dma_start3A_434 : memref<1x64xi32, #tpu.memory_space<vmem>> -> memref<64xi32, #tpu.memory_space<vmem>>
      %dma_start3A_436 = arith.constant 0 : i32
      %dma_start3A_437 = arith.constant 0 : i32
      %dma_start3A_438 = tpu.memref_slice %arg2[%dma_start3A_436, %dma_start3A_437] : memref<100000x128xf32, #tpu.memory_space<hbm>> -> memref<100000x128xf32, #tpu.memory_space<hbm>>
      tpu.enqueue_indirect_dma source(%dma_start3A_438 : memref<100000x128xf32, #tpu.memory_space<hbm>>) target(%dma_start3A_432 : memref<64x128xf32, #tpu.memory_space<vmem>>) offsets(%dma_start3A_435 : memref<64xi32, #tpu.memory_space<vmem>>) semaphore(%arg13 : memref<!tpu.dma_semaphore, #tpu.memory_space<semaphore_mem>>)
      %dma_wait3A_439 = arith.constant 13 : i32
      %dma_wait3A_440 = arith.constant 1 : i32
      %dma_wait3A_441 = arith.constant 0 : i32
      %dma_wait3A_442 = arith.constant 0 : i32
      %dma_wait3A_443 = tpu.memref_slice %arg9[%dma_wait3A_440, %dma_wait3A_441, %dma_wait3A_442] : memref<4x64x128xf32, #tpu.memory_space<vmem>> -> memref<1x64x128xf32, #tpu.memory_space<vmem>>
      %dma_wait3A_444 = tpu.memref_squeeze %dma_wait3A_443 : memref<1x64x128xf32, #tpu.memory_space<vmem>> -> memref<64x128xf32, #tpu.memory_space<vmem>>
      %dma_wait3A_445 = arith.constant 0 : i32
      %dma_wait3A_446 = tpu.memref_slice %arg7[%dma_wait3A_439, %dma_wait3A_445] : memref<32x64xi32, #tpu.memory_space<vmem>> -> memref<1x64xi32, #tpu.memory_space<vmem>>
      %dma_wait3A_447 = tpu.memref_squeeze %dma_wait3A_446 : memref<1x64xi32, #tpu.memory_space<vmem>> -> memref<64xi32, #tpu.memory_space<vmem>>
      %dma_wait3A_448 = arith.constant 0 : i32
      %dma_wait3A_449 = arith.constant 0 : i32
      %dma_wait3A_450 = tpu.memref_slice %arg2[%dma_wait3A_448, %dma_wait3A_449] : memref<100000x128xf32, #tpu.memory_space<hbm>> -> memref<100000x128xf32, #tpu.memory_space<hbm>>
      tpu.wait_indirect_dma semaphore(%arg14 : memref<!tpu.dma_semaphore, #tpu.memory_space<semaphore_mem>>) src(%dma_wait3A_450 : memref<100000x128xf32, #tpu.memory_space<hbm>>) dst(%dma_wait3A_444 : memref<64x128xf32, #tpu.memory_space<vmem>>)
      %run_scoped3A_451 = arith.constant 1 : i32
      %run_scoped3A_452 = arith.constant 13 : i32
      "tpu.region"() ({
        %run_scoped3A_901 = tpu.sem_alloc : memref<!tpu.dma_semaphore, #tpu.memory_space<semaphore_mem>>
        %dma_start3A_902 = arith.constant 0 : i32
        %dma_start3A_903 = arith.constant 0 : i32
        %dma_start3A_904 = tpu.memref_slice %arg9[%run_scoped3A_451, %dma_start3A_902, %dma_start3A_903] : memref<4x64x128xf32, #tpu.memory_space<vmem>> -> memref<1x64x128xf32, #tpu.memory_space<vmem>>
        %dma_start3A_905 = tpu.memref_squeeze %dma_start3A_904 : memref<1x64x128xf32, #tpu.memory_space<vmem>> -> memref<64x128xf32, #tpu.memory_space<vmem>>
        %dma_start3A_906 = arith.constant 0 : i32
        %dma_start3A_907 = tpu.memref_slice %arg8[%run_scoped3A_452, %dma_start3A_906] : memref<32x64xi32, #tpu.memory_space<vmem>> -> memref<1x64xi32, #tpu.memory_space<vmem>>
        %dma_start3A_908 = tpu.memref_squeeze %dma_start3A_907 : memref<1x64xi32, #tpu.memory_space<vmem>> -> memref<64xi32, #tpu.memory_space<vmem>>
        %dma_start3A_909 = arith.constant 0 : i32
        %dma_start3A_910 = arith.constant 0 : i32
        %dma_start3A_911 = tpu.memref_slice %arg10[%dma_start3A_909, %dma_start3A_910] : memref<10240x128xf32, #tpu.memory_space<vmem_shared>> -> memref<10240x128xf32, #tpu.memory_space<vmem_shared>>
        tpu.enqueue_indirect_dma source(%dma_start3A_905 : memref<64x128xf32, #tpu.memory_space<vmem>>) target(%dma_start3A_911 : memref<10240x128xf32, #tpu.memory_space<vmem_shared>>) offsets(%dma_start3A_908 : memref<64xi32, #tpu.memory_space<vmem>>) semaphore(%run_scoped3A_901 : memref<!tpu.dma_semaphore, #tpu.memory_space<semaphore_mem>>) {add = true}
        %dma_wait3A_912 = arith.constant 0 : i32
        %dma_wait3A_913 = arith.constant 0 : i32
        %dma_wait3A_914 = tpu.memref_slice %arg9[%run_scoped3A_451, %dma_wait3A_912, %dma_wait3A_913] : memref<4x64x128xf32, #tpu.memory_space<vmem>> -> memref<1x64x128xf32, #tpu.memory_space<vmem>>
        %dma_wait3A_915 = tpu.memref_squeeze %dma_wait3A_914 : memref<1x64x128xf32, #tpu.memory_space<vmem>> -> memref<64x128xf32, #tpu.memory_space<vmem>>
        %dma_wait3A_916 = arith.constant 0 : i32
        %dma_wait3A_917 = tpu.memref_slice %arg8[%run_scoped3A_452, %dma_wait3A_916] : memref<32x64xi32, #tpu.memory_space<vmem>> -> memref<1x64xi32, #tpu.memory_space<vmem>>
        %dma_wait3A_918 = tpu.memref_squeeze %dma_wait3A_917 : memref<1x64xi32, #tpu.memory_space<vmem>> -> memref<64xi32, #tpu.memory_space<vmem>>
        %dma_wait3A_919 = arith.constant 0 : i32
        %dma_wait3A_920 = arith.constant 0 : i32
        %dma_wait3A_921 = tpu.memref_slice %arg10[%dma_wait3A_919, %dma_wait3A_920] : memref<10240x128xf32, #tpu.memory_space<vmem_shared>> -> memref<10240x128xf32, #tpu.memory_space<vmem_shared>>
        tpu.wait_indirect_dma semaphore(%run_scoped3A_901 : memref<!tpu.dma_semaphore, #tpu.memory_space<semaphore_mem>>) src(%dma_wait3A_915 : memref<64x128xf32, #tpu.memory_space<vmem>>) dst(%dma_wait3A_921 : memref<10240x128xf32, #tpu.memory_space<vmem_shared>>)
        tpu.yield
      }) : () -> ()
      %dma_start3A_453 = arith.constant 17 : i32
      %dma_start3A_454 = arith.constant 1 : i32
      %dma_start3A_455 = arith.constant 0 : i32
      %dma_start3A_456 = arith.constant 0 : i32
      %dma_start3A_457 = tpu.memref_slice %arg9[%dma_start3A_454, %dma_start3A_455, %dma_start3A_456] : memref<4x64x128xf32, #tpu.memory_space<vmem>> -> memref<1x64x128xf32, #tpu.memory_space<vmem>>
      %dma_start3A_458 = tpu.memref_squeeze %dma_start3A_457 : memref<1x64x128xf32, #tpu.memory_space<vmem>> -> memref<64x128xf32, #tpu.memory_space<vmem>>
      %dma_start3A_459 = arith.constant 0 : i32
      %dma_start3A_460 = tpu.memref_slice %arg7[%dma_start3A_453, %dma_start3A_459] : memref<32x64xi32, #tpu.memory_space<vmem>> -> memref<1x64xi32, #tpu.memory_space<vmem>>
      %dma_start3A_461 = tpu.memref_squeeze %dma_start3A_460 : memref<1x64xi32, #tpu.memory_space<vmem>> -> memref<64xi32, #tpu.memory_space<vmem>>
      %dma_start3A_462 = arith.constant 0 : i32
      %dma_start3A_463 = arith.constant 0 : i32
      %dma_start3A_464 = tpu.memref_slice %arg2[%dma_start3A_462, %dma_start3A_463] : memref<100000x128xf32, #tpu.memory_space<hbm>> -> memref<100000x128xf32, #tpu.memory_space<hbm>>
      tpu.enqueue_indirect_dma source(%dma_start3A_464 : memref<100000x128xf32, #tpu.memory_space<hbm>>) target(%dma_start3A_458 : memref<64x128xf32, #tpu.memory_space<vmem>>) offsets(%dma_start3A_461 : memref<64xi32, #tpu.memory_space<vmem>>) semaphore(%arg14 : memref<!tpu.dma_semaphore, #tpu.memory_space<semaphore_mem>>)
      %dma_wait3A_465 = arith.constant 14 : i32
      %dma_wait3A_466 = arith.constant 2 : i32
      %dma_wait3A_467 = arith.constant 0 : i32
      %dma_wait3A_468 = arith.constant 0 : i32
      %dma_wait3A_469 = tpu.memref_slice %arg9[%dma_wait3A_466, %dma_wait3A_467, %dma_wait3A_468] : memref<4x64x128xf32, #tpu.memory_space<vmem>> -> memref<1x64x128xf32, #tpu.memory_space<vmem>>
      %dma_wait3A_470 = tpu.memref_squeeze %dma_wait3A_469 : memref<1x64x128xf32, #tpu.memory_space<vmem>> -> memref<64x128xf32, #tpu.memory_space<vmem>>
      %dma_wait3A_471 = arith.constant 0 : i32
      %dma_wait3A_472 = tpu.memref_slice %arg7[%dma_wait3A_465, %dma_wait3A_471] : memref<32x64xi32, #tpu.memory_space<vmem>> -> memref<1x64xi32, #tpu.memory_space<vmem>>
      %dma_wait3A_473 = tpu.memref_squeeze %dma_wait3A_472 : memref<1x64xi32, #tpu.memory_space<vmem>> -> memref<64xi32, #tpu.memory_space<vmem>>
      %dma_wait3A_474 = arith.constant 0 : i32
      %dma_wait3A_475 = arith.constant 0 : i32
      %dma_wait3A_476 = tpu.memref_slice %arg2[%dma_wait3A_474, %dma_wait3A_475] : memref<100000x128xf32, #tpu.memory_space<hbm>> -> memref<100000x128xf32, #tpu.memory_space<hbm>>
      tpu.wait_indirect_dma semaphore(%arg15 : memref<!tpu.dma_semaphore, #tpu.memory_space<semaphore_mem>>) src(%dma_wait3A_476 : memref<100000x128xf32, #tpu.memory_space<hbm>>) dst(%dma_wait3A_470 : memref<64x128xf32, #tpu.memory_space<vmem>>)
      %run_scoped3A_477 = arith.constant 2 : i32
      %run_scoped3A_478 = arith.constant 14 : i32
      "tpu.region"() ({
        %run_scoped3A_901 = tpu.sem_alloc : memref<!tpu.dma_semaphore, #tpu.memory_space<semaphore_mem>>
        %dma_start3A_902 = arith.constant 0 : i32
        %dma_start3A_903 = arith.constant 0 : i32
        %dma_start3A_904 = tpu.memref_slice %arg9[%run_scoped3A_477, %dma_start3A_902, %dma_start3A_903] : memref<4x64x128xf32, #tpu.memory_space<vmem>> -> memref<1x64x128xf32, #tpu.memory_space<vmem>>
        %dma_start3A_905 = tpu.memref_squeeze %dma_start3A_904 : memref<1x64x128xf32, #tpu.memory_space<vmem>> -> memref<64x128xf32, #tpu.memory_space<vmem>>
        %dma_start3A_906 = arith.constant 0 : i32
        %dma_start3A_907 = tpu.memref_slice %arg8[%run_scoped3A_478, %dma_start3A_906] : memref<32x64xi32, #tpu.memory_space<vmem>> -> memref<1x64xi32, #tpu.memory_space<vmem>>
        %dma_start3A_908 = tpu.memref_squeeze %dma_start3A_907 : memref<1x64xi32, #tpu.memory_space<vmem>> -> memref<64xi32, #tpu.memory_space<vmem>>
        %dma_start3A_909 = arith.constant 0 : i32
        %dma_start3A_910 = arith.constant 0 : i32
        %dma_start3A_911 = tpu.memref_slice %arg10[%dma_start3A_909, %dma_start3A_910] : memref<10240x128xf32, #tpu.memory_space<vmem_shared>> -> memref<10240x128xf32, #tpu.memory_space<vmem_shared>>
        tpu.enqueue_indirect_dma source(%dma_start3A_905 : memref<64x128xf32, #tpu.memory_space<vmem>>) target(%dma_start3A_911 : memref<10240x128xf32, #tpu.memory_space<vmem_shared>>) offsets(%dma_start3A_908 : memref<64xi32, #tpu.memory_space<vmem>>) semaphore(%run_scoped3A_901 : memref<!tpu.dma_semaphore, #tpu.memory_space<semaphore_mem>>) {add = true}
        %dma_wait3A_912 = arith.constant 0 : i32
        %dma_wait3A_913 = arith.constant 0 : i32
        %dma_wait3A_914 = tpu.memref_slice %arg9[%run_scoped3A_477, %dma_wait3A_912, %dma_wait3A_913] : memref<4x64x128xf32, #tpu.memory_space<vmem>> -> memref<1x64x128xf32, #tpu.memory_space<vmem>>
        %dma_wait3A_915 = tpu.memref_squeeze %dma_wait3A_914 : memref<1x64x128xf32, #tpu.memory_space<vmem>> -> memref<64x128xf32, #tpu.memory_space<vmem>>
        %dma_wait3A_916 = arith.constant 0 : i32
        %dma_wait3A_917 = tpu.memref_slice %arg8[%run_scoped3A_478, %dma_wait3A_916] : memref<32x64xi32, #tpu.memory_space<vmem>> -> memref<1x64xi32, #tpu.memory_space<vmem>>
        %dma_wait3A_918 = tpu.memref_squeeze %dma_wait3A_917 : memref<1x64xi32, #tpu.memory_space<vmem>> -> memref<64xi32, #tpu.memory_space<vmem>>
        %dma_wait3A_919 = arith.constant 0 : i32
        %dma_wait3A_920 = arith.constant 0 : i32
        %dma_wait3A_921 = tpu.memref_slice %arg10[%dma_wait3A_919, %dma_wait3A_920] : memref<10240x128xf32, #tpu.memory_space<vmem_shared>> -> memref<10240x128xf32, #tpu.memory_space<vmem_shared>>
        tpu.wait_indirect_dma semaphore(%run_scoped3A_901 : memref<!tpu.dma_semaphore, #tpu.memory_space<semaphore_mem>>) src(%dma_wait3A_915 : memref<64x128xf32, #tpu.memory_space<vmem>>) dst(%dma_wait3A_921 : memref<10240x128xf32, #tpu.memory_space<vmem_shared>>)
        tpu.yield
      }) : () -> ()
      %dma_start3A_479 = arith.constant 18 : i32
      %dma_start3A_480 = arith.constant 2 : i32
      %dma_start3A_481 = arith.constant 0 : i32
      %dma_start3A_482 = arith.constant 0 : i32
      %dma_start3A_483 = tpu.memref_slice %arg9[%dma_start3A_480, %dma_start3A_481, %dma_start3A_482] : memref<4x64x128xf32, #tpu.memory_space<vmem>> -> memref<1x64x128xf32, #tpu.memory_space<vmem>>
      %dma_start3A_484 = tpu.memref_squeeze %dma_start3A_483 : memref<1x64x128xf32, #tpu.memory_space<vmem>> -> memref<64x128xf32, #tpu.memory_space<vmem>>
      %dma_start3A_485 = arith.constant 0 : i32
      %dma_start3A_486 = tpu.memref_slice %arg7[%dma_start3A_479, %dma_start3A_485] : memref<32x64xi32, #tpu.memory_space<vmem>> -> memref<1x64xi32, #tpu.memory_space<vmem>>
      %dma_start3A_487 = tpu.memref_squeeze %dma_start3A_486 : memref<1x64xi32, #tpu.memory_space<vmem>> -> memref<64xi32, #tpu.memory_space<vmem>>
      %dma_start3A_488 = arith.constant 0 : i32
      %dma_start3A_489 = arith.constant 0 : i32
      %dma_start3A_490 = tpu.memref_slice %arg2[%dma_start3A_488, %dma_start3A_489] : memref<100000x128xf32, #tpu.memory_space<hbm>> -> memref<100000x128xf32, #tpu.memory_space<hbm>>
      tpu.enqueue_indirect_dma source(%dma_start3A_490 : memref<100000x128xf32, #tpu.memory_space<hbm>>) target(%dma_start3A_484 : memref<64x128xf32, #tpu.memory_space<vmem>>) offsets(%dma_start3A_487 : memref<64xi32, #tpu.memory_space<vmem>>) semaphore(%arg15 : memref<!tpu.dma_semaphore, #tpu.memory_space<semaphore_mem>>)
      %dma_wait3A_491 = arith.constant 15 : i32
      %dma_wait3A_492 = arith.constant 3 : i32
      %dma_wait3A_493 = arith.constant 0 : i32
      %dma_wait3A_494 = arith.constant 0 : i32
      %dma_wait3A_495 = tpu.memref_slice %arg9[%dma_wait3A_492, %dma_wait3A_493, %dma_wait3A_494] : memref<4x64x128xf32, #tpu.memory_space<vmem>> -> memref<1x64x128xf32, #tpu.memory_space<vmem>>
      %dma_wait3A_496 = tpu.memref_squeeze %dma_wait3A_495 : memref<1x64x128xf32, #tpu.memory_space<vmem>> -> memref<64x128xf32, #tpu.memory_space<vmem>>
      %dma_wait3A_497 = arith.constant 0 : i32
      %dma_wait3A_498 = tpu.memref_slice %arg7[%dma_wait3A_491, %dma_wait3A_497] : memref<32x64xi32, #tpu.memory_space<vmem>> -> memref<1x64xi32, #tpu.memory_space<vmem>>
      %dma_wait3A_499 = tpu.memref_squeeze %dma_wait3A_498 : memref<1x64xi32, #tpu.memory_space<vmem>> -> memref<64xi32, #tpu.memory_space<vmem>>
      %dma_wait3A_500 = arith.constant 0 : i32
      %dma_wait3A_501 = arith.constant 0 : i32
      %dma_wait3A_502 = tpu.memref_slice %arg2[%dma_wait3A_500, %dma_wait3A_501] : memref<100000x128xf32, #tpu.memory_space<hbm>> -> memref<100000x128xf32, #tpu.memory_space<hbm>>
      tpu.wait_indirect_dma semaphore(%arg16 : memref<!tpu.dma_semaphore, #tpu.memory_space<semaphore_mem>>) src(%dma_wait3A_502 : memref<100000x128xf32, #tpu.memory_space<hbm>>) dst(%dma_wait3A_496 : memref<64x128xf32, #tpu.memory_space<vmem>>)
      %run_scoped3A_503 = arith.constant 3 : i32
      %run_scoped3A_504 = arith.constant 15 : i32
      "tpu.region"() ({
        %run_scoped3A_901 = tpu.sem_alloc : memref<!tpu.dma_semaphore, #tpu.memory_space<semaphore_mem>>
        %dma_start3A_902 = arith.constant 0 : i32
        %dma_start3A_903 = arith.constant 0 : i32
        %dma_start3A_904 = tpu.memref_slice %arg9[%run_scoped3A_503, %dma_start3A_902, %dma_start3A_903] : memref<4x64x128xf32, #tpu.memory_space<vmem>> -> memref<1x64x128xf32, #tpu.memory_space<vmem>>
        %dma_start3A_905 = tpu.memref_squeeze %dma_start3A_904 : memref<1x64x128xf32, #tpu.memory_space<vmem>> -> memref<64x128xf32, #tpu.memory_space<vmem>>
        %dma_start3A_906 = arith.constant 0 : i32
        %dma_start3A_907 = tpu.memref_slice %arg8[%run_scoped3A_504, %dma_start3A_906] : memref<32x64xi32, #tpu.memory_space<vmem>> -> memref<1x64xi32, #tpu.memory_space<vmem>>
        %dma_start3A_908 = tpu.memref_squeeze %dma_start3A_907 : memref<1x64xi32, #tpu.memory_space<vmem>> -> memref<64xi32, #tpu.memory_space<vmem>>
        %dma_start3A_909 = arith.constant 0 : i32
        %dma_start3A_910 = arith.constant 0 : i32
        %dma_start3A_911 = tpu.memref_slice %arg10[%dma_start3A_909, %dma_start3A_910] : memref<10240x128xf32, #tpu.memory_space<vmem_shared>> -> memref<10240x128xf32, #tpu.memory_space<vmem_shared>>
        tpu.enqueue_indirect_dma source(%dma_start3A_905 : memref<64x128xf32, #tpu.memory_space<vmem>>) target(%dma_start3A_911 : memref<10240x128xf32, #tpu.memory_space<vmem_shared>>) offsets(%dma_start3A_908 : memref<64xi32, #tpu.memory_space<vmem>>) semaphore(%run_scoped3A_901 : memref<!tpu.dma_semaphore, #tpu.memory_space<semaphore_mem>>) {add = true}
        %dma_wait3A_912 = arith.constant 0 : i32
        %dma_wait3A_913 = arith.constant 0 : i32
        %dma_wait3A_914 = tpu.memref_slice %arg9[%run_scoped3A_503, %dma_wait3A_912, %dma_wait3A_913] : memref<4x64x128xf32, #tpu.memory_space<vmem>> -> memref<1x64x128xf32, #tpu.memory_space<vmem>>
        %dma_wait3A_915 = tpu.memref_squeeze %dma_wait3A_914 : memref<1x64x128xf32, #tpu.memory_space<vmem>> -> memref<64x128xf32, #tpu.memory_space<vmem>>
        %dma_wait3A_916 = arith.constant 0 : i32
        %dma_wait3A_917 = tpu.memref_slice %arg8[%run_scoped3A_504, %dma_wait3A_916] : memref<32x64xi32, #tpu.memory_space<vmem>> -> memref<1x64xi32, #tpu.memory_space<vmem>>
        %dma_wait3A_918 = tpu.memref_squeeze %dma_wait3A_917 : memref<1x64xi32, #tpu.memory_space<vmem>> -> memref<64xi32, #tpu.memory_space<vmem>>
        %dma_wait3A_919 = arith.constant 0 : i32
        %dma_wait3A_920 = arith.constant 0 : i32
        %dma_wait3A_921 = tpu.memref_slice %arg10[%dma_wait3A_919, %dma_wait3A_920] : memref<10240x128xf32, #tpu.memory_space<vmem_shared>> -> memref<10240x128xf32, #tpu.memory_space<vmem_shared>>
        tpu.wait_indirect_dma semaphore(%run_scoped3A_901 : memref<!tpu.dma_semaphore, #tpu.memory_space<semaphore_mem>>) src(%dma_wait3A_915 : memref<64x128xf32, #tpu.memory_space<vmem>>) dst(%dma_wait3A_921 : memref<10240x128xf32, #tpu.memory_space<vmem_shared>>)
        tpu.yield
      }) : () -> ()
      %dma_start3A_505 = arith.constant 19 : i32
      %dma_start3A_506 = arith.constant 3 : i32
      %dma_start3A_507 = arith.constant 0 : i32
      %dma_start3A_508 = arith.constant 0 : i32
      %dma_start3A_509 = tpu.memref_slice %arg9[%dma_start3A_506, %dma_start3A_507, %dma_start3A_508] : memref<4x64x128xf32, #tpu.memory_space<vmem>> -> memref<1x64x128xf32, #tpu.memory_space<vmem>>
      %dma_start3A_510 = tpu.memref_squeeze %dma_start3A_509 : memref<1x64x128xf32, #tpu.memory_space<vmem>> -> memref<64x128xf32, #tpu.memory_space<vmem>>
      %dma_start3A_511 = arith.constant 0 : i32
      %dma_start3A_512 = tpu.memref_slice %arg7[%dma_start3A_505, %dma_start3A_511] : memref<32x64xi32, #tpu.memory_space<vmem>> -> memref<1x64xi32, #tpu.memory_space<vmem>>
      %dma_start3A_513 = tpu.memref_squeeze %dma_start3A_512 : memref<1x64xi32, #tpu.memory_space<vmem>> -> memref<64xi32, #tpu.memory_space<vmem>>
      %dma_start3A_514 = arith.constant 0 : i32
      %dma_start3A_515 = arith.constant 0 : i32
      %dma_start3A_516 = tpu.memref_slice %arg2[%dma_start3A_514, %dma_start3A_515] : memref<100000x128xf32, #tpu.memory_space<hbm>> -> memref<100000x128xf32, #tpu.memory_space<hbm>>
      tpu.enqueue_indirect_dma source(%dma_start3A_516 : memref<100000x128xf32, #tpu.memory_space<hbm>>) target(%dma_start3A_510 : memref<64x128xf32, #tpu.memory_space<vmem>>) offsets(%dma_start3A_513 : memref<64xi32, #tpu.memory_space<vmem>>) semaphore(%arg16 : memref<!tpu.dma_semaphore, #tpu.memory_space<semaphore_mem>>)
      %dma_wait3A_517 = arith.constant 16 : i32
      %dma_wait3A_518 = arith.constant 0 : i32
      %dma_wait3A_519 = arith.constant 0 : i32
      %dma_wait3A_520 = arith.constant 0 : i32
      %dma_wait3A_521 = tpu.memref_slice %arg9[%dma_wait3A_518, %dma_wait3A_519, %dma_wait3A_520] : memref<4x64x128xf32, #tpu.memory_space<vmem>> -> memref<1x64x128xf32, #tpu.memory_space<vmem>>
      %dma_wait3A_522 = tpu.memref_squeeze %dma_wait3A_521 : memref<1x64x128xf32, #tpu.memory_space<vmem>> -> memref<64x128xf32, #tpu.memory_space<vmem>>
      %dma_wait3A_523 = arith.constant 0 : i32
      %dma_wait3A_524 = tpu.memref_slice %arg7[%dma_wait3A_517, %dma_wait3A_523] : memref<32x64xi32, #tpu.memory_space<vmem>> -> memref<1x64xi32, #tpu.memory_space<vmem>>
      %dma_wait3A_525 = tpu.memref_squeeze %dma_wait3A_524 : memref<1x64xi32, #tpu.memory_space<vmem>> -> memref<64xi32, #tpu.memory_space<vmem>>
      %dma_wait3A_526 = arith.constant 0 : i32
      %dma_wait3A_527 = arith.constant 0 : i32
      %dma_wait3A_528 = tpu.memref_slice %arg2[%dma_wait3A_526, %dma_wait3A_527] : memref<100000x128xf32, #tpu.memory_space<hbm>> -> memref<100000x128xf32, #tpu.memory_space<hbm>>
      tpu.wait_indirect_dma semaphore(%arg13 : memref<!tpu.dma_semaphore, #tpu.memory_space<semaphore_mem>>) src(%dma_wait3A_528 : memref<100000x128xf32, #tpu.memory_space<hbm>>) dst(%dma_wait3A_522 : memref<64x128xf32, #tpu.memory_space<vmem>>)
      %run_scoped3A_529 = arith.constant 0 : i32
      %run_scoped3A_530 = arith.constant 16 : i32
      "tpu.region"() ({
        %run_scoped3A_901 = tpu.sem_alloc : memref<!tpu.dma_semaphore, #tpu.memory_space<semaphore_mem>>
        %dma_start3A_902 = arith.constant 0 : i32
        %dma_start3A_903 = arith.constant 0 : i32
        %dma_start3A_904 = tpu.memref_slice %arg9[%run_scoped3A_529, %dma_start3A_902, %dma_start3A_903] : memref<4x64x128xf32, #tpu.memory_space<vmem>> -> memref<1x64x128xf32, #tpu.memory_space<vmem>>
        %dma_start3A_905 = tpu.memref_squeeze %dma_start3A_904 : memref<1x64x128xf32, #tpu.memory_space<vmem>> -> memref<64x128xf32, #tpu.memory_space<vmem>>
        %dma_start3A_906 = arith.constant 0 : i32
        %dma_start3A_907 = tpu.memref_slice %arg8[%run_scoped3A_530, %dma_start3A_906] : memref<32x64xi32, #tpu.memory_space<vmem>> -> memref<1x64xi32, #tpu.memory_space<vmem>>
        %dma_start3A_908 = tpu.memref_squeeze %dma_start3A_907 : memref<1x64xi32, #tpu.memory_space<vmem>> -> memref<64xi32, #tpu.memory_space<vmem>>
        %dma_start3A_909 = arith.constant 0 : i32
        %dma_start3A_910 = arith.constant 0 : i32
        %dma_start3A_911 = tpu.memref_slice %arg10[%dma_start3A_909, %dma_start3A_910] : memref<10240x128xf32, #tpu.memory_space<vmem_shared>> -> memref<10240x128xf32, #tpu.memory_space<vmem_shared>>
        tpu.enqueue_indirect_dma source(%dma_start3A_905 : memref<64x128xf32, #tpu.memory_space<vmem>>) target(%dma_start3A_911 : memref<10240x128xf32, #tpu.memory_space<vmem_shared>>) offsets(%dma_start3A_908 : memref<64xi32, #tpu.memory_space<vmem>>) semaphore(%run_scoped3A_901 : memref<!tpu.dma_semaphore, #tpu.memory_space<semaphore_mem>>) {add = true}
        %dma_wait3A_912 = arith.constant 0 : i32
        %dma_wait3A_913 = arith.constant 0 : i32
        %dma_wait3A_914 = tpu.memref_slice %arg9[%run_scoped3A_529, %dma_wait3A_912, %dma_wait3A_913] : memref<4x64x128xf32, #tpu.memory_space<vmem>> -> memref<1x64x128xf32, #tpu.memory_space<vmem>>
        %dma_wait3A_915 = tpu.memref_squeeze %dma_wait3A_914 : memref<1x64x128xf32, #tpu.memory_space<vmem>> -> memref<64x128xf32, #tpu.memory_space<vmem>>
        %dma_wait3A_916 = arith.constant 0 : i32
        %dma_wait3A_917 = tpu.memref_slice %arg8[%run_scoped3A_530, %dma_wait3A_916] : memref<32x64xi32, #tpu.memory_space<vmem>> -> memref<1x64xi32, #tpu.memory_space<vmem>>
        %dma_wait3A_918 = tpu.memref_squeeze %dma_wait3A_917 : memref<1x64xi32, #tpu.memory_space<vmem>> -> memref<64xi32, #tpu.memory_space<vmem>>
        %dma_wait3A_919 = arith.constant 0 : i32
        %dma_wait3A_920 = arith.constant 0 : i32
        %dma_wait3A_921 = tpu.memref_slice %arg10[%dma_wait3A_919, %dma_wait3A_920] : memref<10240x128xf32, #tpu.memory_space<vmem_shared>> -> memref<10240x128xf32, #tpu.memory_space<vmem_shared>>
        tpu.wait_indirect_dma semaphore(%run_scoped3A_901 : memref<!tpu.dma_semaphore, #tpu.memory_space<semaphore_mem>>) src(%dma_wait3A_915 : memref<64x128xf32, #tpu.memory_space<vmem>>) dst(%dma_wait3A_921 : memref<10240x128xf32, #tpu.memory_space<vmem_shared>>)
        tpu.yield
      }) : () -> ()
      %dma_start3A_531 = arith.constant 20 : i32
      %dma_start3A_532 = arith.constant 0 : i32
      %dma_start3A_533 = arith.constant 0 : i32
      %dma_start3A_534 = arith.constant 0 : i32
      %dma_start3A_535 = tpu.memref_slice %arg9[%dma_start3A_532, %dma_start3A_533, %dma_start3A_534] : memref<4x64x128xf32, #tpu.memory_space<vmem>> -> memref<1x64x128xf32, #tpu.memory_space<vmem>>
      %dma_start3A_536 = tpu.memref_squeeze %dma_start3A_535 : memref<1x64x128xf32, #tpu.memory_space<vmem>> -> memref<64x128xf32, #tpu.memory_space<vmem>>
      %dma_start3A_537 = arith.constant 0 : i32
      %dma_start3A_538 = tpu.memref_slice %arg7[%dma_start3A_531, %dma_start3A_537] : memref<32x64xi32, #tpu.memory_space<vmem>> -> memref<1x64xi32, #tpu.memory_space<vmem>>
      %dma_start3A_539 = tpu.memref_squeeze %dma_start3A_538 : memref<1x64xi32, #tpu.memory_space<vmem>> -> memref<64xi32, #tpu.memory_space<vmem>>
      %dma_start3A_540 = arith.constant 0 : i32
      %dma_start3A_541 = arith.constant 0 : i32
      %dma_start3A_542 = tpu.memref_slice %arg2[%dma_start3A_540, %dma_start3A_541] : memref<100000x128xf32, #tpu.memory_space<hbm>> -> memref<100000x128xf32, #tpu.memory_space<hbm>>
      tpu.enqueue_indirect_dma source(%dma_start3A_542 : memref<100000x128xf32, #tpu.memory_space<hbm>>) target(%dma_start3A_536 : memref<64x128xf32, #tpu.memory_space<vmem>>) offsets(%dma_start3A_539 : memref<64xi32, #tpu.memory_space<vmem>>) semaphore(%arg13 : memref<!tpu.dma_semaphore, #tpu.memory_space<semaphore_mem>>)
      %dma_wait3A_543 = arith.constant 17 : i32
      %dma_wait3A_544 = arith.constant 1 : i32
      %dma_wait3A_545 = arith.constant 0 : i32
      %dma_wait3A_546 = arith.constant 0 : i32
      %dma_wait3A_547 = tpu.memref_slice %arg9[%dma_wait3A_544, %dma_wait3A_545, %dma_wait3A_546] : memref<4x64x128xf32, #tpu.memory_space<vmem>> -> memref<1x64x128xf32, #tpu.memory_space<vmem>>
      %dma_wait3A_548 = tpu.memref_squeeze %dma_wait3A_547 : memref<1x64x128xf32, #tpu.memory_space<vmem>> -> memref<64x128xf32, #tpu.memory_space<vmem>>
      %dma_wait3A_549 = arith.constant 0 : i32
      %dma_wait3A_550 = tpu.memref_slice %arg7[%dma_wait3A_543, %dma_wait3A_549] : memref<32x64xi32, #tpu.memory_space<vmem>> -> memref<1x64xi32, #tpu.memory_space<vmem>>
      %dma_wait3A_551 = tpu.memref_squeeze %dma_wait3A_550 : memref<1x64xi32, #tpu.memory_space<vmem>> -> memref<64xi32, #tpu.memory_space<vmem>>
      %dma_wait3A_552 = arith.constant 0 : i32
      %dma_wait3A_553 = arith.constant 0 : i32
      %dma_wait3A_554 = tpu.memref_slice %arg2[%dma_wait3A_552, %dma_wait3A_553] : memref<100000x128xf32, #tpu.memory_space<hbm>> -> memref<100000x128xf32, #tpu.memory_space<hbm>>
      tpu.wait_indirect_dma semaphore(%arg14 : memref<!tpu.dma_semaphore, #tpu.memory_space<semaphore_mem>>) src(%dma_wait3A_554 : memref<100000x128xf32, #tpu.memory_space<hbm>>) dst(%dma_wait3A_548 : memref<64x128xf32, #tpu.memory_space<vmem>>)
      %run_scoped3A_555 = arith.constant 1 : i32
      %run_scoped3A_556 = arith.constant 17 : i32
      "tpu.region"() ({
        %run_scoped3A_901 = tpu.sem_alloc : memref<!tpu.dma_semaphore, #tpu.memory_space<semaphore_mem>>
        %dma_start3A_902 = arith.constant 0 : i32
        %dma_start3A_903 = arith.constant 0 : i32
        %dma_start3A_904 = tpu.memref_slice %arg9[%run_scoped3A_555, %dma_start3A_902, %dma_start3A_903] : memref<4x64x128xf32, #tpu.memory_space<vmem>> -> memref<1x64x128xf32, #tpu.memory_space<vmem>>
        %dma_start3A_905 = tpu.memref_squeeze %dma_start3A_904 : memref<1x64x128xf32, #tpu.memory_space<vmem>> -> memref<64x128xf32, #tpu.memory_space<vmem>>
        %dma_start3A_906 = arith.constant 0 : i32
        %dma_start3A_907 = tpu.memref_slice %arg8[%run_scoped3A_556, %dma_start3A_906] : memref<32x64xi32, #tpu.memory_space<vmem>> -> memref<1x64xi32, #tpu.memory_space<vmem>>
        %dma_start3A_908 = tpu.memref_squeeze %dma_start3A_907 : memref<1x64xi32, #tpu.memory_space<vmem>> -> memref<64xi32, #tpu.memory_space<vmem>>
        %dma_start3A_909 = arith.constant 0 : i32
        %dma_start3A_910 = arith.constant 0 : i32
        %dma_start3A_911 = tpu.memref_slice %arg10[%dma_start3A_909, %dma_start3A_910] : memref<10240x128xf32, #tpu.memory_space<vmem_shared>> -> memref<10240x128xf32, #tpu.memory_space<vmem_shared>>
        tpu.enqueue_indirect_dma source(%dma_start3A_905 : memref<64x128xf32, #tpu.memory_space<vmem>>) target(%dma_start3A_911 : memref<10240x128xf32, #tpu.memory_space<vmem_shared>>) offsets(%dma_start3A_908 : memref<64xi32, #tpu.memory_space<vmem>>) semaphore(%run_scoped3A_901 : memref<!tpu.dma_semaphore, #tpu.memory_space<semaphore_mem>>) {add = true}
        %dma_wait3A_912 = arith.constant 0 : i32
        %dma_wait3A_913 = arith.constant 0 : i32
        %dma_wait3A_914 = tpu.memref_slice %arg9[%run_scoped3A_555, %dma_wait3A_912, %dma_wait3A_913] : memref<4x64x128xf32, #tpu.memory_space<vmem>> -> memref<1x64x128xf32, #tpu.memory_space<vmem>>
        %dma_wait3A_915 = tpu.memref_squeeze %dma_wait3A_914 : memref<1x64x128xf32, #tpu.memory_space<vmem>> -> memref<64x128xf32, #tpu.memory_space<vmem>>
        %dma_wait3A_916 = arith.constant 0 : i32
        %dma_wait3A_917 = tpu.memref_slice %arg8[%run_scoped3A_556, %dma_wait3A_916] : memref<32x64xi32, #tpu.memory_space<vmem>> -> memref<1x64xi32, #tpu.memory_space<vmem>>
        %dma_wait3A_918 = tpu.memref_squeeze %dma_wait3A_917 : memref<1x64xi32, #tpu.memory_space<vmem>> -> memref<64xi32, #tpu.memory_space<vmem>>
        %dma_wait3A_919 = arith.constant 0 : i32
        %dma_wait3A_920 = arith.constant 0 : i32
        %dma_wait3A_921 = tpu.memref_slice %arg10[%dma_wait3A_919, %dma_wait3A_920] : memref<10240x128xf32, #tpu.memory_space<vmem_shared>> -> memref<10240x128xf32, #tpu.memory_space<vmem_shared>>
        tpu.wait_indirect_dma semaphore(%run_scoped3A_901 : memref<!tpu.dma_semaphore, #tpu.memory_space<semaphore_mem>>) src(%dma_wait3A_915 : memref<64x128xf32, #tpu.memory_space<vmem>>) dst(%dma_wait3A_921 : memref<10240x128xf32, #tpu.memory_space<vmem_shared>>)
        tpu.yield
      }) : () -> ()
      %dma_start3A_557 = arith.constant 21 : i32
      %dma_start3A_558 = arith.constant 1 : i32
      %dma_start3A_559 = arith.constant 0 : i32
      %dma_start3A_560 = arith.constant 0 : i32
      %dma_start3A_561 = tpu.memref_slice %arg9[%dma_start3A_558, %dma_start3A_559, %dma_start3A_560] : memref<4x64x128xf32, #tpu.memory_space<vmem>> -> memref<1x64x128xf32, #tpu.memory_space<vmem>>
      %dma_start3A_562 = tpu.memref_squeeze %dma_start3A_561 : memref<1x64x128xf32, #tpu.memory_space<vmem>> -> memref<64x128xf32, #tpu.memory_space<vmem>>
      %dma_start3A_563 = arith.constant 0 : i32
      %dma_start3A_564 = tpu.memref_slice %arg7[%dma_start3A_557, %dma_start3A_563] : memref<32x64xi32, #tpu.memory_space<vmem>> -> memref<1x64xi32, #tpu.memory_space<vmem>>
      %dma_start3A_565 = tpu.memref_squeeze %dma_start3A_564 : memref<1x64xi32, #tpu.memory_space<vmem>> -> memref<64xi32, #tpu.memory_space<vmem>>
      %dma_start3A_566 = arith.constant 0 : i32
      %dma_start3A_567 = arith.constant 0 : i32
      %dma_start3A_568 = tpu.memref_slice %arg2[%dma_start3A_566, %dma_start3A_567] : memref<100000x128xf32, #tpu.memory_space<hbm>> -> memref<100000x128xf32, #tpu.memory_space<hbm>>
      tpu.enqueue_indirect_dma source(%dma_start3A_568 : memref<100000x128xf32, #tpu.memory_space<hbm>>) target(%dma_start3A_562 : memref<64x128xf32, #tpu.memory_space<vmem>>) offsets(%dma_start3A_565 : memref<64xi32, #tpu.memory_space<vmem>>) semaphore(%arg14 : memref<!tpu.dma_semaphore, #tpu.memory_space<semaphore_mem>>)
      %dma_wait3A_569 = arith.constant 18 : i32
      %dma_wait3A_570 = arith.constant 2 : i32
      %dma_wait3A_571 = arith.constant 0 : i32
      %dma_wait3A_572 = arith.constant 0 : i32
      %dma_wait3A_573 = tpu.memref_slice %arg9[%dma_wait3A_570, %dma_wait3A_571, %dma_wait3A_572] : memref<4x64x128xf32, #tpu.memory_space<vmem>> -> memref<1x64x128xf32, #tpu.memory_space<vmem>>
      %dma_wait3A_574 = tpu.memref_squeeze %dma_wait3A_573 : memref<1x64x128xf32, #tpu.memory_space<vmem>> -> memref<64x128xf32, #tpu.memory_space<vmem>>
      %dma_wait3A_575 = arith.constant 0 : i32
      %dma_wait3A_576 = tpu.memref_slice %arg7[%dma_wait3A_569, %dma_wait3A_575] : memref<32x64xi32, #tpu.memory_space<vmem>> -> memref<1x64xi32, #tpu.memory_space<vmem>>
      %dma_wait3A_577 = tpu.memref_squeeze %dma_wait3A_576 : memref<1x64xi32, #tpu.memory_space<vmem>> -> memref<64xi32, #tpu.memory_space<vmem>>
      %dma_wait3A_578 = arith.constant 0 : i32
      %dma_wait3A_579 = arith.constant 0 : i32
      %dma_wait3A_580 = tpu.memref_slice %arg2[%dma_wait3A_578, %dma_wait3A_579] : memref<100000x128xf32, #tpu.memory_space<hbm>> -> memref<100000x128xf32, #tpu.memory_space<hbm>>
      tpu.wait_indirect_dma semaphore(%arg15 : memref<!tpu.dma_semaphore, #tpu.memory_space<semaphore_mem>>) src(%dma_wait3A_580 : memref<100000x128xf32, #tpu.memory_space<hbm>>) dst(%dma_wait3A_574 : memref<64x128xf32, #tpu.memory_space<vmem>>)
      %run_scoped3A_581 = arith.constant 2 : i32
      %run_scoped3A_582 = arith.constant 18 : i32
      "tpu.region"() ({
        %run_scoped3A_901 = tpu.sem_alloc : memref<!tpu.dma_semaphore, #tpu.memory_space<semaphore_mem>>
        %dma_start3A_902 = arith.constant 0 : i32
        %dma_start3A_903 = arith.constant 0 : i32
        %dma_start3A_904 = tpu.memref_slice %arg9[%run_scoped3A_581, %dma_start3A_902, %dma_start3A_903] : memref<4x64x128xf32, #tpu.memory_space<vmem>> -> memref<1x64x128xf32, #tpu.memory_space<vmem>>
        %dma_start3A_905 = tpu.memref_squeeze %dma_start3A_904 : memref<1x64x128xf32, #tpu.memory_space<vmem>> -> memref<64x128xf32, #tpu.memory_space<vmem>>
        %dma_start3A_906 = arith.constant 0 : i32
        %dma_start3A_907 = tpu.memref_slice %arg8[%run_scoped3A_582, %dma_start3A_906] : memref<32x64xi32, #tpu.memory_space<vmem>> -> memref<1x64xi32, #tpu.memory_space<vmem>>
        %dma_start3A_908 = tpu.memref_squeeze %dma_start3A_907 : memref<1x64xi32, #tpu.memory_space<vmem>> -> memref<64xi32, #tpu.memory_space<vmem>>
        %dma_start3A_909 = arith.constant 0 : i32
        %dma_start3A_910 = arith.constant 0 : i32
        %dma_start3A_911 = tpu.memref_slice %arg10[%dma_start3A_909, %dma_start3A_910] : memref<10240x128xf32, #tpu.memory_space<vmem_shared>> -> memref<10240x128xf32, #tpu.memory_space<vmem_shared>>
        tpu.enqueue_indirect_dma source(%dma_start3A_905 : memref<64x128xf32, #tpu.memory_space<vmem>>) target(%dma_start3A_911 : memref<10240x128xf32, #tpu.memory_space<vmem_shared>>) offsets(%dma_start3A_908 : memref<64xi32, #tpu.memory_space<vmem>>) semaphore(%run_scoped3A_901 : memref<!tpu.dma_semaphore, #tpu.memory_space<semaphore_mem>>) {add = true}
        %dma_wait3A_912 = arith.constant 0 : i32
        %dma_wait3A_913 = arith.constant 0 : i32
        %dma_wait3A_914 = tpu.memref_slice %arg9[%run_scoped3A_581, %dma_wait3A_912, %dma_wait3A_913] : memref<4x64x128xf32, #tpu.memory_space<vmem>> -> memref<1x64x128xf32, #tpu.memory_space<vmem>>
        %dma_wait3A_915 = tpu.memref_squeeze %dma_wait3A_914 : memref<1x64x128xf32, #tpu.memory_space<vmem>> -> memref<64x128xf32, #tpu.memory_space<vmem>>
        %dma_wait3A_916 = arith.constant 0 : i32
        %dma_wait3A_917 = tpu.memref_slice %arg8[%run_scoped3A_582, %dma_wait3A_916] : memref<32x64xi32, #tpu.memory_space<vmem>> -> memref<1x64xi32, #tpu.memory_space<vmem>>
        %dma_wait3A_918 = tpu.memref_squeeze %dma_wait3A_917 : memref<1x64xi32, #tpu.memory_space<vmem>> -> memref<64xi32, #tpu.memory_space<vmem>>
        %dma_wait3A_919 = arith.constant 0 : i32
        %dma_wait3A_920 = arith.constant 0 : i32
        %dma_wait3A_921 = tpu.memref_slice %arg10[%dma_wait3A_919, %dma_wait3A_920] : memref<10240x128xf32, #tpu.memory_space<vmem_shared>> -> memref<10240x128xf32, #tpu.memory_space<vmem_shared>>
        tpu.wait_indirect_dma semaphore(%run_scoped3A_901 : memref<!tpu.dma_semaphore, #tpu.memory_space<semaphore_mem>>) src(%dma_wait3A_915 : memref<64x128xf32, #tpu.memory_space<vmem>>) dst(%dma_wait3A_921 : memref<10240x128xf32, #tpu.memory_space<vmem_shared>>)
        tpu.yield
      }) : () -> ()
      %dma_start3A_583 = arith.constant 22 : i32
      %dma_start3A_584 = arith.constant 2 : i32
      %dma_start3A_585 = arith.constant 0 : i32
      %dma_start3A_586 = arith.constant 0 : i32
      %dma_start3A_587 = tpu.memref_slice %arg9[%dma_start3A_584, %dma_start3A_585, %dma_start3A_586] : memref<4x64x128xf32, #tpu.memory_space<vmem>> -> memref<1x64x128xf32, #tpu.memory_space<vmem>>
      %dma_start3A_588 = tpu.memref_squeeze %dma_start3A_587 : memref<1x64x128xf32, #tpu.memory_space<vmem>> -> memref<64x128xf32, #tpu.memory_space<vmem>>
      %dma_start3A_589 = arith.constant 0 : i32
      %dma_start3A_590 = tpu.memref_slice %arg7[%dma_start3A_583, %dma_start3A_589] : memref<32x64xi32, #tpu.memory_space<vmem>> -> memref<1x64xi32, #tpu.memory_space<vmem>>
      %dma_start3A_591 = tpu.memref_squeeze %dma_start3A_590 : memref<1x64xi32, #tpu.memory_space<vmem>> -> memref<64xi32, #tpu.memory_space<vmem>>
      %dma_start3A_592 = arith.constant 0 : i32
      %dma_start3A_593 = arith.constant 0 : i32
      %dma_start3A_594 = tpu.memref_slice %arg2[%dma_start3A_592, %dma_start3A_593] : memref<100000x128xf32, #tpu.memory_space<hbm>> -> memref<100000x128xf32, #tpu.memory_space<hbm>>
      tpu.enqueue_indirect_dma source(%dma_start3A_594 : memref<100000x128xf32, #tpu.memory_space<hbm>>) target(%dma_start3A_588 : memref<64x128xf32, #tpu.memory_space<vmem>>) offsets(%dma_start3A_591 : memref<64xi32, #tpu.memory_space<vmem>>) semaphore(%arg15 : memref<!tpu.dma_semaphore, #tpu.memory_space<semaphore_mem>>)
      %dma_wait3A_595 = arith.constant 19 : i32
      %dma_wait3A_596 = arith.constant 3 : i32
      %dma_wait3A_597 = arith.constant 0 : i32
      %dma_wait3A_598 = arith.constant 0 : i32
      %dma_wait3A_599 = tpu.memref_slice %arg9[%dma_wait3A_596, %dma_wait3A_597, %dma_wait3A_598] : memref<4x64x128xf32, #tpu.memory_space<vmem>> -> memref<1x64x128xf32, #tpu.memory_space<vmem>>
      %dma_wait3A_600 = tpu.memref_squeeze %dma_wait3A_599 : memref<1x64x128xf32, #tpu.memory_space<vmem>> -> memref<64x128xf32, #tpu.memory_space<vmem>>
      %dma_wait3A_601 = arith.constant 0 : i32
      %dma_wait3A_602 = tpu.memref_slice %arg7[%dma_wait3A_595, %dma_wait3A_601] : memref<32x64xi32, #tpu.memory_space<vmem>> -> memref<1x64xi32, #tpu.memory_space<vmem>>
      %dma_wait3A_603 = tpu.memref_squeeze %dma_wait3A_602 : memref<1x64xi32, #tpu.memory_space<vmem>> -> memref<64xi32, #tpu.memory_space<vmem>>
      %dma_wait3A_604 = arith.constant 0 : i32
      %dma_wait3A_605 = arith.constant 0 : i32
      %dma_wait3A_606 = tpu.memref_slice %arg2[%dma_wait3A_604, %dma_wait3A_605] : memref<100000x128xf32, #tpu.memory_space<hbm>> -> memref<100000x128xf32, #tpu.memory_space<hbm>>
      tpu.wait_indirect_dma semaphore(%arg16 : memref<!tpu.dma_semaphore, #tpu.memory_space<semaphore_mem>>) src(%dma_wait3A_606 : memref<100000x128xf32, #tpu.memory_space<hbm>>) dst(%dma_wait3A_600 : memref<64x128xf32, #tpu.memory_space<vmem>>)
      %run_scoped3A_607 = arith.constant 3 : i32
      %run_scoped3A_608 = arith.constant 19 : i32
      "tpu.region"() ({
        %run_scoped3A_901 = tpu.sem_alloc : memref<!tpu.dma_semaphore, #tpu.memory_space<semaphore_mem>>
        %dma_start3A_902 = arith.constant 0 : i32
        %dma_start3A_903 = arith.constant 0 : i32
        %dma_start3A_904 = tpu.memref_slice %arg9[%run_scoped3A_607, %dma_start3A_902, %dma_start3A_903] : memref<4x64x128xf32, #tpu.memory_space<vmem>> -> memref<1x64x128xf32, #tpu.memory_space<vmem>>
        %dma_start3A_905 = tpu.memref_squeeze %dma_start3A_904 : memref<1x64x128xf32, #tpu.memory_space<vmem>> -> memref<64x128xf32, #tpu.memory_space<vmem>>
        %dma_start3A_906 = arith.constant 0 : i32
        %dma_start3A_907 = tpu.memref_slice %arg8[%run_scoped3A_608, %dma_start3A_906] : memref<32x64xi32, #tpu.memory_space<vmem>> -> memref<1x64xi32, #tpu.memory_space<vmem>>
        %dma_start3A_908 = tpu.memref_squeeze %dma_start3A_907 : memref<1x64xi32, #tpu.memory_space<vmem>> -> memref<64xi32, #tpu.memory_space<vmem>>
        %dma_start3A_909 = arith.constant 0 : i32
        %dma_start3A_910 = arith.constant 0 : i32
        %dma_start3A_911 = tpu.memref_slice %arg10[%dma_start3A_909, %dma_start3A_910] : memref<10240x128xf32, #tpu.memory_space<vmem_shared>> -> memref<10240x128xf32, #tpu.memory_space<vmem_shared>>
        tpu.enqueue_indirect_dma source(%dma_start3A_905 : memref<64x128xf32, #tpu.memory_space<vmem>>) target(%dma_start3A_911 : memref<10240x128xf32, #tpu.memory_space<vmem_shared>>) offsets(%dma_start3A_908 : memref<64xi32, #tpu.memory_space<vmem>>) semaphore(%run_scoped3A_901 : memref<!tpu.dma_semaphore, #tpu.memory_space<semaphore_mem>>) {add = true}
        %dma_wait3A_912 = arith.constant 0 : i32
        %dma_wait3A_913 = arith.constant 0 : i32
        %dma_wait3A_914 = tpu.memref_slice %arg9[%run_scoped3A_607, %dma_wait3A_912, %dma_wait3A_913] : memref<4x64x128xf32, #tpu.memory_space<vmem>> -> memref<1x64x128xf32, #tpu.memory_space<vmem>>
        %dma_wait3A_915 = tpu.memref_squeeze %dma_wait3A_914 : memref<1x64x128xf32, #tpu.memory_space<vmem>> -> memref<64x128xf32, #tpu.memory_space<vmem>>
        %dma_wait3A_916 = arith.constant 0 : i32
        %dma_wait3A_917 = tpu.memref_slice %arg8[%run_scoped3A_608, %dma_wait3A_916] : memref<32x64xi32, #tpu.memory_space<vmem>> -> memref<1x64xi32, #tpu.memory_space<vmem>>
        %dma_wait3A_918 = tpu.memref_squeeze %dma_wait3A_917 : memref<1x64xi32, #tpu.memory_space<vmem>> -> memref<64xi32, #tpu.memory_space<vmem>>
        %dma_wait3A_919 = arith.constant 0 : i32
        %dma_wait3A_920 = arith.constant 0 : i32
        %dma_wait3A_921 = tpu.memref_slice %arg10[%dma_wait3A_919, %dma_wait3A_920] : memref<10240x128xf32, #tpu.memory_space<vmem_shared>> -> memref<10240x128xf32, #tpu.memory_space<vmem_shared>>
        tpu.wait_indirect_dma semaphore(%run_scoped3A_901 : memref<!tpu.dma_semaphore, #tpu.memory_space<semaphore_mem>>) src(%dma_wait3A_915 : memref<64x128xf32, #tpu.memory_space<vmem>>) dst(%dma_wait3A_921 : memref<10240x128xf32, #tpu.memory_space<vmem_shared>>)
        tpu.yield
      }) : () -> ()
      %dma_start3A_609 = arith.constant 23 : i32
      %dma_start3A_610 = arith.constant 3 : i32
      %dma_start3A_611 = arith.constant 0 : i32
      %dma_start3A_612 = arith.constant 0 : i32
      %dma_start3A_613 = tpu.memref_slice %arg9[%dma_start3A_610, %dma_start3A_611, %dma_start3A_612] : memref<4x64x128xf32, #tpu.memory_space<vmem>> -> memref<1x64x128xf32, #tpu.memory_space<vmem>>
      %dma_start3A_614 = tpu.memref_squeeze %dma_start3A_613 : memref<1x64x128xf32, #tpu.memory_space<vmem>> -> memref<64x128xf32, #tpu.memory_space<vmem>>
      %dma_start3A_615 = arith.constant 0 : i32
      %dma_start3A_616 = tpu.memref_slice %arg7[%dma_start3A_609, %dma_start3A_615] : memref<32x64xi32, #tpu.memory_space<vmem>> -> memref<1x64xi32, #tpu.memory_space<vmem>>
      %dma_start3A_617 = tpu.memref_squeeze %dma_start3A_616 : memref<1x64xi32, #tpu.memory_space<vmem>> -> memref<64xi32, #tpu.memory_space<vmem>>
      %dma_start3A_618 = arith.constant 0 : i32
      %dma_start3A_619 = arith.constant 0 : i32
      %dma_start3A_620 = tpu.memref_slice %arg2[%dma_start3A_618, %dma_start3A_619] : memref<100000x128xf32, #tpu.memory_space<hbm>> -> memref<100000x128xf32, #tpu.memory_space<hbm>>
      tpu.enqueue_indirect_dma source(%dma_start3A_620 : memref<100000x128xf32, #tpu.memory_space<hbm>>) target(%dma_start3A_614 : memref<64x128xf32, #tpu.memory_space<vmem>>) offsets(%dma_start3A_617 : memref<64xi32, #tpu.memory_space<vmem>>) semaphore(%arg16 : memref<!tpu.dma_semaphore, #tpu.memory_space<semaphore_mem>>)
      %dma_wait3A_621 = arith.constant 20 : i32
      %dma_wait3A_622 = arith.constant 0 : i32
      %dma_wait3A_623 = arith.constant 0 : i32
      %dma_wait3A_624 = arith.constant 0 : i32
      %dma_wait3A_625 = tpu.memref_slice %arg9[%dma_wait3A_622, %dma_wait3A_623, %dma_wait3A_624] : memref<4x64x128xf32, #tpu.memory_space<vmem>> -> memref<1x64x128xf32, #tpu.memory_space<vmem>>
      %dma_wait3A_626 = tpu.memref_squeeze %dma_wait3A_625 : memref<1x64x128xf32, #tpu.memory_space<vmem>> -> memref<64x128xf32, #tpu.memory_space<vmem>>
      %dma_wait3A_627 = arith.constant 0 : i32
      %dma_wait3A_628 = tpu.memref_slice %arg7[%dma_wait3A_621, %dma_wait3A_627] : memref<32x64xi32, #tpu.memory_space<vmem>> -> memref<1x64xi32, #tpu.memory_space<vmem>>
      %dma_wait3A_629 = tpu.memref_squeeze %dma_wait3A_628 : memref<1x64xi32, #tpu.memory_space<vmem>> -> memref<64xi32, #tpu.memory_space<vmem>>
      %dma_wait3A_630 = arith.constant 0 : i32
      %dma_wait3A_631 = arith.constant 0 : i32
      %dma_wait3A_632 = tpu.memref_slice %arg2[%dma_wait3A_630, %dma_wait3A_631] : memref<100000x128xf32, #tpu.memory_space<hbm>> -> memref<100000x128xf32, #tpu.memory_space<hbm>>
      tpu.wait_indirect_dma semaphore(%arg13 : memref<!tpu.dma_semaphore, #tpu.memory_space<semaphore_mem>>) src(%dma_wait3A_632 : memref<100000x128xf32, #tpu.memory_space<hbm>>) dst(%dma_wait3A_626 : memref<64x128xf32, #tpu.memory_space<vmem>>)
      %run_scoped3A_633 = arith.constant 0 : i32
      %run_scoped3A_634 = arith.constant 20 : i32
      "tpu.region"() ({
        %run_scoped3A_901 = tpu.sem_alloc : memref<!tpu.dma_semaphore, #tpu.memory_space<semaphore_mem>>
        %dma_start3A_902 = arith.constant 0 : i32
        %dma_start3A_903 = arith.constant 0 : i32
        %dma_start3A_904 = tpu.memref_slice %arg9[%run_scoped3A_633, %dma_start3A_902, %dma_start3A_903] : memref<4x64x128xf32, #tpu.memory_space<vmem>> -> memref<1x64x128xf32, #tpu.memory_space<vmem>>
        %dma_start3A_905 = tpu.memref_squeeze %dma_start3A_904 : memref<1x64x128xf32, #tpu.memory_space<vmem>> -> memref<64x128xf32, #tpu.memory_space<vmem>>
        %dma_start3A_906 = arith.constant 0 : i32
        %dma_start3A_907 = tpu.memref_slice %arg8[%run_scoped3A_634, %dma_start3A_906] : memref<32x64xi32, #tpu.memory_space<vmem>> -> memref<1x64xi32, #tpu.memory_space<vmem>>
        %dma_start3A_908 = tpu.memref_squeeze %dma_start3A_907 : memref<1x64xi32, #tpu.memory_space<vmem>> -> memref<64xi32, #tpu.memory_space<vmem>>
        %dma_start3A_909 = arith.constant 0 : i32
        %dma_start3A_910 = arith.constant 0 : i32
        %dma_start3A_911 = tpu.memref_slice %arg10[%dma_start3A_909, %dma_start3A_910] : memref<10240x128xf32, #tpu.memory_space<vmem_shared>> -> memref<10240x128xf32, #tpu.memory_space<vmem_shared>>
        tpu.enqueue_indirect_dma source(%dma_start3A_905 : memref<64x128xf32, #tpu.memory_space<vmem>>) target(%dma_start3A_911 : memref<10240x128xf32, #tpu.memory_space<vmem_shared>>) offsets(%dma_start3A_908 : memref<64xi32, #tpu.memory_space<vmem>>) semaphore(%run_scoped3A_901 : memref<!tpu.dma_semaphore, #tpu.memory_space<semaphore_mem>>) {add = true}
        %dma_wait3A_912 = arith.constant 0 : i32
        %dma_wait3A_913 = arith.constant 0 : i32
        %dma_wait3A_914 = tpu.memref_slice %arg9[%run_scoped3A_633, %dma_wait3A_912, %dma_wait3A_913] : memref<4x64x128xf32, #tpu.memory_space<vmem>> -> memref<1x64x128xf32, #tpu.memory_space<vmem>>
        %dma_wait3A_915 = tpu.memref_squeeze %dma_wait3A_914 : memref<1x64x128xf32, #tpu.memory_space<vmem>> -> memref<64x128xf32, #tpu.memory_space<vmem>>
        %dma_wait3A_916 = arith.constant 0 : i32
        %dma_wait3A_917 = tpu.memref_slice %arg8[%run_scoped3A_634, %dma_wait3A_916] : memref<32x64xi32, #tpu.memory_space<vmem>> -> memref<1x64xi32, #tpu.memory_space<vmem>>
        %dma_wait3A_918 = tpu.memref_squeeze %dma_wait3A_917 : memref<1x64xi32, #tpu.memory_space<vmem>> -> memref<64xi32, #tpu.memory_space<vmem>>
        %dma_wait3A_919 = arith.constant 0 : i32
        %dma_wait3A_920 = arith.constant 0 : i32
        %dma_wait3A_921 = tpu.memref_slice %arg10[%dma_wait3A_919, %dma_wait3A_920] : memref<10240x128xf32, #tpu.memory_space<vmem_shared>> -> memref<10240x128xf32, #tpu.memory_space<vmem_shared>>
        tpu.wait_indirect_dma semaphore(%run_scoped3A_901 : memref<!tpu.dma_semaphore, #tpu.memory_space<semaphore_mem>>) src(%dma_wait3A_915 : memref<64x128xf32, #tpu.memory_space<vmem>>) dst(%dma_wait3A_921 : memref<10240x128xf32, #tpu.memory_space<vmem_shared>>)
        tpu.yield
      }) : () -> ()
      %dma_start3A_635 = arith.constant 24 : i32
      %dma_start3A_636 = arith.constant 0 : i32
      %dma_start3A_637 = arith.constant 0 : i32
      %dma_start3A_638 = arith.constant 0 : i32
      %dma_start3A_639 = tpu.memref_slice %arg9[%dma_start3A_636, %dma_start3A_637, %dma_start3A_638] : memref<4x64x128xf32, #tpu.memory_space<vmem>> -> memref<1x64x128xf32, #tpu.memory_space<vmem>>
      %dma_start3A_640 = tpu.memref_squeeze %dma_start3A_639 : memref<1x64x128xf32, #tpu.memory_space<vmem>> -> memref<64x128xf32, #tpu.memory_space<vmem>>
      %dma_start3A_641 = arith.constant 0 : i32
      %dma_start3A_642 = tpu.memref_slice %arg7[%dma_start3A_635, %dma_start3A_641] : memref<32x64xi32, #tpu.memory_space<vmem>> -> memref<1x64xi32, #tpu.memory_space<vmem>>
      %dma_start3A_643 = tpu.memref_squeeze %dma_start3A_642 : memref<1x64xi32, #tpu.memory_space<vmem>> -> memref<64xi32, #tpu.memory_space<vmem>>
      %dma_start3A_644 = arith.constant 0 : i32
      %dma_start3A_645 = arith.constant 0 : i32
      %dma_start3A_646 = tpu.memref_slice %arg2[%dma_start3A_644, %dma_start3A_645] : memref<100000x128xf32, #tpu.memory_space<hbm>> -> memref<100000x128xf32, #tpu.memory_space<hbm>>
      tpu.enqueue_indirect_dma source(%dma_start3A_646 : memref<100000x128xf32, #tpu.memory_space<hbm>>) target(%dma_start3A_640 : memref<64x128xf32, #tpu.memory_space<vmem>>) offsets(%dma_start3A_643 : memref<64xi32, #tpu.memory_space<vmem>>) semaphore(%arg13 : memref<!tpu.dma_semaphore, #tpu.memory_space<semaphore_mem>>)
      %dma_wait3A_647 = arith.constant 21 : i32
      %dma_wait3A_648 = arith.constant 1 : i32
      %dma_wait3A_649 = arith.constant 0 : i32
      %dma_wait3A_650 = arith.constant 0 : i32
      %dma_wait3A_651 = tpu.memref_slice %arg9[%dma_wait3A_648, %dma_wait3A_649, %dma_wait3A_650] : memref<4x64x128xf32, #tpu.memory_space<vmem>> -> memref<1x64x128xf32, #tpu.memory_space<vmem>>
      %dma_wait3A_652 = tpu.memref_squeeze %dma_wait3A_651 : memref<1x64x128xf32, #tpu.memory_space<vmem>> -> memref<64x128xf32, #tpu.memory_space<vmem>>
      %dma_wait3A_653 = arith.constant 0 : i32
      %dma_wait3A_654 = tpu.memref_slice %arg7[%dma_wait3A_647, %dma_wait3A_653] : memref<32x64xi32, #tpu.memory_space<vmem>> -> memref<1x64xi32, #tpu.memory_space<vmem>>
      %dma_wait3A_655 = tpu.memref_squeeze %dma_wait3A_654 : memref<1x64xi32, #tpu.memory_space<vmem>> -> memref<64xi32, #tpu.memory_space<vmem>>
      %dma_wait3A_656 = arith.constant 0 : i32
      %dma_wait3A_657 = arith.constant 0 : i32
      %dma_wait3A_658 = tpu.memref_slice %arg2[%dma_wait3A_656, %dma_wait3A_657] : memref<100000x128xf32, #tpu.memory_space<hbm>> -> memref<100000x128xf32, #tpu.memory_space<hbm>>
      tpu.wait_indirect_dma semaphore(%arg14 : memref<!tpu.dma_semaphore, #tpu.memory_space<semaphore_mem>>) src(%dma_wait3A_658 : memref<100000x128xf32, #tpu.memory_space<hbm>>) dst(%dma_wait3A_652 : memref<64x128xf32, #tpu.memory_space<vmem>>)
      %run_scoped3A_659 = arith.constant 1 : i32
      %run_scoped3A_660 = arith.constant 21 : i32
      "tpu.region"() ({
        %run_scoped3A_901 = tpu.sem_alloc : memref<!tpu.dma_semaphore, #tpu.memory_space<semaphore_mem>>
        %dma_start3A_902 = arith.constant 0 : i32
        %dma_start3A_903 = arith.constant 0 : i32
        %dma_start3A_904 = tpu.memref_slice %arg9[%run_scoped3A_659, %dma_start3A_902, %dma_start3A_903] : memref<4x64x128xf32, #tpu.memory_space<vmem>> -> memref<1x64x128xf32, #tpu.memory_space<vmem>>
        %dma_start3A_905 = tpu.memref_squeeze %dma_start3A_904 : memref<1x64x128xf32, #tpu.memory_space<vmem>> -> memref<64x128xf32, #tpu.memory_space<vmem>>
        %dma_start3A_906 = arith.constant 0 : i32
        %dma_start3A_907 = tpu.memref_slice %arg8[%run_scoped3A_660, %dma_start3A_906] : memref<32x64xi32, #tpu.memory_space<vmem>> -> memref<1x64xi32, #tpu.memory_space<vmem>>
        %dma_start3A_908 = tpu.memref_squeeze %dma_start3A_907 : memref<1x64xi32, #tpu.memory_space<vmem>> -> memref<64xi32, #tpu.memory_space<vmem>>
        %dma_start3A_909 = arith.constant 0 : i32
        %dma_start3A_910 = arith.constant 0 : i32
        %dma_start3A_911 = tpu.memref_slice %arg10[%dma_start3A_909, %dma_start3A_910] : memref<10240x128xf32, #tpu.memory_space<vmem_shared>> -> memref<10240x128xf32, #tpu.memory_space<vmem_shared>>
        tpu.enqueue_indirect_dma source(%dma_start3A_905 : memref<64x128xf32, #tpu.memory_space<vmem>>) target(%dma_start3A_911 : memref<10240x128xf32, #tpu.memory_space<vmem_shared>>) offsets(%dma_start3A_908 : memref<64xi32, #tpu.memory_space<vmem>>) semaphore(%run_scoped3A_901 : memref<!tpu.dma_semaphore, #tpu.memory_space<semaphore_mem>>) {add = true}
        %dma_wait3A_912 = arith.constant 0 : i32
        %dma_wait3A_913 = arith.constant 0 : i32
        %dma_wait3A_914 = tpu.memref_slice %arg9[%run_scoped3A_659, %dma_wait3A_912, %dma_wait3A_913] : memref<4x64x128xf32, #tpu.memory_space<vmem>> -> memref<1x64x128xf32, #tpu.memory_space<vmem>>
        %dma_wait3A_915 = tpu.memref_squeeze %dma_wait3A_914 : memref<1x64x128xf32, #tpu.memory_space<vmem>> -> memref<64x128xf32, #tpu.memory_space<vmem>>
        %dma_wait3A_916 = arith.constant 0 : i32
        %dma_wait3A_917 = tpu.memref_slice %arg8[%run_scoped3A_660, %dma_wait3A_916] : memref<32x64xi32, #tpu.memory_space<vmem>> -> memref<1x64xi32, #tpu.memory_space<vmem>>
        %dma_wait3A_918 = tpu.memref_squeeze %dma_wait3A_917 : memref<1x64xi32, #tpu.memory_space<vmem>> -> memref<64xi32, #tpu.memory_space<vmem>>
        %dma_wait3A_919 = arith.constant 0 : i32
        %dma_wait3A_920 = arith.constant 0 : i32
        %dma_wait3A_921 = tpu.memref_slice %arg10[%dma_wait3A_919, %dma_wait3A_920] : memref<10240x128xf32, #tpu.memory_space<vmem_shared>> -> memref<10240x128xf32, #tpu.memory_space<vmem_shared>>
        tpu.wait_indirect_dma semaphore(%run_scoped3A_901 : memref<!tpu.dma_semaphore, #tpu.memory_space<semaphore_mem>>) src(%dma_wait3A_915 : memref<64x128xf32, #tpu.memory_space<vmem>>) dst(%dma_wait3A_921 : memref<10240x128xf32, #tpu.memory_space<vmem_shared>>)
        tpu.yield
      }) : () -> ()
      %dma_start3A_661 = arith.constant 25 : i32
      %dma_start3A_662 = arith.constant 1 : i32
      %dma_start3A_663 = arith.constant 0 : i32
      %dma_start3A_664 = arith.constant 0 : i32
      %dma_start3A_665 = tpu.memref_slice %arg9[%dma_start3A_662, %dma_start3A_663, %dma_start3A_664] : memref<4x64x128xf32, #tpu.memory_space<vmem>> -> memref<1x64x128xf32, #tpu.memory_space<vmem>>
      %dma_start3A_666 = tpu.memref_squeeze %dma_start3A_665 : memref<1x64x128xf32, #tpu.memory_space<vmem>> -> memref<64x128xf32, #tpu.memory_space<vmem>>
      %dma_start3A_667 = arith.constant 0 : i32
      %dma_start3A_668 = tpu.memref_slice %arg7[%dma_start3A_661, %dma_start3A_667] : memref<32x64xi32, #tpu.memory_space<vmem>> -> memref<1x64xi32, #tpu.memory_space<vmem>>
      %dma_start3A_669 = tpu.memref_squeeze %dma_start3A_668 : memref<1x64xi32, #tpu.memory_space<vmem>> -> memref<64xi32, #tpu.memory_space<vmem>>
      %dma_start3A_670 = arith.constant 0 : i32
      %dma_start3A_671 = arith.constant 0 : i32
      %dma_start3A_672 = tpu.memref_slice %arg2[%dma_start3A_670, %dma_start3A_671] : memref<100000x128xf32, #tpu.memory_space<hbm>> -> memref<100000x128xf32, #tpu.memory_space<hbm>>
      tpu.enqueue_indirect_dma source(%dma_start3A_672 : memref<100000x128xf32, #tpu.memory_space<hbm>>) target(%dma_start3A_666 : memref<64x128xf32, #tpu.memory_space<vmem>>) offsets(%dma_start3A_669 : memref<64xi32, #tpu.memory_space<vmem>>) semaphore(%arg14 : memref<!tpu.dma_semaphore, #tpu.memory_space<semaphore_mem>>)
      %dma_wait3A_673 = arith.constant 22 : i32
      %dma_wait3A_674 = arith.constant 2 : i32
      %dma_wait3A_675 = arith.constant 0 : i32
      %dma_wait3A_676 = arith.constant 0 : i32
      %dma_wait3A_677 = tpu.memref_slice %arg9[%dma_wait3A_674, %dma_wait3A_675, %dma_wait3A_676] : memref<4x64x128xf32, #tpu.memory_space<vmem>> -> memref<1x64x128xf32, #tpu.memory_space<vmem>>
      %dma_wait3A_678 = tpu.memref_squeeze %dma_wait3A_677 : memref<1x64x128xf32, #tpu.memory_space<vmem>> -> memref<64x128xf32, #tpu.memory_space<vmem>>
      %dma_wait3A_679 = arith.constant 0 : i32
      %dma_wait3A_680 = tpu.memref_slice %arg7[%dma_wait3A_673, %dma_wait3A_679] : memref<32x64xi32, #tpu.memory_space<vmem>> -> memref<1x64xi32, #tpu.memory_space<vmem>>
      %dma_wait3A_681 = tpu.memref_squeeze %dma_wait3A_680 : memref<1x64xi32, #tpu.memory_space<vmem>> -> memref<64xi32, #tpu.memory_space<vmem>>
      %dma_wait3A_682 = arith.constant 0 : i32
      %dma_wait3A_683 = arith.constant 0 : i32
      %dma_wait3A_684 = tpu.memref_slice %arg2[%dma_wait3A_682, %dma_wait3A_683] : memref<100000x128xf32, #tpu.memory_space<hbm>> -> memref<100000x128xf32, #tpu.memory_space<hbm>>
      tpu.wait_indirect_dma semaphore(%arg15 : memref<!tpu.dma_semaphore, #tpu.memory_space<semaphore_mem>>) src(%dma_wait3A_684 : memref<100000x128xf32, #tpu.memory_space<hbm>>) dst(%dma_wait3A_678 : memref<64x128xf32, #tpu.memory_space<vmem>>)
      %run_scoped3A_685 = arith.constant 2 : i32
      %run_scoped3A_686 = arith.constant 22 : i32
      "tpu.region"() ({
        %run_scoped3A_901 = tpu.sem_alloc : memref<!tpu.dma_semaphore, #tpu.memory_space<semaphore_mem>>
        %dma_start3A_902 = arith.constant 0 : i32
        %dma_start3A_903 = arith.constant 0 : i32
        %dma_start3A_904 = tpu.memref_slice %arg9[%run_scoped3A_685, %dma_start3A_902, %dma_start3A_903] : memref<4x64x128xf32, #tpu.memory_space<vmem>> -> memref<1x64x128xf32, #tpu.memory_space<vmem>>
        %dma_start3A_905 = tpu.memref_squeeze %dma_start3A_904 : memref<1x64x128xf32, #tpu.memory_space<vmem>> -> memref<64x128xf32, #tpu.memory_space<vmem>>
        %dma_start3A_906 = arith.constant 0 : i32
        %dma_start3A_907 = tpu.memref_slice %arg8[%run_scoped3A_686, %dma_start3A_906] : memref<32x64xi32, #tpu.memory_space<vmem>> -> memref<1x64xi32, #tpu.memory_space<vmem>>
        %dma_start3A_908 = tpu.memref_squeeze %dma_start3A_907 : memref<1x64xi32, #tpu.memory_space<vmem>> -> memref<64xi32, #tpu.memory_space<vmem>>
        %dma_start3A_909 = arith.constant 0 : i32
        %dma_start3A_910 = arith.constant 0 : i32
        %dma_start3A_911 = tpu.memref_slice %arg10[%dma_start3A_909, %dma_start3A_910] : memref<10240x128xf32, #tpu.memory_space<vmem_shared>> -> memref<10240x128xf32, #tpu.memory_space<vmem_shared>>
        tpu.enqueue_indirect_dma source(%dma_start3A_905 : memref<64x128xf32, #tpu.memory_space<vmem>>) target(%dma_start3A_911 : memref<10240x128xf32, #tpu.memory_space<vmem_shared>>) offsets(%dma_start3A_908 : memref<64xi32, #tpu.memory_space<vmem>>) semaphore(%run_scoped3A_901 : memref<!tpu.dma_semaphore, #tpu.memory_space<semaphore_mem>>) {add = true}
        %dma_wait3A_912 = arith.constant 0 : i32
        %dma_wait3A_913 = arith.constant 0 : i32
        %dma_wait3A_914 = tpu.memref_slice %arg9[%run_scoped3A_685, %dma_wait3A_912, %dma_wait3A_913] : memref<4x64x128xf32, #tpu.memory_space<vmem>> -> memref<1x64x128xf32, #tpu.memory_space<vmem>>
        %dma_wait3A_915 = tpu.memref_squeeze %dma_wait3A_914 : memref<1x64x128xf32, #tpu.memory_space<vmem>> -> memref<64x128xf32, #tpu.memory_space<vmem>>
        %dma_wait3A_916 = arith.constant 0 : i32
        %dma_wait3A_917 = tpu.memref_slice %arg8[%run_scoped3A_686, %dma_wait3A_916] : memref<32x64xi32, #tpu.memory_space<vmem>> -> memref<1x64xi32, #tpu.memory_space<vmem>>
        %dma_wait3A_918 = tpu.memref_squeeze %dma_wait3A_917 : memref<1x64xi32, #tpu.memory_space<vmem>> -> memref<64xi32, #tpu.memory_space<vmem>>
        %dma_wait3A_919 = arith.constant 0 : i32
        %dma_wait3A_920 = arith.constant 0 : i32
        %dma_wait3A_921 = tpu.memref_slice %arg10[%dma_wait3A_919, %dma_wait3A_920] : memref<10240x128xf32, #tpu.memory_space<vmem_shared>> -> memref<10240x128xf32, #tpu.memory_space<vmem_shared>>
        tpu.wait_indirect_dma semaphore(%run_scoped3A_901 : memref<!tpu.dma_semaphore, #tpu.memory_space<semaphore_mem>>) src(%dma_wait3A_915 : memref<64x128xf32, #tpu.memory_space<vmem>>) dst(%dma_wait3A_921 : memref<10240x128xf32, #tpu.memory_space<vmem_shared>>)
        tpu.yield
      }) : () -> ()
      %dma_start3A_687 = arith.constant 26 : i32
      %dma_start3A_688 = arith.constant 2 : i32
      %dma_start3A_689 = arith.constant 0 : i32
      %dma_start3A_690 = arith.constant 0 : i32
      %dma_start3A_691 = tpu.memref_slice %arg9[%dma_start3A_688, %dma_start3A_689, %dma_start3A_690] : memref<4x64x128xf32, #tpu.memory_space<vmem>> -> memref<1x64x128xf32, #tpu.memory_space<vmem>>
      %dma_start3A_692 = tpu.memref_squeeze %dma_start3A_691 : memref<1x64x128xf32, #tpu.memory_space<vmem>> -> memref<64x128xf32, #tpu.memory_space<vmem>>
      %dma_start3A_693 = arith.constant 0 : i32
      %dma_start3A_694 = tpu.memref_slice %arg7[%dma_start3A_687, %dma_start3A_693] : memref<32x64xi32, #tpu.memory_space<vmem>> -> memref<1x64xi32, #tpu.memory_space<vmem>>
      %dma_start3A_695 = tpu.memref_squeeze %dma_start3A_694 : memref<1x64xi32, #tpu.memory_space<vmem>> -> memref<64xi32, #tpu.memory_space<vmem>>
      %dma_start3A_696 = arith.constant 0 : i32
      %dma_start3A_697 = arith.constant 0 : i32
      %dma_start3A_698 = tpu.memref_slice %arg2[%dma_start3A_696, %dma_start3A_697] : memref<100000x128xf32, #tpu.memory_space<hbm>> -> memref<100000x128xf32, #tpu.memory_space<hbm>>
      tpu.enqueue_indirect_dma source(%dma_start3A_698 : memref<100000x128xf32, #tpu.memory_space<hbm>>) target(%dma_start3A_692 : memref<64x128xf32, #tpu.memory_space<vmem>>) offsets(%dma_start3A_695 : memref<64xi32, #tpu.memory_space<vmem>>) semaphore(%arg15 : memref<!tpu.dma_semaphore, #tpu.memory_space<semaphore_mem>>)
      %dma_wait3A_699 = arith.constant 23 : i32
      %dma_wait3A_700 = arith.constant 3 : i32
      %dma_wait3A_701 = arith.constant 0 : i32
      %dma_wait3A_702 = arith.constant 0 : i32
      %dma_wait3A_703 = tpu.memref_slice %arg9[%dma_wait3A_700, %dma_wait3A_701, %dma_wait3A_702] : memref<4x64x128xf32, #tpu.memory_space<vmem>> -> memref<1x64x128xf32, #tpu.memory_space<vmem>>
      %dma_wait3A_704 = tpu.memref_squeeze %dma_wait3A_703 : memref<1x64x128xf32, #tpu.memory_space<vmem>> -> memref<64x128xf32, #tpu.memory_space<vmem>>
      %dma_wait3A_705 = arith.constant 0 : i32
      %dma_wait3A_706 = tpu.memref_slice %arg7[%dma_wait3A_699, %dma_wait3A_705] : memref<32x64xi32, #tpu.memory_space<vmem>> -> memref<1x64xi32, #tpu.memory_space<vmem>>
      %dma_wait3A_707 = tpu.memref_squeeze %dma_wait3A_706 : memref<1x64xi32, #tpu.memory_space<vmem>> -> memref<64xi32, #tpu.memory_space<vmem>>
      %dma_wait3A_708 = arith.constant 0 : i32
      %dma_wait3A_709 = arith.constant 0 : i32
      %dma_wait3A_710 = tpu.memref_slice %arg2[%dma_wait3A_708, %dma_wait3A_709] : memref<100000x128xf32, #tpu.memory_space<hbm>> -> memref<100000x128xf32, #tpu.memory_space<hbm>>
      tpu.wait_indirect_dma semaphore(%arg16 : memref<!tpu.dma_semaphore, #tpu.memory_space<semaphore_mem>>) src(%dma_wait3A_710 : memref<100000x128xf32, #tpu.memory_space<hbm>>) dst(%dma_wait3A_704 : memref<64x128xf32, #tpu.memory_space<vmem>>)
      %run_scoped3A_711 = arith.constant 3 : i32
      %run_scoped3A_712 = arith.constant 23 : i32
      "tpu.region"() ({
        %run_scoped3A_901 = tpu.sem_alloc : memref<!tpu.dma_semaphore, #tpu.memory_space<semaphore_mem>>
        %dma_start3A_902 = arith.constant 0 : i32
        %dma_start3A_903 = arith.constant 0 : i32
        %dma_start3A_904 = tpu.memref_slice %arg9[%run_scoped3A_711, %dma_start3A_902, %dma_start3A_903] : memref<4x64x128xf32, #tpu.memory_space<vmem>> -> memref<1x64x128xf32, #tpu.memory_space<vmem>>
        %dma_start3A_905 = tpu.memref_squeeze %dma_start3A_904 : memref<1x64x128xf32, #tpu.memory_space<vmem>> -> memref<64x128xf32, #tpu.memory_space<vmem>>
        %dma_start3A_906 = arith.constant 0 : i32
        %dma_start3A_907 = tpu.memref_slice %arg8[%run_scoped3A_712, %dma_start3A_906] : memref<32x64xi32, #tpu.memory_space<vmem>> -> memref<1x64xi32, #tpu.memory_space<vmem>>
        %dma_start3A_908 = tpu.memref_squeeze %dma_start3A_907 : memref<1x64xi32, #tpu.memory_space<vmem>> -> memref<64xi32, #tpu.memory_space<vmem>>
        %dma_start3A_909 = arith.constant 0 : i32
        %dma_start3A_910 = arith.constant 0 : i32
        %dma_start3A_911 = tpu.memref_slice %arg10[%dma_start3A_909, %dma_start3A_910] : memref<10240x128xf32, #tpu.memory_space<vmem_shared>> -> memref<10240x128xf32, #tpu.memory_space<vmem_shared>>
        tpu.enqueue_indirect_dma source(%dma_start3A_905 : memref<64x128xf32, #tpu.memory_space<vmem>>) target(%dma_start3A_911 : memref<10240x128xf32, #tpu.memory_space<vmem_shared>>) offsets(%dma_start3A_908 : memref<64xi32, #tpu.memory_space<vmem>>) semaphore(%run_scoped3A_901 : memref<!tpu.dma_semaphore, #tpu.memory_space<semaphore_mem>>) {add = true}
        %dma_wait3A_912 = arith.constant 0 : i32
        %dma_wait3A_913 = arith.constant 0 : i32
        %dma_wait3A_914 = tpu.memref_slice %arg9[%run_scoped3A_711, %dma_wait3A_912, %dma_wait3A_913] : memref<4x64x128xf32, #tpu.memory_space<vmem>> -> memref<1x64x128xf32, #tpu.memory_space<vmem>>
        %dma_wait3A_915 = tpu.memref_squeeze %dma_wait3A_914 : memref<1x64x128xf32, #tpu.memory_space<vmem>> -> memref<64x128xf32, #tpu.memory_space<vmem>>
        %dma_wait3A_916 = arith.constant 0 : i32
        %dma_wait3A_917 = tpu.memref_slice %arg8[%run_scoped3A_712, %dma_wait3A_916] : memref<32x64xi32, #tpu.memory_space<vmem>> -> memref<1x64xi32, #tpu.memory_space<vmem>>
        %dma_wait3A_918 = tpu.memref_squeeze %dma_wait3A_917 : memref<1x64xi32, #tpu.memory_space<vmem>> -> memref<64xi32, #tpu.memory_space<vmem>>
        %dma_wait3A_919 = arith.constant 0 : i32
        %dma_wait3A_920 = arith.constant 0 : i32
        %dma_wait3A_921 = tpu.memref_slice %arg10[%dma_wait3A_919, %dma_wait3A_920] : memref<10240x128xf32, #tpu.memory_space<vmem_shared>> -> memref<10240x128xf32, #tpu.memory_space<vmem_shared>>
        tpu.wait_indirect_dma semaphore(%run_scoped3A_901 : memref<!tpu.dma_semaphore, #tpu.memory_space<semaphore_mem>>) src(%dma_wait3A_915 : memref<64x128xf32, #tpu.memory_space<vmem>>) dst(%dma_wait3A_921 : memref<10240x128xf32, #tpu.memory_space<vmem_shared>>)
        tpu.yield
      }) : () -> ()
      %dma_start3A_713 = arith.constant 27 : i32
      %dma_start3A_714 = arith.constant 3 : i32
      %dma_start3A_715 = arith.constant 0 : i32
      %dma_start3A_716 = arith.constant 0 : i32
      %dma_start3A_717 = tpu.memref_slice %arg9[%dma_start3A_714, %dma_start3A_715, %dma_start3A_716] : memref<4x64x128xf32, #tpu.memory_space<vmem>> -> memref<1x64x128xf32, #tpu.memory_space<vmem>>
      %dma_start3A_718 = tpu.memref_squeeze %dma_start3A_717 : memref<1x64x128xf32, #tpu.memory_space<vmem>> -> memref<64x128xf32, #tpu.memory_space<vmem>>
      %dma_start3A_719 = arith.constant 0 : i32
      %dma_start3A_720 = tpu.memref_slice %arg7[%dma_start3A_713, %dma_start3A_719] : memref<32x64xi32, #tpu.memory_space<vmem>> -> memref<1x64xi32, #tpu.memory_space<vmem>>
      %dma_start3A_721 = tpu.memref_squeeze %dma_start3A_720 : memref<1x64xi32, #tpu.memory_space<vmem>> -> memref<64xi32, #tpu.memory_space<vmem>>
      %dma_start3A_722 = arith.constant 0 : i32
      %dma_start3A_723 = arith.constant 0 : i32
      %dma_start3A_724 = tpu.memref_slice %arg2[%dma_start3A_722, %dma_start3A_723] : memref<100000x128xf32, #tpu.memory_space<hbm>> -> memref<100000x128xf32, #tpu.memory_space<hbm>>
      tpu.enqueue_indirect_dma source(%dma_start3A_724 : memref<100000x128xf32, #tpu.memory_space<hbm>>) target(%dma_start3A_718 : memref<64x128xf32, #tpu.memory_space<vmem>>) offsets(%dma_start3A_721 : memref<64xi32, #tpu.memory_space<vmem>>) semaphore(%arg16 : memref<!tpu.dma_semaphore, #tpu.memory_space<semaphore_mem>>)
      %dma_wait3A_725 = arith.constant 24 : i32
      %dma_wait3A_726 = arith.constant 0 : i32
      %dma_wait3A_727 = arith.constant 0 : i32
      %dma_wait3A_728 = arith.constant 0 : i32
      %dma_wait3A_729 = tpu.memref_slice %arg9[%dma_wait3A_726, %dma_wait3A_727, %dma_wait3A_728] : memref<4x64x128xf32, #tpu.memory_space<vmem>> -> memref<1x64x128xf32, #tpu.memory_space<vmem>>
      %dma_wait3A_730 = tpu.memref_squeeze %dma_wait3A_729 : memref<1x64x128xf32, #tpu.memory_space<vmem>> -> memref<64x128xf32, #tpu.memory_space<vmem>>
      %dma_wait3A_731 = arith.constant 0 : i32
      %dma_wait3A_732 = tpu.memref_slice %arg7[%dma_wait3A_725, %dma_wait3A_731] : memref<32x64xi32, #tpu.memory_space<vmem>> -> memref<1x64xi32, #tpu.memory_space<vmem>>
      %dma_wait3A_733 = tpu.memref_squeeze %dma_wait3A_732 : memref<1x64xi32, #tpu.memory_space<vmem>> -> memref<64xi32, #tpu.memory_space<vmem>>
      %dma_wait3A_734 = arith.constant 0 : i32
      %dma_wait3A_735 = arith.constant 0 : i32
      %dma_wait3A_736 = tpu.memref_slice %arg2[%dma_wait3A_734, %dma_wait3A_735] : memref<100000x128xf32, #tpu.memory_space<hbm>> -> memref<100000x128xf32, #tpu.memory_space<hbm>>
      tpu.wait_indirect_dma semaphore(%arg13 : memref<!tpu.dma_semaphore, #tpu.memory_space<semaphore_mem>>) src(%dma_wait3A_736 : memref<100000x128xf32, #tpu.memory_space<hbm>>) dst(%dma_wait3A_730 : memref<64x128xf32, #tpu.memory_space<vmem>>)
      %run_scoped3A_737 = arith.constant 0 : i32
      %run_scoped3A_738 = arith.constant 24 : i32
      "tpu.region"() ({
        %run_scoped3A_901 = tpu.sem_alloc : memref<!tpu.dma_semaphore, #tpu.memory_space<semaphore_mem>>
        %dma_start3A_902 = arith.constant 0 : i32
        %dma_start3A_903 = arith.constant 0 : i32
        %dma_start3A_904 = tpu.memref_slice %arg9[%run_scoped3A_737, %dma_start3A_902, %dma_start3A_903] : memref<4x64x128xf32, #tpu.memory_space<vmem>> -> memref<1x64x128xf32, #tpu.memory_space<vmem>>
        %dma_start3A_905 = tpu.memref_squeeze %dma_start3A_904 : memref<1x64x128xf32, #tpu.memory_space<vmem>> -> memref<64x128xf32, #tpu.memory_space<vmem>>
        %dma_start3A_906 = arith.constant 0 : i32
        %dma_start3A_907 = tpu.memref_slice %arg8[%run_scoped3A_738, %dma_start3A_906] : memref<32x64xi32, #tpu.memory_space<vmem>> -> memref<1x64xi32, #tpu.memory_space<vmem>>
        %dma_start3A_908 = tpu.memref_squeeze %dma_start3A_907 : memref<1x64xi32, #tpu.memory_space<vmem>> -> memref<64xi32, #tpu.memory_space<vmem>>
        %dma_start3A_909 = arith.constant 0 : i32
        %dma_start3A_910 = arith.constant 0 : i32
        %dma_start3A_911 = tpu.memref_slice %arg10[%dma_start3A_909, %dma_start3A_910] : memref<10240x128xf32, #tpu.memory_space<vmem_shared>> -> memref<10240x128xf32, #tpu.memory_space<vmem_shared>>
        tpu.enqueue_indirect_dma source(%dma_start3A_905 : memref<64x128xf32, #tpu.memory_space<vmem>>) target(%dma_start3A_911 : memref<10240x128xf32, #tpu.memory_space<vmem_shared>>) offsets(%dma_start3A_908 : memref<64xi32, #tpu.memory_space<vmem>>) semaphore(%run_scoped3A_901 : memref<!tpu.dma_semaphore, #tpu.memory_space<semaphore_mem>>) {add = true}
        %dma_wait3A_912 = arith.constant 0 : i32
        %dma_wait3A_913 = arith.constant 0 : i32
        %dma_wait3A_914 = tpu.memref_slice %arg9[%run_scoped3A_737, %dma_wait3A_912, %dma_wait3A_913] : memref<4x64x128xf32, #tpu.memory_space<vmem>> -> memref<1x64x128xf32, #tpu.memory_space<vmem>>
        %dma_wait3A_915 = tpu.memref_squeeze %dma_wait3A_914 : memref<1x64x128xf32, #tpu.memory_space<vmem>> -> memref<64x128xf32, #tpu.memory_space<vmem>>
        %dma_wait3A_916 = arith.constant 0 : i32
        %dma_wait3A_917 = tpu.memref_slice %arg8[%run_scoped3A_738, %dma_wait3A_916] : memref<32x64xi32, #tpu.memory_space<vmem>> -> memref<1x64xi32, #tpu.memory_space<vmem>>
        %dma_wait3A_918 = tpu.memref_squeeze %dma_wait3A_917 : memref<1x64xi32, #tpu.memory_space<vmem>> -> memref<64xi32, #tpu.memory_space<vmem>>
        %dma_wait3A_919 = arith.constant 0 : i32
        %dma_wait3A_920 = arith.constant 0 : i32
        %dma_wait3A_921 = tpu.memref_slice %arg10[%dma_wait3A_919, %dma_wait3A_920] : memref<10240x128xf32, #tpu.memory_space<vmem_shared>> -> memref<10240x128xf32, #tpu.memory_space<vmem_shared>>
        tpu.wait_indirect_dma semaphore(%run_scoped3A_901 : memref<!tpu.dma_semaphore, #tpu.memory_space<semaphore_mem>>) src(%dma_wait3A_915 : memref<64x128xf32, #tpu.memory_space<vmem>>) dst(%dma_wait3A_921 : memref<10240x128xf32, #tpu.memory_space<vmem_shared>>)
        tpu.yield
      }) : () -> ()
      %dma_start3A_739 = arith.constant 28 : i32
      %dma_start3A_740 = arith.constant 0 : i32
      %dma_start3A_741 = arith.constant 0 : i32
      %dma_start3A_742 = arith.constant 0 : i32
      %dma_start3A_743 = tpu.memref_slice %arg9[%dma_start3A_740, %dma_start3A_741, %dma_start3A_742] : memref<4x64x128xf32, #tpu.memory_space<vmem>> -> memref<1x64x128xf32, #tpu.memory_space<vmem>>
      %dma_start3A_744 = tpu.memref_squeeze %dma_start3A_743 : memref<1x64x128xf32, #tpu.memory_space<vmem>> -> memref<64x128xf32, #tpu.memory_space<vmem>>
      %dma_start3A_745 = arith.constant 0 : i32
      %dma_start3A_746 = tpu.memref_slice %arg7[%dma_start3A_739, %dma_start3A_745] : memref<32x64xi32, #tpu.memory_space<vmem>> -> memref<1x64xi32, #tpu.memory_space<vmem>>
      %dma_start3A_747 = tpu.memref_squeeze %dma_start3A_746 : memref<1x64xi32, #tpu.memory_space<vmem>> -> memref<64xi32, #tpu.memory_space<vmem>>
      %dma_start3A_748 = arith.constant 0 : i32
      %dma_start3A_749 = arith.constant 0 : i32
      %dma_start3A_750 = tpu.memref_slice %arg2[%dma_start3A_748, %dma_start3A_749] : memref<100000x128xf32, #tpu.memory_space<hbm>> -> memref<100000x128xf32, #tpu.memory_space<hbm>>
      tpu.enqueue_indirect_dma source(%dma_start3A_750 : memref<100000x128xf32, #tpu.memory_space<hbm>>) target(%dma_start3A_744 : memref<64x128xf32, #tpu.memory_space<vmem>>) offsets(%dma_start3A_747 : memref<64xi32, #tpu.memory_space<vmem>>) semaphore(%arg13 : memref<!tpu.dma_semaphore, #tpu.memory_space<semaphore_mem>>)
      %dma_wait3A_751 = arith.constant 25 : i32
      %dma_wait3A_752 = arith.constant 1 : i32
      %dma_wait3A_753 = arith.constant 0 : i32
      %dma_wait3A_754 = arith.constant 0 : i32
      %dma_wait3A_755 = tpu.memref_slice %arg9[%dma_wait3A_752, %dma_wait3A_753, %dma_wait3A_754] : memref<4x64x128xf32, #tpu.memory_space<vmem>> -> memref<1x64x128xf32, #tpu.memory_space<vmem>>
      %dma_wait3A_756 = tpu.memref_squeeze %dma_wait3A_755 : memref<1x64x128xf32, #tpu.memory_space<vmem>> -> memref<64x128xf32, #tpu.memory_space<vmem>>
      %dma_wait3A_757 = arith.constant 0 : i32
      %dma_wait3A_758 = tpu.memref_slice %arg7[%dma_wait3A_751, %dma_wait3A_757] : memref<32x64xi32, #tpu.memory_space<vmem>> -> memref<1x64xi32, #tpu.memory_space<vmem>>
      %dma_wait3A_759 = tpu.memref_squeeze %dma_wait3A_758 : memref<1x64xi32, #tpu.memory_space<vmem>> -> memref<64xi32, #tpu.memory_space<vmem>>
      %dma_wait3A_760 = arith.constant 0 : i32
      %dma_wait3A_761 = arith.constant 0 : i32
      %dma_wait3A_762 = tpu.memref_slice %arg2[%dma_wait3A_760, %dma_wait3A_761] : memref<100000x128xf32, #tpu.memory_space<hbm>> -> memref<100000x128xf32, #tpu.memory_space<hbm>>
      tpu.wait_indirect_dma semaphore(%arg14 : memref<!tpu.dma_semaphore, #tpu.memory_space<semaphore_mem>>) src(%dma_wait3A_762 : memref<100000x128xf32, #tpu.memory_space<hbm>>) dst(%dma_wait3A_756 : memref<64x128xf32, #tpu.memory_space<vmem>>)
      %run_scoped3A_763 = arith.constant 1 : i32
      %run_scoped3A_764 = arith.constant 25 : i32
      "tpu.region"() ({
        %run_scoped3A_901 = tpu.sem_alloc : memref<!tpu.dma_semaphore, #tpu.memory_space<semaphore_mem>>
        %dma_start3A_902 = arith.constant 0 : i32
        %dma_start3A_903 = arith.constant 0 : i32
        %dma_start3A_904 = tpu.memref_slice %arg9[%run_scoped3A_763, %dma_start3A_902, %dma_start3A_903] : memref<4x64x128xf32, #tpu.memory_space<vmem>> -> memref<1x64x128xf32, #tpu.memory_space<vmem>>
        %dma_start3A_905 = tpu.memref_squeeze %dma_start3A_904 : memref<1x64x128xf32, #tpu.memory_space<vmem>> -> memref<64x128xf32, #tpu.memory_space<vmem>>
        %dma_start3A_906 = arith.constant 0 : i32
        %dma_start3A_907 = tpu.memref_slice %arg8[%run_scoped3A_764, %dma_start3A_906] : memref<32x64xi32, #tpu.memory_space<vmem>> -> memref<1x64xi32, #tpu.memory_space<vmem>>
        %dma_start3A_908 = tpu.memref_squeeze %dma_start3A_907 : memref<1x64xi32, #tpu.memory_space<vmem>> -> memref<64xi32, #tpu.memory_space<vmem>>
        %dma_start3A_909 = arith.constant 0 : i32
        %dma_start3A_910 = arith.constant 0 : i32
        %dma_start3A_911 = tpu.memref_slice %arg10[%dma_start3A_909, %dma_start3A_910] : memref<10240x128xf32, #tpu.memory_space<vmem_shared>> -> memref<10240x128xf32, #tpu.memory_space<vmem_shared>>
        tpu.enqueue_indirect_dma source(%dma_start3A_905 : memref<64x128xf32, #tpu.memory_space<vmem>>) target(%dma_start3A_911 : memref<10240x128xf32, #tpu.memory_space<vmem_shared>>) offsets(%dma_start3A_908 : memref<64xi32, #tpu.memory_space<vmem>>) semaphore(%run_scoped3A_901 : memref<!tpu.dma_semaphore, #tpu.memory_space<semaphore_mem>>) {add = true}
        %dma_wait3A_912 = arith.constant 0 : i32
        %dma_wait3A_913 = arith.constant 0 : i32
        %dma_wait3A_914 = tpu.memref_slice %arg9[%run_scoped3A_763, %dma_wait3A_912, %dma_wait3A_913] : memref<4x64x128xf32, #tpu.memory_space<vmem>> -> memref<1x64x128xf32, #tpu.memory_space<vmem>>
        %dma_wait3A_915 = tpu.memref_squeeze %dma_wait3A_914 : memref<1x64x128xf32, #tpu.memory_space<vmem>> -> memref<64x128xf32, #tpu.memory_space<vmem>>
        %dma_wait3A_916 = arith.constant 0 : i32
        %dma_wait3A_917 = tpu.memref_slice %arg8[%run_scoped3A_764, %dma_wait3A_916] : memref<32x64xi32, #tpu.memory_space<vmem>> -> memref<1x64xi32, #tpu.memory_space<vmem>>
        %dma_wait3A_918 = tpu.memref_squeeze %dma_wait3A_917 : memref<1x64xi32, #tpu.memory_space<vmem>> -> memref<64xi32, #tpu.memory_space<vmem>>
        %dma_wait3A_919 = arith.constant 0 : i32
        %dma_wait3A_920 = arith.constant 0 : i32
        %dma_wait3A_921 = tpu.memref_slice %arg10[%dma_wait3A_919, %dma_wait3A_920] : memref<10240x128xf32, #tpu.memory_space<vmem_shared>> -> memref<10240x128xf32, #tpu.memory_space<vmem_shared>>
        tpu.wait_indirect_dma semaphore(%run_scoped3A_901 : memref<!tpu.dma_semaphore, #tpu.memory_space<semaphore_mem>>) src(%dma_wait3A_915 : memref<64x128xf32, #tpu.memory_space<vmem>>) dst(%dma_wait3A_921 : memref<10240x128xf32, #tpu.memory_space<vmem_shared>>)
        tpu.yield
      }) : () -> ()
      %dma_start3A_765 = arith.constant 29 : i32
      %dma_start3A_766 = arith.constant 1 : i32
      %dma_start3A_767 = arith.constant 0 : i32
      %dma_start3A_768 = arith.constant 0 : i32
      %dma_start3A_769 = tpu.memref_slice %arg9[%dma_start3A_766, %dma_start3A_767, %dma_start3A_768] : memref<4x64x128xf32, #tpu.memory_space<vmem>> -> memref<1x64x128xf32, #tpu.memory_space<vmem>>
      %dma_start3A_770 = tpu.memref_squeeze %dma_start3A_769 : memref<1x64x128xf32, #tpu.memory_space<vmem>> -> memref<64x128xf32, #tpu.memory_space<vmem>>
      %dma_start3A_771 = arith.constant 0 : i32
      %dma_start3A_772 = tpu.memref_slice %arg7[%dma_start3A_765, %dma_start3A_771] : memref<32x64xi32, #tpu.memory_space<vmem>> -> memref<1x64xi32, #tpu.memory_space<vmem>>
      %dma_start3A_773 = tpu.memref_squeeze %dma_start3A_772 : memref<1x64xi32, #tpu.memory_space<vmem>> -> memref<64xi32, #tpu.memory_space<vmem>>
      %dma_start3A_774 = arith.constant 0 : i32
      %dma_start3A_775 = arith.constant 0 : i32
      %dma_start3A_776 = tpu.memref_slice %arg2[%dma_start3A_774, %dma_start3A_775] : memref<100000x128xf32, #tpu.memory_space<hbm>> -> memref<100000x128xf32, #tpu.memory_space<hbm>>
      tpu.enqueue_indirect_dma source(%dma_start3A_776 : memref<100000x128xf32, #tpu.memory_space<hbm>>) target(%dma_start3A_770 : memref<64x128xf32, #tpu.memory_space<vmem>>) offsets(%dma_start3A_773 : memref<64xi32, #tpu.memory_space<vmem>>) semaphore(%arg14 : memref<!tpu.dma_semaphore, #tpu.memory_space<semaphore_mem>>)
      %dma_wait3A_777 = arith.constant 26 : i32
      %dma_wait3A_778 = arith.constant 2 : i32
      %dma_wait3A_779 = arith.constant 0 : i32
      %dma_wait3A_780 = arith.constant 0 : i32
      %dma_wait3A_781 = tpu.memref_slice %arg9[%dma_wait3A_778, %dma_wait3A_779, %dma_wait3A_780] : memref<4x64x128xf32, #tpu.memory_space<vmem>> -> memref<1x64x128xf32, #tpu.memory_space<vmem>>
      %dma_wait3A_782 = tpu.memref_squeeze %dma_wait3A_781 : memref<1x64x128xf32, #tpu.memory_space<vmem>> -> memref<64x128xf32, #tpu.memory_space<vmem>>
      %dma_wait3A_783 = arith.constant 0 : i32
      %dma_wait3A_784 = tpu.memref_slice %arg7[%dma_wait3A_777, %dma_wait3A_783] : memref<32x64xi32, #tpu.memory_space<vmem>> -> memref<1x64xi32, #tpu.memory_space<vmem>>
      %dma_wait3A_785 = tpu.memref_squeeze %dma_wait3A_784 : memref<1x64xi32, #tpu.memory_space<vmem>> -> memref<64xi32, #tpu.memory_space<vmem>>
      %dma_wait3A_786 = arith.constant 0 : i32
      %dma_wait3A_787 = arith.constant 0 : i32
      %dma_wait3A_788 = tpu.memref_slice %arg2[%dma_wait3A_786, %dma_wait3A_787] : memref<100000x128xf32, #tpu.memory_space<hbm>> -> memref<100000x128xf32, #tpu.memory_space<hbm>>
      tpu.wait_indirect_dma semaphore(%arg15 : memref<!tpu.dma_semaphore, #tpu.memory_space<semaphore_mem>>) src(%dma_wait3A_788 : memref<100000x128xf32, #tpu.memory_space<hbm>>) dst(%dma_wait3A_782 : memref<64x128xf32, #tpu.memory_space<vmem>>)
      %run_scoped3A_789 = arith.constant 2 : i32
      %run_scoped3A_790 = arith.constant 26 : i32
      "tpu.region"() ({
        %run_scoped3A_901 = tpu.sem_alloc : memref<!tpu.dma_semaphore, #tpu.memory_space<semaphore_mem>>
        %dma_start3A_902 = arith.constant 0 : i32
        %dma_start3A_903 = arith.constant 0 : i32
        %dma_start3A_904 = tpu.memref_slice %arg9[%run_scoped3A_789, %dma_start3A_902, %dma_start3A_903] : memref<4x64x128xf32, #tpu.memory_space<vmem>> -> memref<1x64x128xf32, #tpu.memory_space<vmem>>
        %dma_start3A_905 = tpu.memref_squeeze %dma_start3A_904 : memref<1x64x128xf32, #tpu.memory_space<vmem>> -> memref<64x128xf32, #tpu.memory_space<vmem>>
        %dma_start3A_906 = arith.constant 0 : i32
        %dma_start3A_907 = tpu.memref_slice %arg8[%run_scoped3A_790, %dma_start3A_906] : memref<32x64xi32, #tpu.memory_space<vmem>> -> memref<1x64xi32, #tpu.memory_space<vmem>>
        %dma_start3A_908 = tpu.memref_squeeze %dma_start3A_907 : memref<1x64xi32, #tpu.memory_space<vmem>> -> memref<64xi32, #tpu.memory_space<vmem>>
        %dma_start3A_909 = arith.constant 0 : i32
        %dma_start3A_910 = arith.constant 0 : i32
        %dma_start3A_911 = tpu.memref_slice %arg10[%dma_start3A_909, %dma_start3A_910] : memref<10240x128xf32, #tpu.memory_space<vmem_shared>> -> memref<10240x128xf32, #tpu.memory_space<vmem_shared>>
        tpu.enqueue_indirect_dma source(%dma_start3A_905 : memref<64x128xf32, #tpu.memory_space<vmem>>) target(%dma_start3A_911 : memref<10240x128xf32, #tpu.memory_space<vmem_shared>>) offsets(%dma_start3A_908 : memref<64xi32, #tpu.memory_space<vmem>>) semaphore(%run_scoped3A_901 : memref<!tpu.dma_semaphore, #tpu.memory_space<semaphore_mem>>) {add = true}
        %dma_wait3A_912 = arith.constant 0 : i32
        %dma_wait3A_913 = arith.constant 0 : i32
        %dma_wait3A_914 = tpu.memref_slice %arg9[%run_scoped3A_789, %dma_wait3A_912, %dma_wait3A_913] : memref<4x64x128xf32, #tpu.memory_space<vmem>> -> memref<1x64x128xf32, #tpu.memory_space<vmem>>
        %dma_wait3A_915 = tpu.memref_squeeze %dma_wait3A_914 : memref<1x64x128xf32, #tpu.memory_space<vmem>> -> memref<64x128xf32, #tpu.memory_space<vmem>>
        %dma_wait3A_916 = arith.constant 0 : i32
        %dma_wait3A_917 = tpu.memref_slice %arg8[%run_scoped3A_790, %dma_wait3A_916] : memref<32x64xi32, #tpu.memory_space<vmem>> -> memref<1x64xi32, #tpu.memory_space<vmem>>
        %dma_wait3A_918 = tpu.memref_squeeze %dma_wait3A_917 : memref<1x64xi32, #tpu.memory_space<vmem>> -> memref<64xi32, #tpu.memory_space<vmem>>
        %dma_wait3A_919 = arith.constant 0 : i32
        %dma_wait3A_920 = arith.constant 0 : i32
        %dma_wait3A_921 = tpu.memref_slice %arg10[%dma_wait3A_919, %dma_wait3A_920] : memref<10240x128xf32, #tpu.memory_space<vmem_shared>> -> memref<10240x128xf32, #tpu.memory_space<vmem_shared>>
        tpu.wait_indirect_dma semaphore(%run_scoped3A_901 : memref<!tpu.dma_semaphore, #tpu.memory_space<semaphore_mem>>) src(%dma_wait3A_915 : memref<64x128xf32, #tpu.memory_space<vmem>>) dst(%dma_wait3A_921 : memref<10240x128xf32, #tpu.memory_space<vmem_shared>>)
        tpu.yield
      }) : () -> ()
      %dma_start3A_791 = arith.constant 30 : i32
      %dma_start3A_792 = arith.constant 2 : i32
      %dma_start3A_793 = arith.constant 0 : i32
      %dma_start3A_794 = arith.constant 0 : i32
      %dma_start3A_795 = tpu.memref_slice %arg9[%dma_start3A_792, %dma_start3A_793, %dma_start3A_794] : memref<4x64x128xf32, #tpu.memory_space<vmem>> -> memref<1x64x128xf32, #tpu.memory_space<vmem>>
      %dma_start3A_796 = tpu.memref_squeeze %dma_start3A_795 : memref<1x64x128xf32, #tpu.memory_space<vmem>> -> memref<64x128xf32, #tpu.memory_space<vmem>>
      %dma_start3A_797 = arith.constant 0 : i32
      %dma_start3A_798 = tpu.memref_slice %arg7[%dma_start3A_791, %dma_start3A_797] : memref<32x64xi32, #tpu.memory_space<vmem>> -> memref<1x64xi32, #tpu.memory_space<vmem>>
      %dma_start3A_799 = tpu.memref_squeeze %dma_start3A_798 : memref<1x64xi32, #tpu.memory_space<vmem>> -> memref<64xi32, #tpu.memory_space<vmem>>
      %dma_start3A_800 = arith.constant 0 : i32
      %dma_start3A_801 = arith.constant 0 : i32
      %dma_start3A_802 = tpu.memref_slice %arg2[%dma_start3A_800, %dma_start3A_801] : memref<100000x128xf32, #tpu.memory_space<hbm>> -> memref<100000x128xf32, #tpu.memory_space<hbm>>
      tpu.enqueue_indirect_dma source(%dma_start3A_802 : memref<100000x128xf32, #tpu.memory_space<hbm>>) target(%dma_start3A_796 : memref<64x128xf32, #tpu.memory_space<vmem>>) offsets(%dma_start3A_799 : memref<64xi32, #tpu.memory_space<vmem>>) semaphore(%arg15 : memref<!tpu.dma_semaphore, #tpu.memory_space<semaphore_mem>>)
      %dma_wait3A_803 = arith.constant 27 : i32
      %dma_wait3A_804 = arith.constant 3 : i32
      %dma_wait3A_805 = arith.constant 0 : i32
      %dma_wait3A_806 = arith.constant 0 : i32
      %dma_wait3A_807 = tpu.memref_slice %arg9[%dma_wait3A_804, %dma_wait3A_805, %dma_wait3A_806] : memref<4x64x128xf32, #tpu.memory_space<vmem>> -> memref<1x64x128xf32, #tpu.memory_space<vmem>>
      %dma_wait3A_808 = tpu.memref_squeeze %dma_wait3A_807 : memref<1x64x128xf32, #tpu.memory_space<vmem>> -> memref<64x128xf32, #tpu.memory_space<vmem>>
      %dma_wait3A_809 = arith.constant 0 : i32
      %dma_wait3A_810 = tpu.memref_slice %arg7[%dma_wait3A_803, %dma_wait3A_809] : memref<32x64xi32, #tpu.memory_space<vmem>> -> memref<1x64xi32, #tpu.memory_space<vmem>>
      %dma_wait3A_811 = tpu.memref_squeeze %dma_wait3A_810 : memref<1x64xi32, #tpu.memory_space<vmem>> -> memref<64xi32, #tpu.memory_space<vmem>>
      %dma_wait3A_812 = arith.constant 0 : i32
      %dma_wait3A_813 = arith.constant 0 : i32
      %dma_wait3A_814 = tpu.memref_slice %arg2[%dma_wait3A_812, %dma_wait3A_813] : memref<100000x128xf32, #tpu.memory_space<hbm>> -> memref<100000x128xf32, #tpu.memory_space<hbm>>
      tpu.wait_indirect_dma semaphore(%arg16 : memref<!tpu.dma_semaphore, #tpu.memory_space<semaphore_mem>>) src(%dma_wait3A_814 : memref<100000x128xf32, #tpu.memory_space<hbm>>) dst(%dma_wait3A_808 : memref<64x128xf32, #tpu.memory_space<vmem>>)
      %run_scoped3A_815 = arith.constant 3 : i32
      %run_scoped3A_816 = arith.constant 27 : i32
      "tpu.region"() ({
        %run_scoped3A_901 = tpu.sem_alloc : memref<!tpu.dma_semaphore, #tpu.memory_space<semaphore_mem>>
        %dma_start3A_902 = arith.constant 0 : i32
        %dma_start3A_903 = arith.constant 0 : i32
        %dma_start3A_904 = tpu.memref_slice %arg9[%run_scoped3A_815, %dma_start3A_902, %dma_start3A_903] : memref<4x64x128xf32, #tpu.memory_space<vmem>> -> memref<1x64x128xf32, #tpu.memory_space<vmem>>
        %dma_start3A_905 = tpu.memref_squeeze %dma_start3A_904 : memref<1x64x128xf32, #tpu.memory_space<vmem>> -> memref<64x128xf32, #tpu.memory_space<vmem>>
        %dma_start3A_906 = arith.constant 0 : i32
        %dma_start3A_907 = tpu.memref_slice %arg8[%run_scoped3A_816, %dma_start3A_906] : memref<32x64xi32, #tpu.memory_space<vmem>> -> memref<1x64xi32, #tpu.memory_space<vmem>>
        %dma_start3A_908 = tpu.memref_squeeze %dma_start3A_907 : memref<1x64xi32, #tpu.memory_space<vmem>> -> memref<64xi32, #tpu.memory_space<vmem>>
        %dma_start3A_909 = arith.constant 0 : i32
        %dma_start3A_910 = arith.constant 0 : i32
        %dma_start3A_911 = tpu.memref_slice %arg10[%dma_start3A_909, %dma_start3A_910] : memref<10240x128xf32, #tpu.memory_space<vmem_shared>> -> memref<10240x128xf32, #tpu.memory_space<vmem_shared>>
        tpu.enqueue_indirect_dma source(%dma_start3A_905 : memref<64x128xf32, #tpu.memory_space<vmem>>) target(%dma_start3A_911 : memref<10240x128xf32, #tpu.memory_space<vmem_shared>>) offsets(%dma_start3A_908 : memref<64xi32, #tpu.memory_space<vmem>>) semaphore(%run_scoped3A_901 : memref<!tpu.dma_semaphore, #tpu.memory_space<semaphore_mem>>) {add = true}
        %dma_wait3A_912 = arith.constant 0 : i32
        %dma_wait3A_913 = arith.constant 0 : i32
        %dma_wait3A_914 = tpu.memref_slice %arg9[%run_scoped3A_815, %dma_wait3A_912, %dma_wait3A_913] : memref<4x64x128xf32, #tpu.memory_space<vmem>> -> memref<1x64x128xf32, #tpu.memory_space<vmem>>
        %dma_wait3A_915 = tpu.memref_squeeze %dma_wait3A_914 : memref<1x64x128xf32, #tpu.memory_space<vmem>> -> memref<64x128xf32, #tpu.memory_space<vmem>>
        %dma_wait3A_916 = arith.constant 0 : i32
        %dma_wait3A_917 = tpu.memref_slice %arg8[%run_scoped3A_816, %dma_wait3A_916] : memref<32x64xi32, #tpu.memory_space<vmem>> -> memref<1x64xi32, #tpu.memory_space<vmem>>
        %dma_wait3A_918 = tpu.memref_squeeze %dma_wait3A_917 : memref<1x64xi32, #tpu.memory_space<vmem>> -> memref<64xi32, #tpu.memory_space<vmem>>
        %dma_wait3A_919 = arith.constant 0 : i32
        %dma_wait3A_920 = arith.constant 0 : i32
        %dma_wait3A_921 = tpu.memref_slice %arg10[%dma_wait3A_919, %dma_wait3A_920] : memref<10240x128xf32, #tpu.memory_space<vmem_shared>> -> memref<10240x128xf32, #tpu.memory_space<vmem_shared>>
        tpu.wait_indirect_dma semaphore(%run_scoped3A_901 : memref<!tpu.dma_semaphore, #tpu.memory_space<semaphore_mem>>) src(%dma_wait3A_915 : memref<64x128xf32, #tpu.memory_space<vmem>>) dst(%dma_wait3A_921 : memref<10240x128xf32, #tpu.memory_space<vmem_shared>>)
        tpu.yield
      }) : () -> ()
      %dma_start3A_817 = arith.constant 31 : i32
      %dma_start3A_818 = arith.constant 3 : i32
      %dma_start3A_819 = arith.constant 0 : i32
      %dma_start3A_820 = arith.constant 0 : i32
      %dma_start3A_821 = tpu.memref_slice %arg9[%dma_start3A_818, %dma_start3A_819, %dma_start3A_820] : memref<4x64x128xf32, #tpu.memory_space<vmem>> -> memref<1x64x128xf32, #tpu.memory_space<vmem>>
      %dma_start3A_822 = tpu.memref_squeeze %dma_start3A_821 : memref<1x64x128xf32, #tpu.memory_space<vmem>> -> memref<64x128xf32, #tpu.memory_space<vmem>>
      %dma_start3A_823 = arith.constant 0 : i32
      %dma_start3A_824 = tpu.memref_slice %arg7[%dma_start3A_817, %dma_start3A_823] : memref<32x64xi32, #tpu.memory_space<vmem>> -> memref<1x64xi32, #tpu.memory_space<vmem>>
      %dma_start3A_825 = tpu.memref_squeeze %dma_start3A_824 : memref<1x64xi32, #tpu.memory_space<vmem>> -> memref<64xi32, #tpu.memory_space<vmem>>
      %dma_start3A_826 = arith.constant 0 : i32
      %dma_start3A_827 = arith.constant 0 : i32
      %dma_start3A_828 = tpu.memref_slice %arg2[%dma_start3A_826, %dma_start3A_827] : memref<100000x128xf32, #tpu.memory_space<hbm>> -> memref<100000x128xf32, #tpu.memory_space<hbm>>
      tpu.enqueue_indirect_dma source(%dma_start3A_828 : memref<100000x128xf32, #tpu.memory_space<hbm>>) target(%dma_start3A_822 : memref<64x128xf32, #tpu.memory_space<vmem>>) offsets(%dma_start3A_825 : memref<64xi32, #tpu.memory_space<vmem>>) semaphore(%arg16 : memref<!tpu.dma_semaphore, #tpu.memory_space<semaphore_mem>>)
      %dma_wait3A_829 = arith.constant 28 : i32
      %dma_wait3A_830 = arith.constant 0 : i32
      %dma_wait3A_831 = arith.constant 0 : i32
      %dma_wait3A_832 = arith.constant 0 : i32
      %dma_wait3A_833 = tpu.memref_slice %arg9[%dma_wait3A_830, %dma_wait3A_831, %dma_wait3A_832] : memref<4x64x128xf32, #tpu.memory_space<vmem>> -> memref<1x64x128xf32, #tpu.memory_space<vmem>>
      %dma_wait3A_834 = tpu.memref_squeeze %dma_wait3A_833 : memref<1x64x128xf32, #tpu.memory_space<vmem>> -> memref<64x128xf32, #tpu.memory_space<vmem>>
      %dma_wait3A_835 = arith.constant 0 : i32
      %dma_wait3A_836 = tpu.memref_slice %arg7[%dma_wait3A_829, %dma_wait3A_835] : memref<32x64xi32, #tpu.memory_space<vmem>> -> memref<1x64xi32, #tpu.memory_space<vmem>>
      %dma_wait3A_837 = tpu.memref_squeeze %dma_wait3A_836 : memref<1x64xi32, #tpu.memory_space<vmem>> -> memref<64xi32, #tpu.memory_space<vmem>>
      %dma_wait3A_838 = arith.constant 0 : i32
      %dma_wait3A_839 = arith.constant 0 : i32
      %dma_wait3A_840 = tpu.memref_slice %arg2[%dma_wait3A_838, %dma_wait3A_839] : memref<100000x128xf32, #tpu.memory_space<hbm>> -> memref<100000x128xf32, #tpu.memory_space<hbm>>
      tpu.wait_indirect_dma semaphore(%arg13 : memref<!tpu.dma_semaphore, #tpu.memory_space<semaphore_mem>>) src(%dma_wait3A_840 : memref<100000x128xf32, #tpu.memory_space<hbm>>) dst(%dma_wait3A_834 : memref<64x128xf32, #tpu.memory_space<vmem>>)
      %run_scoped3A_841 = arith.constant 0 : i32
      %run_scoped3A_842 = arith.constant 28 : i32
      "tpu.region"() ({
        %run_scoped3A_901 = tpu.sem_alloc : memref<!tpu.dma_semaphore, #tpu.memory_space<semaphore_mem>>
        %dma_start3A_902 = arith.constant 0 : i32
        %dma_start3A_903 = arith.constant 0 : i32
        %dma_start3A_904 = tpu.memref_slice %arg9[%run_scoped3A_841, %dma_start3A_902, %dma_start3A_903] : memref<4x64x128xf32, #tpu.memory_space<vmem>> -> memref<1x64x128xf32, #tpu.memory_space<vmem>>
        %dma_start3A_905 = tpu.memref_squeeze %dma_start3A_904 : memref<1x64x128xf32, #tpu.memory_space<vmem>> -> memref<64x128xf32, #tpu.memory_space<vmem>>
        %dma_start3A_906 = arith.constant 0 : i32
        %dma_start3A_907 = tpu.memref_slice %arg8[%run_scoped3A_842, %dma_start3A_906] : memref<32x64xi32, #tpu.memory_space<vmem>> -> memref<1x64xi32, #tpu.memory_space<vmem>>
        %dma_start3A_908 = tpu.memref_squeeze %dma_start3A_907 : memref<1x64xi32, #tpu.memory_space<vmem>> -> memref<64xi32, #tpu.memory_space<vmem>>
        %dma_start3A_909 = arith.constant 0 : i32
        %dma_start3A_910 = arith.constant 0 : i32
        %dma_start3A_911 = tpu.memref_slice %arg10[%dma_start3A_909, %dma_start3A_910] : memref<10240x128xf32, #tpu.memory_space<vmem_shared>> -> memref<10240x128xf32, #tpu.memory_space<vmem_shared>>
        tpu.enqueue_indirect_dma source(%dma_start3A_905 : memref<64x128xf32, #tpu.memory_space<vmem>>) target(%dma_start3A_911 : memref<10240x128xf32, #tpu.memory_space<vmem_shared>>) offsets(%dma_start3A_908 : memref<64xi32, #tpu.memory_space<vmem>>) semaphore(%run_scoped3A_901 : memref<!tpu.dma_semaphore, #tpu.memory_space<semaphore_mem>>) {add = true}
        %dma_wait3A_912 = arith.constant 0 : i32
        %dma_wait3A_913 = arith.constant 0 : i32
        %dma_wait3A_914 = tpu.memref_slice %arg9[%run_scoped3A_841, %dma_wait3A_912, %dma_wait3A_913] : memref<4x64x128xf32, #tpu.memory_space<vmem>> -> memref<1x64x128xf32, #tpu.memory_space<vmem>>
        %dma_wait3A_915 = tpu.memref_squeeze %dma_wait3A_914 : memref<1x64x128xf32, #tpu.memory_space<vmem>> -> memref<64x128xf32, #tpu.memory_space<vmem>>
        %dma_wait3A_916 = arith.constant 0 : i32
        %dma_wait3A_917 = tpu.memref_slice %arg8[%run_scoped3A_842, %dma_wait3A_916] : memref<32x64xi32, #tpu.memory_space<vmem>> -> memref<1x64xi32, #tpu.memory_space<vmem>>
        %dma_wait3A_918 = tpu.memref_squeeze %dma_wait3A_917 : memref<1x64xi32, #tpu.memory_space<vmem>> -> memref<64xi32, #tpu.memory_space<vmem>>
        %dma_wait3A_919 = arith.constant 0 : i32
        %dma_wait3A_920 = arith.constant 0 : i32
        %dma_wait3A_921 = tpu.memref_slice %arg10[%dma_wait3A_919, %dma_wait3A_920] : memref<10240x128xf32, #tpu.memory_space<vmem_shared>> -> memref<10240x128xf32, #tpu.memory_space<vmem_shared>>
        tpu.wait_indirect_dma semaphore(%run_scoped3A_901 : memref<!tpu.dma_semaphore, #tpu.memory_space<semaphore_mem>>) src(%dma_wait3A_915 : memref<64x128xf32, #tpu.memory_space<vmem>>) dst(%dma_wait3A_921 : memref<10240x128xf32, #tpu.memory_space<vmem_shared>>)
        tpu.yield
      }) : () -> ()
      %dma_wait3A_843 = arith.constant 29 : i32
      %dma_wait3A_844 = arith.constant 1 : i32
      %dma_wait3A_845 = arith.constant 0 : i32
      %dma_wait3A_846 = arith.constant 0 : i32
      %dma_wait3A_847 = tpu.memref_slice %arg9[%dma_wait3A_844, %dma_wait3A_845, %dma_wait3A_846] : memref<4x64x128xf32, #tpu.memory_space<vmem>> -> memref<1x64x128xf32, #tpu.memory_space<vmem>>
      %dma_wait3A_848 = tpu.memref_squeeze %dma_wait3A_847 : memref<1x64x128xf32, #tpu.memory_space<vmem>> -> memref<64x128xf32, #tpu.memory_space<vmem>>
      %dma_wait3A_849 = arith.constant 0 : i32
      %dma_wait3A_850 = tpu.memref_slice %arg7[%dma_wait3A_843, %dma_wait3A_849] : memref<32x64xi32, #tpu.memory_space<vmem>> -> memref<1x64xi32, #tpu.memory_space<vmem>>
      %dma_wait3A_851 = tpu.memref_squeeze %dma_wait3A_850 : memref<1x64xi32, #tpu.memory_space<vmem>> -> memref<64xi32, #tpu.memory_space<vmem>>
      %dma_wait3A_852 = arith.constant 0 : i32
      %dma_wait3A_853 = arith.constant 0 : i32
      %dma_wait3A_854 = tpu.memref_slice %arg2[%dma_wait3A_852, %dma_wait3A_853] : memref<100000x128xf32, #tpu.memory_space<hbm>> -> memref<100000x128xf32, #tpu.memory_space<hbm>>
      tpu.wait_indirect_dma semaphore(%arg14 : memref<!tpu.dma_semaphore, #tpu.memory_space<semaphore_mem>>) src(%dma_wait3A_854 : memref<100000x128xf32, #tpu.memory_space<hbm>>) dst(%dma_wait3A_848 : memref<64x128xf32, #tpu.memory_space<vmem>>)
      %run_scoped3A_855 = arith.constant 1 : i32
      %run_scoped3A_856 = arith.constant 29 : i32
      "tpu.region"() ({
        %run_scoped3A_901 = tpu.sem_alloc : memref<!tpu.dma_semaphore, #tpu.memory_space<semaphore_mem>>
        %dma_start3A_902 = arith.constant 0 : i32
        %dma_start3A_903 = arith.constant 0 : i32
        %dma_start3A_904 = tpu.memref_slice %arg9[%run_scoped3A_855, %dma_start3A_902, %dma_start3A_903] : memref<4x64x128xf32, #tpu.memory_space<vmem>> -> memref<1x64x128xf32, #tpu.memory_space<vmem>>
        %dma_start3A_905 = tpu.memref_squeeze %dma_start3A_904 : memref<1x64x128xf32, #tpu.memory_space<vmem>> -> memref<64x128xf32, #tpu.memory_space<vmem>>
        %dma_start3A_906 = arith.constant 0 : i32
        %dma_start3A_907 = tpu.memref_slice %arg8[%run_scoped3A_856, %dma_start3A_906] : memref<32x64xi32, #tpu.memory_space<vmem>> -> memref<1x64xi32, #tpu.memory_space<vmem>>
        %dma_start3A_908 = tpu.memref_squeeze %dma_start3A_907 : memref<1x64xi32, #tpu.memory_space<vmem>> -> memref<64xi32, #tpu.memory_space<vmem>>
        %dma_start3A_909 = arith.constant 0 : i32
        %dma_start3A_910 = arith.constant 0 : i32
        %dma_start3A_911 = tpu.memref_slice %arg10[%dma_start3A_909, %dma_start3A_910] : memref<10240x128xf32, #tpu.memory_space<vmem_shared>> -> memref<10240x128xf32, #tpu.memory_space<vmem_shared>>
        tpu.enqueue_indirect_dma source(%dma_start3A_905 : memref<64x128xf32, #tpu.memory_space<vmem>>) target(%dma_start3A_911 : memref<10240x128xf32, #tpu.memory_space<vmem_shared>>) offsets(%dma_start3A_908 : memref<64xi32, #tpu.memory_space<vmem>>) semaphore(%run_scoped3A_901 : memref<!tpu.dma_semaphore, #tpu.memory_space<semaphore_mem>>) {add = true}
        %dma_wait3A_912 = arith.constant 0 : i32
        %dma_wait3A_913 = arith.constant 0 : i32
        %dma_wait3A_914 = tpu.memref_slice %arg9[%run_scoped3A_855, %dma_wait3A_912, %dma_wait3A_913] : memref<4x64x128xf32, #tpu.memory_space<vmem>> -> memref<1x64x128xf32, #tpu.memory_space<vmem>>
        %dma_wait3A_915 = tpu.memref_squeeze %dma_wait3A_914 : memref<1x64x128xf32, #tpu.memory_space<vmem>> -> memref<64x128xf32, #tpu.memory_space<vmem>>
        %dma_wait3A_916 = arith.constant 0 : i32
        %dma_wait3A_917 = tpu.memref_slice %arg8[%run_scoped3A_856, %dma_wait3A_916] : memref<32x64xi32, #tpu.memory_space<vmem>> -> memref<1x64xi32, #tpu.memory_space<vmem>>
        %dma_wait3A_918 = tpu.memref_squeeze %dma_wait3A_917 : memref<1x64xi32, #tpu.memory_space<vmem>> -> memref<64xi32, #tpu.memory_space<vmem>>
        %dma_wait3A_919 = arith.constant 0 : i32
        %dma_wait3A_920 = arith.constant 0 : i32
        %dma_wait3A_921 = tpu.memref_slice %arg10[%dma_wait3A_919, %dma_wait3A_920] : memref<10240x128xf32, #tpu.memory_space<vmem_shared>> -> memref<10240x128xf32, #tpu.memory_space<vmem_shared>>
        tpu.wait_indirect_dma semaphore(%run_scoped3A_901 : memref<!tpu.dma_semaphore, #tpu.memory_space<semaphore_mem>>) src(%dma_wait3A_915 : memref<64x128xf32, #tpu.memory_space<vmem>>) dst(%dma_wait3A_921 : memref<10240x128xf32, #tpu.memory_space<vmem_shared>>)
        tpu.yield
      }) : () -> ()
      %dma_wait3A_857 = arith.constant 30 : i32
      %dma_wait3A_858 = arith.constant 2 : i32
      %dma_wait3A_859 = arith.constant 0 : i32
      %dma_wait3A_860 = arith.constant 0 : i32
      %dma_wait3A_861 = tpu.memref_slice %arg9[%dma_wait3A_858, %dma_wait3A_859, %dma_wait3A_860] : memref<4x64x128xf32, #tpu.memory_space<vmem>> -> memref<1x64x128xf32, #tpu.memory_space<vmem>>
      %dma_wait3A_862 = tpu.memref_squeeze %dma_wait3A_861 : memref<1x64x128xf32, #tpu.memory_space<vmem>> -> memref<64x128xf32, #tpu.memory_space<vmem>>
      %dma_wait3A_863 = arith.constant 0 : i32
      %dma_wait3A_864 = tpu.memref_slice %arg7[%dma_wait3A_857, %dma_wait3A_863] : memref<32x64xi32, #tpu.memory_space<vmem>> -> memref<1x64xi32, #tpu.memory_space<vmem>>
      %dma_wait3A_865 = tpu.memref_squeeze %dma_wait3A_864 : memref<1x64xi32, #tpu.memory_space<vmem>> -> memref<64xi32, #tpu.memory_space<vmem>>
      %dma_wait3A_866 = arith.constant 0 : i32
      %dma_wait3A_867 = arith.constant 0 : i32
      %dma_wait3A_868 = tpu.memref_slice %arg2[%dma_wait3A_866, %dma_wait3A_867] : memref<100000x128xf32, #tpu.memory_space<hbm>> -> memref<100000x128xf32, #tpu.memory_space<hbm>>
      tpu.wait_indirect_dma semaphore(%arg15 : memref<!tpu.dma_semaphore, #tpu.memory_space<semaphore_mem>>) src(%dma_wait3A_868 : memref<100000x128xf32, #tpu.memory_space<hbm>>) dst(%dma_wait3A_862 : memref<64x128xf32, #tpu.memory_space<vmem>>)
      %run_scoped3A_869 = arith.constant 2 : i32
      %run_scoped3A_870 = arith.constant 30 : i32
      "tpu.region"() ({
        %run_scoped3A_901 = tpu.sem_alloc : memref<!tpu.dma_semaphore, #tpu.memory_space<semaphore_mem>>
        %dma_start3A_902 = arith.constant 0 : i32
        %dma_start3A_903 = arith.constant 0 : i32
        %dma_start3A_904 = tpu.memref_slice %arg9[%run_scoped3A_869, %dma_start3A_902, %dma_start3A_903] : memref<4x64x128xf32, #tpu.memory_space<vmem>> -> memref<1x64x128xf32, #tpu.memory_space<vmem>>
        %dma_start3A_905 = tpu.memref_squeeze %dma_start3A_904 : memref<1x64x128xf32, #tpu.memory_space<vmem>> -> memref<64x128xf32, #tpu.memory_space<vmem>>
        %dma_start3A_906 = arith.constant 0 : i32
        %dma_start3A_907 = tpu.memref_slice %arg8[%run_scoped3A_870, %dma_start3A_906] : memref<32x64xi32, #tpu.memory_space<vmem>> -> memref<1x64xi32, #tpu.memory_space<vmem>>
        %dma_start3A_908 = tpu.memref_squeeze %dma_start3A_907 : memref<1x64xi32, #tpu.memory_space<vmem>> -> memref<64xi32, #tpu.memory_space<vmem>>
        %dma_start3A_909 = arith.constant 0 : i32
        %dma_start3A_910 = arith.constant 0 : i32
        %dma_start3A_911 = tpu.memref_slice %arg10[%dma_start3A_909, %dma_start3A_910] : memref<10240x128xf32, #tpu.memory_space<vmem_shared>> -> memref<10240x128xf32, #tpu.memory_space<vmem_shared>>
        tpu.enqueue_indirect_dma source(%dma_start3A_905 : memref<64x128xf32, #tpu.memory_space<vmem>>) target(%dma_start3A_911 : memref<10240x128xf32, #tpu.memory_space<vmem_shared>>) offsets(%dma_start3A_908 : memref<64xi32, #tpu.memory_space<vmem>>) semaphore(%run_scoped3A_901 : memref<!tpu.dma_semaphore, #tpu.memory_space<semaphore_mem>>) {add = true}
        %dma_wait3A_912 = arith.constant 0 : i32
        %dma_wait3A_913 = arith.constant 0 : i32
        %dma_wait3A_914 = tpu.memref_slice %arg9[%run_scoped3A_869, %dma_wait3A_912, %dma_wait3A_913] : memref<4x64x128xf32, #tpu.memory_space<vmem>> -> memref<1x64x128xf32, #tpu.memory_space<vmem>>
        %dma_wait3A_915 = tpu.memref_squeeze %dma_wait3A_914 : memref<1x64x128xf32, #tpu.memory_space<vmem>> -> memref<64x128xf32, #tpu.memory_space<vmem>>
        %dma_wait3A_916 = arith.constant 0 : i32
        %dma_wait3A_917 = tpu.memref_slice %arg8[%run_scoped3A_870, %dma_wait3A_916] : memref<32x64xi32, #tpu.memory_space<vmem>> -> memref<1x64xi32, #tpu.memory_space<vmem>>
        %dma_wait3A_918 = tpu.memref_squeeze %dma_wait3A_917 : memref<1x64xi32, #tpu.memory_space<vmem>> -> memref<64xi32, #tpu.memory_space<vmem>>
        %dma_wait3A_919 = arith.constant 0 : i32
        %dma_wait3A_920 = arith.constant 0 : i32
        %dma_wait3A_921 = tpu.memref_slice %arg10[%dma_wait3A_919, %dma_wait3A_920] : memref<10240x128xf32, #tpu.memory_space<vmem_shared>> -> memref<10240x128xf32, #tpu.memory_space<vmem_shared>>
        tpu.wait_indirect_dma semaphore(%run_scoped3A_901 : memref<!tpu.dma_semaphore, #tpu.memory_space<semaphore_mem>>) src(%dma_wait3A_915 : memref<64x128xf32, #tpu.memory_space<vmem>>) dst(%dma_wait3A_921 : memref<10240x128xf32, #tpu.memory_space<vmem_shared>>)
        tpu.yield
      }) : () -> ()
      %dma_wait3A_871 = arith.constant 31 : i32
      %dma_wait3A_872 = arith.constant 3 : i32
      %dma_wait3A_873 = arith.constant 0 : i32
      %dma_wait3A_874 = arith.constant 0 : i32
      %dma_wait3A_875 = tpu.memref_slice %arg9[%dma_wait3A_872, %dma_wait3A_873, %dma_wait3A_874] : memref<4x64x128xf32, #tpu.memory_space<vmem>> -> memref<1x64x128xf32, #tpu.memory_space<vmem>>
      %dma_wait3A_876 = tpu.memref_squeeze %dma_wait3A_875 : memref<1x64x128xf32, #tpu.memory_space<vmem>> -> memref<64x128xf32, #tpu.memory_space<vmem>>
      %dma_wait3A_877 = arith.constant 0 : i32
      %dma_wait3A_878 = tpu.memref_slice %arg7[%dma_wait3A_871, %dma_wait3A_877] : memref<32x64xi32, #tpu.memory_space<vmem>> -> memref<1x64xi32, #tpu.memory_space<vmem>>
      %dma_wait3A_879 = tpu.memref_squeeze %dma_wait3A_878 : memref<1x64xi32, #tpu.memory_space<vmem>> -> memref<64xi32, #tpu.memory_space<vmem>>
      %dma_wait3A_880 = arith.constant 0 : i32
      %dma_wait3A_881 = arith.constant 0 : i32
      %dma_wait3A_882 = tpu.memref_slice %arg2[%dma_wait3A_880, %dma_wait3A_881] : memref<100000x128xf32, #tpu.memory_space<hbm>> -> memref<100000x128xf32, #tpu.memory_space<hbm>>
      tpu.wait_indirect_dma semaphore(%arg16 : memref<!tpu.dma_semaphore, #tpu.memory_space<semaphore_mem>>) src(%dma_wait3A_882 : memref<100000x128xf32, #tpu.memory_space<hbm>>) dst(%dma_wait3A_876 : memref<64x128xf32, #tpu.memory_space<vmem>>)
      %run_scoped3A_883 = arith.constant 3 : i32
      %run_scoped3A_884 = arith.constant 31 : i32
      "tpu.region"() ({
        %run_scoped3A_901 = tpu.sem_alloc : memref<!tpu.dma_semaphore, #tpu.memory_space<semaphore_mem>>
        %dma_start3A_902 = arith.constant 0 : i32
        %dma_start3A_903 = arith.constant 0 : i32
        %dma_start3A_904 = tpu.memref_slice %arg9[%run_scoped3A_883, %dma_start3A_902, %dma_start3A_903] : memref<4x64x128xf32, #tpu.memory_space<vmem>> -> memref<1x64x128xf32, #tpu.memory_space<vmem>>
        %dma_start3A_905 = tpu.memref_squeeze %dma_start3A_904 : memref<1x64x128xf32, #tpu.memory_space<vmem>> -> memref<64x128xf32, #tpu.memory_space<vmem>>
        %dma_start3A_906 = arith.constant 0 : i32
        %dma_start3A_907 = tpu.memref_slice %arg8[%run_scoped3A_884, %dma_start3A_906] : memref<32x64xi32, #tpu.memory_space<vmem>> -> memref<1x64xi32, #tpu.memory_space<vmem>>
        %dma_start3A_908 = tpu.memref_squeeze %dma_start3A_907 : memref<1x64xi32, #tpu.memory_space<vmem>> -> memref<64xi32, #tpu.memory_space<vmem>>
        %dma_start3A_909 = arith.constant 0 : i32
        %dma_start3A_910 = arith.constant 0 : i32
        %dma_start3A_911 = tpu.memref_slice %arg10[%dma_start3A_909, %dma_start3A_910] : memref<10240x128xf32, #tpu.memory_space<vmem_shared>> -> memref<10240x128xf32, #tpu.memory_space<vmem_shared>>
        tpu.enqueue_indirect_dma source(%dma_start3A_905 : memref<64x128xf32, #tpu.memory_space<vmem>>) target(%dma_start3A_911 : memref<10240x128xf32, #tpu.memory_space<vmem_shared>>) offsets(%dma_start3A_908 : memref<64xi32, #tpu.memory_space<vmem>>) semaphore(%run_scoped3A_901 : memref<!tpu.dma_semaphore, #tpu.memory_space<semaphore_mem>>) {add = true}
        %dma_wait3A_912 = arith.constant 0 : i32
        %dma_wait3A_913 = arith.constant 0 : i32
        %dma_wait3A_914 = tpu.memref_slice %arg9[%run_scoped3A_883, %dma_wait3A_912, %dma_wait3A_913] : memref<4x64x128xf32, #tpu.memory_space<vmem>> -> memref<1x64x128xf32, #tpu.memory_space<vmem>>
        %dma_wait3A_915 = tpu.memref_squeeze %dma_wait3A_914 : memref<1x64x128xf32, #tpu.memory_space<vmem>> -> memref<64x128xf32, #tpu.memory_space<vmem>>
        %dma_wait3A_916 = arith.constant 0 : i32
        %dma_wait3A_917 = tpu.memref_slice %arg8[%run_scoped3A_884, %dma_wait3A_916] : memref<32x64xi32, #tpu.memory_space<vmem>> -> memref<1x64xi32, #tpu.memory_space<vmem>>
        %dma_wait3A_918 = tpu.memref_squeeze %dma_wait3A_917 : memref<1x64xi32, #tpu.memory_space<vmem>> -> memref<64xi32, #tpu.memory_space<vmem>>
        %dma_wait3A_919 = arith.constant 0 : i32
        %dma_wait3A_920 = arith.constant 0 : i32
        %dma_wait3A_921 = tpu.memref_slice %arg10[%dma_wait3A_919, %dma_wait3A_920] : memref<10240x128xf32, #tpu.memory_space<vmem_shared>> -> memref<10240x128xf32, #tpu.memory_space<vmem_shared>>
        tpu.wait_indirect_dma semaphore(%run_scoped3A_901 : memref<!tpu.dma_semaphore, #tpu.memory_space<semaphore_mem>>) src(%dma_wait3A_915 : memref<64x128xf32, #tpu.memory_space<vmem>>) dst(%dma_wait3A_921 : memref<10240x128xf32, #tpu.memory_space<vmem_shared>>)
        tpu.yield
      }) : () -> ()
      %barrier3A_885 = arith.constant 0 : index
      tpu.barrier barrier_id(%barrier3A_885)
      %lt3A_886 = arith.constant 15 : i32
      %lt3A_887 = arith.cmpi slt, %arg1, %lt3A_886 : i32
      %convert_element_type3A_888 = arith.extui %lt3A_887 : i1 to i32
      %cond3A_889 = arith.constant 0 : i32
      %cond3A_890 = arith.cmpi ne, %convert_element_type3A_888, %cond3A_889 : i32
      scf.if %cond3A_890 {
        %mul3A_901 = arith.constant 624 : i32
        %mul3A_902 = arith.muli %arg1, %mul3A_901 : i32
        %mul3A_903 = arith.constant 5 : i32
        %mul3A_904 = arith.muli %arg0, %mul3A_903 : i32
        %add3A_905 = arith.addi %mul3A_904, %add3A_17 : i32
        %mul3A_906 = arith.constant 10000 : i32
        %mul3A_907 = arith.muli %add3A_905, %mul3A_906 : i32
        %mul3A_908 = arith.constant 624 : i32
        %mul3A_909 = arith.muli %arg1, %mul3A_908 : i32
        %add3A_910 = arith.addi %mul3A_907, %mul3A_909 : i32
        "tpu.region"() ({
          %run_scoped3A_911 = tpu.sem_alloc : memref<!tpu.dma_semaphore, #tpu.memory_space<semaphore_mem>>
          %dma_start3A_912 = arith.constant 0 : i32
          %dma_start3A_913 = tpu.memref_slice %arg5[%add3A_910, %dma_start3A_912] : memref<100000x128xf32, #tpu.memory_space<hbm>> -> memref<624x128xf32, #tpu.memory_space<hbm>>
          %dma_start3A_914 = arith.constant 0 : i32
          %dma_start3A_915 = tpu.memref_slice %arg10[%mul3A_902, %dma_start3A_914] : memref<10240x128xf32, #tpu.memory_space<vmem_shared>> -> memref<624x128xf32, #tpu.memory_space<vmem_shared>>
          tpu.enqueue_dma source(%dma_start3A_915 : memref<624x128xf32, #tpu.memory_space<vmem_shared>>) target(%dma_start3A_913 : memref<624x128xf32, #tpu.memory_space<hbm>>) target_semaphore(%run_scoped3A_911 : memref<!tpu.dma_semaphore, #tpu.memory_space<semaphore_mem>>)
          %dma_wait3A_916 = arith.constant 0 : i32
          %dma_wait3A_917 = tpu.memref_slice %arg5[%add3A_910, %dma_wait3A_916] : memref<100000x128xf32, #tpu.memory_space<hbm>> -> memref<624x128xf32, #tpu.memory_space<hbm>>
          %dma_wait3A_918 = arith.constant 0 : i32
          %dma_wait3A_919 = tpu.memref_slice %arg10[%mul3A_902, %dma_wait3A_918] : memref<10240x128xf32, #tpu.memory_space<vmem_shared>> -> memref<624x128xf32, #tpu.memory_space<vmem_shared>>
          tpu.wait_dma2 semaphore(%run_scoped3A_911 : memref<!tpu.dma_semaphore, #tpu.memory_space<semaphore_mem>>) src(%dma_wait3A_919 : memref<624x128xf32, #tpu.memory_space<vmem_shared>>) dst(%dma_wait3A_917 : memref<624x128xf32, #tpu.memory_space<hbm>>)
          tpu.yield
        }) : () -> ()
      } else {
      }
      %eq3A_891 = arith.constant 15 : i32
      %eq3A_892 = arith.cmpi eq, %arg1, %eq3A_891 : i32
      %convert_element_type3A_893 = arith.extui %eq3A_892 : i1 to i32
      %cond3A_894 = arith.constant 0 : i32
      %cond3A_895 = arith.cmpi ne, %convert_element_type3A_893, %cond3A_894 : i32
      scf.if %cond3A_895 {
        %mul3A_901 = arith.constant 5 : i32
        %mul3A_902 = arith.muli %arg0, %mul3A_901 : i32
        %add3A_903 = arith.addi %mul3A_902, %add3A_17 : i32
        %mul3A_904 = arith.constant 10000 : i32
        %mul3A_905 = arith.muli %add3A_903, %mul3A_904 : i32
        %add3A_906 = arith.constant 9360 : i32
        %add3A_907 = arith.addi %mul3A_905, %add3A_906 : i32
        "tpu.region"() ({
          %run_scoped3A_908 = tpu.sem_alloc : memref<!tpu.dma_semaphore, #tpu.memory_space<semaphore_mem>>
          %dma_start3A_909 = arith.constant 0 : i32
          %dma_start3A_910 = tpu.memref_slice %arg5[%add3A_907, %dma_start3A_909] : memref<100000x128xf32, #tpu.memory_space<hbm>> -> memref<640x128xf32, #tpu.memory_space<hbm>>
          %dma_start3A_911 = arith.constant 9360 : i32
          %dma_start3A_912 = arith.constant 0 : i32
          %dma_start3A_913 = tpu.memref_slice %arg10[%dma_start3A_911, %dma_start3A_912] : memref<10240x128xf32, #tpu.memory_space<vmem_shared>> -> memref<640x128xf32, #tpu.memory_space<vmem_shared>>
          tpu.enqueue_dma source(%dma_start3A_913 : memref<640x128xf32, #tpu.memory_space<vmem_shared>>) target(%dma_start3A_910 : memref<640x128xf32, #tpu.memory_space<hbm>>) target_semaphore(%run_scoped3A_908 : memref<!tpu.dma_semaphore, #tpu.memory_space<semaphore_mem>>)
          %dma_wait3A_914 = arith.constant 0 : i32
          %dma_wait3A_915 = tpu.memref_slice %arg5[%add3A_907, %dma_wait3A_914] : memref<100000x128xf32, #tpu.memory_space<hbm>> -> memref<640x128xf32, #tpu.memory_space<hbm>>
          %dma_wait3A_916 = arith.constant 9360 : i32
          %dma_wait3A_917 = arith.constant 0 : i32
          %dma_wait3A_918 = tpu.memref_slice %arg10[%dma_wait3A_916, %dma_wait3A_917] : memref<10240x128xf32, #tpu.memory_space<vmem_shared>> -> memref<640x128xf32, #tpu.memory_space<vmem_shared>>
          tpu.wait_dma2 semaphore(%run_scoped3A_908 : memref<!tpu.dma_semaphore, #tpu.memory_space<semaphore_mem>>) src(%dma_wait3A_918 : memref<640x128xf32, #tpu.memory_space<vmem_shared>>) dst(%dma_wait3A_915 : memref<640x128xf32, #tpu.memory_space<hbm>>)
          tpu.yield
        }) : () -> ()
      } else {
      }
      %lt3A_896 = arith.constant 4 : i32
      %lt3A_897 = arith.cmpi slt, %add3A_17, %lt3A_896 : i32
      %convert_element_type3A_898 = arith.extui %lt3A_897 : i1 to i32
      %cond3A_899 = arith.constant 0 : i32
      %cond3A_900 = arith.cmpi ne, %convert_element_type3A_898, %cond3A_899 : i32
      scf.if %cond3A_900 {
        %lt3A_901 = arith.constant 15 : i32
        %lt3A_902 = arith.cmpi slt, %arg1, %lt3A_901 : i32
        %convert_element_type3A_903 = arith.extui %lt3A_902 : i1 to i32
        %cond3A_904 = arith.constant 0 : i32
        %cond3A_905 = arith.cmpi ne, %convert_element_type3A_903, %cond3A_904 : i32
        scf.if %cond3A_905 {
          %scan3A_911 = arith.constant 0 : i32
          %scan3A_912 = arith.constant 39 : i32
          %scan3A_913 = arith.addi %scan3A_911, %scan3A_912 : i32
          %scan3A_914 = arith.constant 1 : i32
          scf.for %scan3A_916 = %scan3A_911 to %scan3A_913 step %scan3A_914  : i32 {
            %mul3A_917 = arith.constant 1 : i32
            %mul3A_918 = arith.muli %scan3A_916, %mul3A_917 : i32
            %add3A_919 = arith.constant 0 : i32
            %add3A_920 = arith.addi %add3A_919, %mul3A_918 : i32
            %mul3A_921 = arith.constant 624 : i32
            %mul3A_922 = arith.muli %arg1, %mul3A_921 : i32
            %mul3A_923 = arith.constant 16 : i32
            %mul3A_924 = arith.muli %add3A_920, %mul3A_923 : i32
            %add3A_925 = arith.addi %mul3A_922, %mul3A_924 : i32
            "tpu.region"() ({
              %run_scoped3A_926 = tpu.sem_alloc : memref<!tpu.dma_semaphore, #tpu.memory_space<semaphore_mem>>
              %dma_start3A_927 = arith.constant 0 : i32
              %dma_start3A_928 = tpu.memref_slice %arg10[%add3A_925, %dma_start3A_927] : memref<10240x128xf32, #tpu.memory_space<vmem_shared>> -> memref<16x128xf32, #tpu.memory_space<vmem_shared>>
              %dma_start3A_929 = arith.constant 0 : i32
              %dma_start3A_930 = tpu.memref_slice %arg10[%add3A_925, %dma_start3A_929] : memref<10240x128xf32, #tpu.memory_space<vmem_shared>> -> memref<16x128xf32, #tpu.memory_space<vmem_shared>>
              tpu.enqueue_dma source(%arg6 : memref<16x128xf32, #tpu.memory_space<vmem>>) target(%dma_start3A_930 : memref<16x128xf32, #tpu.memory_space<vmem_shared>>) target_semaphore(%run_scoped3A_926 : memref<!tpu.dma_semaphore, #tpu.memory_space<semaphore_mem>>)
              %dma_wait3A_931 = arith.constant 0 : i32
              %dma_wait3A_932 = tpu.memref_slice %arg10[%add3A_925, %dma_wait3A_931] : memref<10240x128xf32, #tpu.memory_space<vmem_shared>> -> memref<16x128xf32, #tpu.memory_space<vmem_shared>>
              %dma_wait3A_933 = arith.constant 0 : i32
              %dma_wait3A_934 = tpu.memref_slice %arg10[%add3A_925, %dma_wait3A_933] : memref<10240x128xf32, #tpu.memory_space<vmem_shared>> -> memref<16x128xf32, #tpu.memory_space<vmem_shared>>
              tpu.wait_dma2 semaphore(%run_scoped3A_926 : memref<!tpu.dma_semaphore, #tpu.memory_space<semaphore_mem>>) src(%arg6 : memref<16x128xf32, #tpu.memory_space<vmem>>) dst(%dma_wait3A_934 : memref<16x128xf32, #tpu.memory_space<vmem_shared>>)
              tpu.yield
            }) : () -> ()
          }
          %scan3A_915 = arith.constant 39 : i32
        } else {
        }
        %eq3A_906 = arith.constant 15 : i32
        %eq3A_907 = arith.cmpi eq, %arg1, %eq3A_906 : i32
        %convert_element_type3A_908 = arith.extui %eq3A_907 : i1 to i32
        %cond3A_909 = arith.constant 0 : i32
        %cond3A_910 = arith.cmpi ne, %convert_element_type3A_908, %cond3A_909 : i32
        scf.if %cond3A_910 {
          %scan3A_911 = arith.constant 0 : i32
          %scan3A_912 = arith.constant 40 : i32
          %scan3A_913 = arith.addi %scan3A_911, %scan3A_912 : i32
          %scan3A_914 = arith.constant 1 : i32
          scf.for %scan3A_916 = %scan3A_911 to %scan3A_913 step %scan3A_914  : i32 {
            %mul3A_917 = arith.constant 1 : i32
            %mul3A_918 = arith.muli %scan3A_916, %mul3A_917 : i32
            %add3A_919 = arith.constant 0 : i32
            %add3A_920 = arith.addi %add3A_919, %mul3A_918 : i32
            %mul3A_921 = arith.constant 16 : i32
            %mul3A_922 = arith.muli %add3A_920, %mul3A_921 : i32
            %add3A_923 = arith.constant 9360 : i32
            %add3A_924 = arith.addi %add3A_923, %mul3A_922 : i32
            "tpu.region"() ({
              %run_scoped3A_925 = tpu.sem_alloc : memref<!tpu.dma_semaphore, #tpu.memory_space<semaphore_mem>>
              %dma_start3A_926 = arith.constant 0 : i32
              %dma_start3A_927 = tpu.memref_slice %arg10[%add3A_924, %dma_start3A_926] : memref<10240x128xf32, #tpu.memory_space<vmem_shared>> -> memref<16x128xf32, #tpu.memory_space<vmem_shared>>
              %dma_start3A_928 = arith.constant 0 : i32
              %dma_start3A_929 = tpu.memref_slice %arg10[%add3A_924, %dma_start3A_928] : memref<10240x128xf32, #tpu.memory_space<vmem_shared>> -> memref<16x128xf32, #tpu.memory_space<vmem_shared>>
              tpu.enqueue_dma source(%arg6 : memref<16x128xf32, #tpu.memory_space<vmem>>) target(%dma_start3A_929 : memref<16x128xf32, #tpu.memory_space<vmem_shared>>) target_semaphore(%run_scoped3A_925 : memref<!tpu.dma_semaphore, #tpu.memory_space<semaphore_mem>>)
              %dma_wait3A_930 = arith.constant 0 : i32
              %dma_wait3A_931 = tpu.memref_slice %arg10[%add3A_924, %dma_wait3A_930] : memref<10240x128xf32, #tpu.memory_space<vmem_shared>> -> memref<16x128xf32, #tpu.memory_space<vmem_shared>>
              %dma_wait3A_932 = arith.constant 0 : i32
              %dma_wait3A_933 = tpu.memref_slice %arg10[%add3A_924, %dma_wait3A_932] : memref<10240x128xf32, #tpu.memory_space<vmem_shared>> -> memref<16x128xf32, #tpu.memory_space<vmem_shared>>
              tpu.wait_dma2 semaphore(%run_scoped3A_925 : memref<!tpu.dma_semaphore, #tpu.memory_space<semaphore_mem>>) src(%arg6 : memref<16x128xf32, #tpu.memory_space<vmem>>) dst(%dma_wait3A_933 : memref<16x128xf32, #tpu.memory_space<vmem_shared>>)
              tpu.yield
            }) : () -> ()
          }
          %scan3A_915 = arith.constant 40 : i32
        } else {
        }
      } else {
      }
    }
    %scan3A_14 = arith.constant 5 : i32
    return
  }
}

module attributes {stable_mosaic.version = 14 : i64} {
  func.func @_proj_body(%arg0: i32, %arg1: i32, %arg2: i32, %arg3: memref<1x2000x256xf32, #tpu.memory_space<vmem>>, %arg4: memref<1x256x64xf32, #tpu.memory_space<vmem>>, %arg5: memref<1x1x2000x128xf32, #tpu.memory_space<vmem>>) attributes {dimension_semantics = [#tpu.dimension_semantics<arbitrary>, #tpu.dimension_semantics<arbitrary>, #tpu.dimension_semantics<arbitrary>], iteration_bounds = array<i64: 2, 5, 5>, scalar_prefetch = 0 : i64, scratch_operands = 0 : i64, tpu.core_type = #tpu.core_type<tc>, window_params = [{transform_indices = @transform_0, window_bounds = array<i64: 1, 2000, 256>}, {transform_indices = @transform_1, window_bounds = array<i64: 1, 256, 64>}, {transform_indices = @transform_2, window_bounds = array<i64: 1, 1, 2000, 128>}]} {
    %get3A = arith.constant 0 : index
    %get3A_0 = arith.constant 0 : index
    %get3A_1 = arith.constant 0 : index
    %get3A_2 = vector.load %arg3[%get3A, %get3A_0, %get3A_1] : memref<1x2000x256xf32, #tpu.memory_space<vmem>>, vector<1x2000x256xf32>
    %get3A_3 = vector.shape_cast %get3A_2 : vector<1x2000x256xf32> to vector<2000x256xf32>
    %convert_element_type3A = arith.truncf %get3A_3 : vector<2000x256xf32> to vector<2000x256xbf16>
    %get3A_4 = arith.constant 0 : index
    %get3A_5 = arith.constant 0 : index
    %get3A_6 = arith.constant 0 : index
    %get3A_7 = vector.load %arg4[%get3A_4, %get3A_5, %get3A_6] : memref<1x256x64xf32, #tpu.memory_space<vmem>>, vector<1x256x64xf32>
    %get3A_8 = vector.shape_cast %get3A_7 : vector<1x256x64xf32> to vector<256x64xf32>
    %convert_element_type3A_9 = arith.truncf %get3A_8 : vector<256x64xf32> to vector<256x64xbf16>
    %dot_general3A = arith.constant dense<0.000000e+00> : vector<2000x64xf32>
    %dot_general3A_10 = tpu.matmul %convert_element_type3A, %convert_element_type3A_9, %dot_general3A {dimension_numbers = #tpu.dot_dimension_numbers<[1], [0], [0], [1], [0, 0, 1, 1], [], []>, transpose_lhs_hint = false} : vector<2000x256xbf16>, vector<256x64xbf16>, vector<2000x64xf32> -> vector<2000x64xf32>
    %broadcast_in_dim3A = arith.constant 0.000000e+00 : f32
    %broadcast_in_dim3A_11 = vector.broadcast %broadcast_in_dim3A : f32 to vector<2000x64xf32>
    %concatenate3A = tpu.concatenate %dot_general3A_10, %broadcast_in_dim3A_11 in 1 : vector<2000x64xf32>, vector<2000x64xf32> -> vector<2000x128xf32>
    %swap3A = arith.constant 0 : index
    %swap3A_12 = arith.constant 0 : index
    %swap3A_13 = arith.constant 0 : index
    %swap3A_14 = arith.constant 0 : index
    %swap3A_15 = vector.load %arg5[%swap3A, %swap3A_12, %swap3A_13, %swap3A_14] : memref<1x1x2000x128xf32, #tpu.memory_space<vmem>>, vector<1x1x2000x128xf32>
    %swap3A_16 = vector.shape_cast %swap3A_15 : vector<1x1x2000x128xf32> to vector<2000x128xf32>
    %swap3A_17 = vector.shape_cast %concatenate3A : vector<2000x128xf32> to vector<1x1x2000x128xf32>
    tpu.vector_store %arg5[%swap3A, %swap3A_12, %swap3A_13, %swap3A_14], %swap3A_17 {strides = array<i32>} : memref<1x1x2000x128xf32, #tpu.memory_space<vmem>>, vector<1x1x2000x128xf32>,
    return
  }
  func.func @transform_0(%arg0: i32, %arg1: i32, %arg2: i32) -> (i32, i32, i32) {
    %c0_i32 = arith.constant 0 : i32
    %c0_i32_0 = arith.constant 0 : i32
    return %arg0, %arg1, %c0_i32 : i32, i32, i32
  }
  func.func @transform_1(%arg0: i32, %arg1: i32, %arg2: i32) -> (i32, i32, i32) {
    %c0_i32 = arith.constant 0 : i32
    %c0_i32_0 = arith.constant 0 : i32
    %c0_i32_1 = arith.constant 0 : i32
    return %arg2, %c0_i32, %c0_i32_0 : i32, i32, i32
  }
  func.func @transform_2(%arg0: i32, %arg1: i32, %arg2: i32) -> (i32, i32, i32, i32) {
    %c0_i32 = arith.constant 0 : i32
    %c0_i32_0 = arith.constant 0 : i32
    return %arg0, %arg2, %arg1, %c0_i32 : i32, i32, i32, i32
  }
}

module attributes {stable_mosaic.version = 14 : i64} {
  func.func @_embed_body(%arg0: i32, %arg1: memref<2x5x2000x128xf32, #tpu.memory_space<vmem>>, %arg2: memref<2x2000x128xf32, #tpu.memory_space<vmem>>, %arg3: memref<128x64xf32, #tpu.memory_space<vmem>>, %arg4: memref<2x1x64xf32, #tpu.memory_space<vmem>>, %arg5: memref<2x704x64xf32, #tpu.memory_space<vmem>>, %arg6: memref<2000x64xf32, #tpu.memory_space<vmem>>, %arg7: memref<2000x64xf32, #tpu.memory_space<vmem>>) attributes {dimension_semantics = [#tpu.dimension_semantics<arbitrary>], iteration_bounds = array<i64: 5>, scalar_prefetch = 0 : i64, scratch_operands = 0 : i64, tpu.core_type = #tpu.core_type<tc>, window_params = [{transform_indices = @transform_0, window_bounds = array<i64: 2, 5, 2000, 128>}, {transform_indices = @transform_1, window_bounds = array<i64: 2, 2000, 128>}, {pipeline_mode = #tpu.pipeline_mode<synchronous>, transform_indices = @transform_2, window_bounds = array<i64: 128, 64>}, {pipeline_mode = #tpu.pipeline_mode<synchronous>, transform_indices = @transform_3, window_bounds = array<i64: 2, 1, 64>}, {pipeline_mode = #tpu.pipeline_mode<synchronous>, transform_indices = @transform_4, window_bounds = array<i64: 2, 704, 64>}, {transform_indices = @transform_5, window_bounds = array<i64: 2000, 64>}, {transform_indices = @transform_6, window_bounds = array<i64: 2000, 64>}]} {
    %get3A = arith.constant 0 : index
    %get3A_0 = arith.constant 0 : index
    %get3A_1 = arith.constant 0 : index
    %get3A_2 = vector.load %arg2[%get3A, %get3A_0, %get3A_1] : memref<2x2000x128xf32, #tpu.memory_space<vmem>>, vector<1x2000x128xf32>
    %get3A_3 = vector.shape_cast %get3A_2 : vector<1x2000x128xf32> to vector<2000x128xf32>
    %get3A_4 = arith.constant 0 : index
    %get3A_5 = arith.constant 0 : index
    %get3A_6 = vector.load %arg3[%get3A_4, %get3A_5] : memref<128x64xf32, #tpu.memory_space<vmem>>, vector<128x64xf32>
    %convert_element_type3A = arith.truncf %get3A_3 : vector<2000x128xf32> to vector<2000x128xbf16>
    %convert_element_type3A_7 = arith.truncf %get3A_6 : vector<128x64xf32> to vector<128x64xbf16>
    %dot_general3A = arith.constant dense<0.000000e+00> : vector<2000x64xf32>
    %dot_general3A_8 = tpu.matmul %convert_element_type3A, %convert_element_type3A_7, %dot_general3A {dimension_numbers = #tpu.dot_dimension_numbers<[1], [0], [0], [1], [0, 0, 1, 1], [], []>, transpose_lhs_hint = false} : vector<2000x128xbf16>, vector<128x64xbf16>, vector<2000x64xf32> -> vector<2000x64xf32>
    %get3A_9 = arith.constant 0 : index
    %get3A_10 = arith.constant 0 : index
    %get3A_11 = arith.constant 0 : index
    %get3A_12 = vector.load %arg4[%get3A_9, %get3A_10, %get3A_11] : memref<2x1x64xf32, #tpu.memory_space<vmem>>, vector<1x1x64xf32>
    %get3A_13 = vector.shape_cast %get3A_12 : vector<1x1x64xf32> to vector<1x64xf32>
    %add3A = vector.broadcast %get3A_13 : vector<1x64xf32> to vector<2000x64xf32>
    %add3A_14 = arith.addf %dot_general3A_8, %add3A : vector<2000x64xf32>
    %max3A = arith.constant 0.000000e+00 : f32
    %max3A_15 = vector.broadcast %max3A : f32 to vector<2000x64xf32>
    %max3A_16 = arith.maximumf %add3A_14, %max3A_15 : vector<2000x64xf32>
    %get3A_17 = arith.constant 0 : index
    %get3A_18 = arith.constant 640 : index
    %get3A_19 = arith.constant 0 : index
    %get3A_20 = vector.load %arg5[%get3A_17, %get3A_18, %get3A_19] : memref<2x704x64xf32, #tpu.memory_space<vmem>>, vector<1x64x64xf32>
    %get3A_21 = vector.shape_cast %get3A_20 : vector<1x64x64xf32> to vector<64x64xf32>
    %convert_element_type3A_22 = arith.truncf %max3A_16 : vector<2000x64xf32> to vector<2000x64xbf16>
    %convert_element_type3A_23 = arith.truncf %get3A_21 : vector<64x64xf32> to vector<64x64xbf16>
    %dot_general3A_24 = arith.constant dense<0.000000e+00> : vector<2000x64xf32>
    %dot_general3A_25 = tpu.matmul %convert_element_type3A_22, %convert_element_type3A_23, %dot_general3A_24 {dimension_numbers = #tpu.dot_dimension_numbers<[1], [0], [0], [1], [0, 0, 1, 1], [], []>, transpose_lhs_hint = false} : vector<2000x64xbf16>, vector<64x64xbf16>, vector<2000x64xf32> -> vector<2000x64xf32>
    %get3A_26 = arith.constant 0 : index
    %get3A_27 = arith.constant 0 : index
    %get3A_28 = arith.constant 0 : index
    %get3A_29 = arith.constant 0 : index
    %get3A_30 = vector.load %arg1[%get3A_26, %get3A_27, %get3A_28, %get3A_29] : memref<2x5x2000x128xf32, #tpu.memory_space<vmem>>, vector<1x1x2000x128xf32>
    %get3A_31 = vector.shape_cast %get3A_30 : vector<1x1x2000x128xf32> to vector<2000x128xf32>
    %max3A_32 = arith.constant 0.000000e+00 : f32
    %max3A_33 = vector.broadcast %max3A_32 : f32 to vector<2000x128xf32>
    %max3A_34 = arith.maximumf %get3A_31, %max3A_33 : vector<2000x128xf32>
    %get3A_35 = arith.constant 0 : index
    %get3A_36 = arith.constant 0 : index
    %get3A_37 = arith.constant 0 : index
    %get3A_38 = vector.load %arg5[%get3A_35, %get3A_36, %get3A_37] : memref<2x704x64xf32, #tpu.memory_space<vmem>>, vector<1x128x64xf32>
    %get3A_39 = vector.shape_cast %get3A_38 : vector<1x128x64xf32> to vector<128x64xf32>
    %convert_element_type3A_40 = arith.truncf %max3A_34 : vector<2000x128xf32> to vector<2000x128xbf16>
    %convert_element_type3A_41 = arith.truncf %get3A_39 : vector<128x64xf32> to vector<128x64xbf16>
    %dot_general3A_42 = arith.constant dense<0.000000e+00> : vector<2000x64xf32>
    %dot_general3A_43 = tpu.matmul %convert_element_type3A_40, %convert_element_type3A_41, %dot_general3A_42 {dimension_numbers = #tpu.dot_dimension_numbers<[1], [0], [0], [1], [0, 0, 1, 1], [], []>, transpose_lhs_hint = false} : vector<2000x128xbf16>, vector<128x64xbf16>, vector<2000x64xf32> -> vector<2000x64xf32>
    %add3A_44 = arith.addf %dot_general3A_25, %dot_general3A_43 : vector<2000x64xf32>
    %get3A_45 = arith.constant 0 : index
    %get3A_46 = arith.constant 1 : index
    %get3A_47 = arith.constant 0 : index
    %get3A_48 = arith.constant 0 : index
    %get3A_49 = vector.load %arg1[%get3A_45, %get3A_46, %get3A_47, %get3A_48] : memref<2x5x2000x128xf32, #tpu.memory_space<vmem>>, vector<1x1x2000x128xf32>
    %get3A_50 = vector.shape_cast %get3A_49 : vector<1x1x2000x128xf32> to vector<2000x128xf32>
    %max3A_51 = arith.constant 0.000000e+00 : f32
    %max3A_52 = vector.broadcast %max3A_51 : f32 to vector<2000x128xf32>
    %max3A_53 = arith.maximumf %get3A_50, %max3A_52 : vector<2000x128xf32>
    %get3A_54 = arith.constant 0 : index
    %get3A_55 = arith.constant 128 : index
    %get3A_56 = arith.constant 0 : index
    %get3A_57 = vector.load %arg5[%get3A_54, %get3A_55, %get3A_56] : memref<2x704x64xf32, #tpu.memory_space<vmem>>, vector<1x128x64xf32>
    %get3A_58 = vector.shape_cast %get3A_57 : vector<1x128x64xf32> to vector<128x64xf32>
    %convert_element_type3A_59 = arith.truncf %max3A_53 : vector<2000x128xf32> to vector<2000x128xbf16>
    %convert_element_type3A_60 = arith.truncf %get3A_58 : vector<128x64xf32> to vector<128x64xbf16>
    %dot_general3A_61 = arith.constant dense<0.000000e+00> : vector<2000x64xf32>
    %dot_general3A_62 = tpu.matmul %convert_element_type3A_59, %convert_element_type3A_60, %dot_general3A_61 {dimension_numbers = #tpu.dot_dimension_numbers<[1], [0], [0], [1], [0, 0, 1, 1], [], []>, transpose_lhs_hint = false} : vector<2000x128xbf16>, vector<128x64xbf16>, vector<2000x64xf32> -> vector<2000x64xf32>
    %add3A_63 = arith.addf %add3A_44, %dot_general3A_62 : vector<2000x64xf32>
    %get3A_64 = arith.constant 0 : index
    %get3A_65 = arith.constant 2 : index
    %get3A_66 = arith.constant 0 : index
    %get3A_67 = arith.constant 0 : index
    %get3A_68 = vector.load %arg1[%get3A_64, %get3A_65, %get3A_66, %get3A_67] : memref<2x5x2000x128xf32, #tpu.memory_space<vmem>>, vector<1x1x2000x128xf32>
    %get3A_69 = vector.shape_cast %get3A_68 : vector<1x1x2000x128xf32> to vector<2000x128xf32>
    %max3A_70 = arith.constant 0.000000e+00 : f32
    %max3A_71 = vector.broadcast %max3A_70 : f32 to vector<2000x128xf32>
    %max3A_72 = arith.maximumf %get3A_69, %max3A_71 : vector<2000x128xf32>
    %get3A_73 = arith.constant 0 : index
    %get3A_74 = arith.constant 256 : index
    %get3A_75 = arith.constant 0 : index
    %get3A_76 = vector.load %arg5[%get3A_73, %get3A_74, %get3A_75] : memref<2x704x64xf32, #tpu.memory_space<vmem>>, vector<1x128x64xf32>
    %get3A_77 = vector.shape_cast %get3A_76 : vector<1x128x64xf32> to vector<128x64xf32>
    %convert_element_type3A_78 = arith.truncf %max3A_72 : vector<2000x128xf32> to vector<2000x128xbf16>
    %convert_element_type3A_79 = arith.truncf %get3A_77 : vector<128x64xf32> to vector<128x64xbf16>
    %dot_general3A_80 = arith.constant dense<0.000000e+00> : vector<2000x64xf32>
    %dot_general3A_81 = tpu.matmul %convert_element_type3A_78, %convert_element_type3A_79, %dot_general3A_80 {dimension_numbers = #tpu.dot_dimension_numbers<[1], [0], [0], [1], [0, 0, 1, 1], [], []>, transpose_lhs_hint = false} : vector<2000x128xbf16>, vector<128x64xbf16>, vector<2000x64xf32> -> vector<2000x64xf32>
    %add3A_82 = arith.addf %add3A_63, %dot_general3A_81 : vector<2000x64xf32>
    %get3A_83 = arith.constant 0 : index
    %get3A_84 = arith.constant 3 : index
    %get3A_85 = arith.constant 0 : index
    %get3A_86 = arith.constant 0 : index
    %get3A_87 = vector.load %arg1[%get3A_83, %get3A_84, %get3A_85, %get3A_86] : memref<2x5x2000x128xf32, #tpu.memory_space<vmem>>, vector<1x1x2000x128xf32>
    %get3A_88 = vector.shape_cast %get3A_87 : vector<1x1x2000x128xf32> to vector<2000x128xf32>
    %max3A_89 = arith.constant 0.000000e+00 : f32
    %max3A_90 = vector.broadcast %max3A_89 : f32 to vector<2000x128xf32>
    %max3A_91 = arith.maximumf %get3A_88, %max3A_90 : vector<2000x128xf32>
    %get3A_92 = arith.constant 0 : index
    %get3A_93 = arith.constant 384 : index
    %get3A_94 = arith.constant 0 : index
    %get3A_95 = vector.load %arg5[%get3A_92, %get3A_93, %get3A_94] : memref<2x704x64xf32, #tpu.memory_space<vmem>>, vector<1x128x64xf32>
    %get3A_96 = vector.shape_cast %get3A_95 : vector<1x128x64xf32> to vector<128x64xf32>
    %convert_element_type3A_97 = arith.truncf %max3A_91 : vector<2000x128xf32> to vector<2000x128xbf16>
    %convert_element_type3A_98 = arith.truncf %get3A_96 : vector<128x64xf32> to vector<128x64xbf16>
    %dot_general3A_99 = arith.constant dense<0.000000e+00> : vector<2000x64xf32>
    %dot_general3A_100 = tpu.matmul %convert_element_type3A_97, %convert_element_type3A_98, %dot_general3A_99 {dimension_numbers = #tpu.dot_dimension_numbers<[1], [0], [0], [1], [0, 0, 1, 1], [], []>, transpose_lhs_hint = false} : vector<2000x128xbf16>, vector<128x64xbf16>, vector<2000x64xf32> -> vector<2000x64xf32>
    %add3A_101 = arith.addf %add3A_82, %dot_general3A_100 : vector<2000x64xf32>
    %get3A_102 = arith.constant 0 : index
    %get3A_103 = arith.constant 4 : index
    %get3A_104 = arith.constant 0 : index
    %get3A_105 = arith.constant 0 : index
    %get3A_106 = vector.load %arg1[%get3A_102, %get3A_103, %get3A_104, %get3A_105] : memref<2x5x2000x128xf32, #tpu.memory_space<vmem>>, vector<1x1x2000x128xf32>
    %get3A_107 = vector.shape_cast %get3A_106 : vector<1x1x2000x128xf32> to vector<2000x128xf32>
    %max3A_108 = arith.constant 0.000000e+00 : f32
    %max3A_109 = vector.broadcast %max3A_108 : f32 to vector<2000x128xf32>
    %max3A_110 = arith.maximumf %get3A_107, %max3A_109 : vector<2000x128xf32>
    %get3A_111 = arith.constant 0 : index
    %get3A_112 = arith.constant 512 : index
    %get3A_113 = arith.constant 0 : index
    %get3A_114 = vector.load %arg5[%get3A_111, %get3A_112, %get3A_113] : memref<2x704x64xf32, #tpu.memory_space<vmem>>, vector<1x128x64xf32>
    %get3A_115 = vector.shape_cast %get3A_114 : vector<1x128x64xf32> to vector<128x64xf32>
    %convert_element_type3A_116 = arith.truncf %max3A_110 : vector<2000x128xf32> to vector<2000x128xbf16>
    %convert_element_type3A_117 = arith.truncf %get3A_115 : vector<128x64xf32> to vector<128x64xbf16>
    %dot_general3A_118 = arith.constant dense<0.000000e+00> : vector<2000x64xf32>
    %dot_general3A_119 = tpu.matmul %convert_element_type3A_116, %convert_element_type3A_117, %dot_general3A_118 {dimension_numbers = #tpu.dot_dimension_numbers<[1], [0], [0], [1], [0, 0, 1, 1], [], []>, transpose_lhs_hint = false} : vector<2000x128xbf16>, vector<128x64xbf16>, vector<2000x64xf32> -> vector<2000x64xf32>
    %add3A_120 = arith.addf %add3A_101, %dot_general3A_119 : vector<2000x64xf32>
    %max3A_121 = arith.constant 0.000000e+00 : f32
    %max3A_122 = vector.broadcast %max3A_121 : f32 to vector<2000x64xf32>
    %max3A_123 = arith.maximumf %add3A_120, %max3A_122 : vector<2000x64xf32>
    %swap3A = arith.constant 0 : index
    %swap3A_124 = arith.constant 0 : index
    %swap3A_125 = vector.load %arg6[%swap3A, %swap3A_124] : memref<2000x64xf32, #tpu.memory_space<vmem>>, vector<2000x64xf32>
    tpu.vector_store %arg6[%swap3A, %swap3A_124], %max3A_123 {strides = array<i32>} : memref<2000x64xf32, #tpu.memory_space<vmem>>, vector<2000x64xf32>,
    %get3A_126 = arith.constant 1 : index
    %get3A_127 = arith.constant 0 : index
    %get3A_128 = arith.constant 0 : index
    %get3A_129 = vector.load %arg2[%get3A_126, %get3A_127, %get3A_128] : memref<2x2000x128xf32, #tpu.memory_space<vmem>>, vector<1x2000x128xf32>
    %get3A_130 = vector.shape_cast %get3A_129 : vector<1x2000x128xf32> to vector<2000x128xf32>
    %get3A_131 = arith.constant 0 : index
    %get3A_132 = arith.constant 0 : index
    %get3A_133 = vector.load %arg3[%get3A_131, %get3A_132] : memref<128x64xf32, #tpu.memory_space<vmem>>, vector<128x64xf32>
    %convert_element_type3A_134 = arith.truncf %get3A_130 : vector<2000x128xf32> to vector<2000x128xbf16>
    %convert_element_type3A_135 = arith.truncf %get3A_133 : vector<128x64xf32> to vector<128x64xbf16>
    %dot_general3A_136 = arith.constant dense<0.000000e+00> : vector<2000x64xf32>
    %dot_general3A_137 = tpu.matmul %convert_element_type3A_134, %convert_element_type3A_135, %dot_general3A_136 {dimension_numbers = #tpu.dot_dimension_numbers<[1], [0], [0], [1], [0, 0, 1, 1], [], []>, transpose_lhs_hint = false} : vector<2000x128xbf16>, vector<128x64xbf16>, vector<2000x64xf32> -> vector<2000x64xf32>
    %get3A_138 = arith.constant 1 : index
    %get3A_139 = arith.constant 0 : index
    %get3A_140 = arith.constant 0 : index
    %get3A_141 = vector.load %arg4[%get3A_138, %get3A_139, %get3A_140] : memref<2x1x64xf32, #tpu.memory_space<vmem>>, vector<1x1x64xf32>
    %get3A_142 = vector.shape_cast %get3A_141 : vector<1x1x64xf32> to vector<1x64xf32>
    %add3A_143 = vector.broadcast %get3A_142 : vector<1x64xf32> to vector<2000x64xf32>
    %add3A_144 = arith.addf %dot_general3A_137, %add3A_143 : vector<2000x64xf32>
    %max3A_145 = arith.constant 0.000000e+00 : f32
    %max3A_146 = vector.broadcast %max3A_145 : f32 to vector<2000x64xf32>
    %max3A_147 = arith.maximumf %add3A_144, %max3A_146 : vector<2000x64xf32>
    %get3A_148 = arith.constant 1 : index
    %get3A_149 = arith.constant 640 : index
    %get3A_150 = arith.constant 0 : index
    %get3A_151 = vector.load %arg5[%get3A_148, %get3A_149, %get3A_150] : memref<2x704x64xf32, #tpu.memory_space<vmem>>, vector<1x64x64xf32>
    %get3A_152 = vector.shape_cast %get3A_151 : vector<1x64x64xf32> to vector<64x64xf32>
    %convert_element_type3A_153 = arith.truncf %max3A_147 : vector<2000x64xf32> to vector<2000x64xbf16>
    %convert_element_type3A_154 = arith.truncf %get3A_152 : vector<64x64xf32> to vector<64x64xbf16>
    %dot_general3A_155 = arith.constant dense<0.000000e+00> : vector<2000x64xf32>
    %dot_general3A_156 = tpu.matmul %convert_element_type3A_153, %convert_element_type3A_154, %dot_general3A_155 {dimension_numbers = #tpu.dot_dimension_numbers<[1], [0], [0], [1], [0, 0, 1, 1], [], []>, transpose_lhs_hint = false} : vector<2000x64xbf16>, vector<64x64xbf16>, vector<2000x64xf32> -> vector<2000x64xf32>
    %get3A_157 = arith.constant 1 : index
    %get3A_158 = arith.constant 0 : index
    %get3A_159 = arith.constant 0 : index
    %get3A_160 = arith.constant 0 : index
    %get3A_161 = vector.load %arg1[%get3A_157, %get3A_158, %get3A_159, %get3A_160] : memref<2x5x2000x128xf32, #tpu.memory_space<vmem>>, vector<1x1x2000x128xf32>
    %get3A_162 = vector.shape_cast %get3A_161 : vector<1x1x2000x128xf32> to vector<2000x128xf32>
    %max3A_163 = arith.constant 0.000000e+00 : f32
    %max3A_164 = vector.broadcast %max3A_163 : f32 to vector<2000x128xf32>
    %max3A_165 = arith.maximumf %get3A_162, %max3A_164 : vector<2000x128xf32>
    %get3A_166 = arith.constant 1 : index
    %get3A_167 = arith.constant 0 : index
    %get3A_168 = arith.constant 0 : index
    %get3A_169 = vector.load %arg5[%get3A_166, %get3A_167, %get3A_168] : memref<2x704x64xf32, #tpu.memory_space<vmem>>, vector<1x128x64xf32>
    %get3A_170 = vector.shape_cast %get3A_169 : vector<1x128x64xf32> to vector<128x64xf32>
    %convert_element_type3A_171 = arith.truncf %max3A_165 : vector<2000x128xf32> to vector<2000x128xbf16>
    %convert_element_type3A_172 = arith.truncf %get3A_170 : vector<128x64xf32> to vector<128x64xbf16>
    %dot_general3A_173 = arith.constant dense<0.000000e+00> : vector<2000x64xf32>
    %dot_general3A_174 = tpu.matmul %convert_element_type3A_171, %convert_element_type3A_172, %dot_general3A_173 {dimension_numbers = #tpu.dot_dimension_numbers<[1], [0], [0], [1], [0, 0, 1, 1], [], []>, transpose_lhs_hint = false} : vector<2000x128xbf16>, vector<128x64xbf16>, vector<2000x64xf32> -> vector<2000x64xf32>
    %add3A_175 = arith.addf %dot_general3A_156, %dot_general3A_174 : vector<2000x64xf32>
    %get3A_176 = arith.constant 1 : index
    %get3A_177 = arith.constant 1 : index
    %get3A_178 = arith.constant 0 : index
    %get3A_179 = arith.constant 0 : index
    %get3A_180 = vector.load %arg1[%get3A_176, %get3A_177, %get3A_178, %get3A_179] : memref<2x5x2000x128xf32, #tpu.memory_space<vmem>>, vector<1x1x2000x128xf32>
    %get3A_181 = vector.shape_cast %get3A_180 : vector<1x1x2000x128xf32> to vector<2000x128xf32>
    %max3A_182 = arith.constant 0.000000e+00 : f32
    %max3A_183 = vector.broadcast %max3A_182 : f32 to vector<2000x128xf32>
    %max3A_184 = arith.maximumf %get3A_181, %max3A_183 : vector<2000x128xf32>
    %get3A_185 = arith.constant 1 : index
    %get3A_186 = arith.constant 128 : index
    %get3A_187 = arith.constant 0 : index
    %get3A_188 = vector.load %arg5[%get3A_185, %get3A_186, %get3A_187] : memref<2x704x64xf32, #tpu.memory_space<vmem>>, vector<1x128x64xf32>
    %get3A_189 = vector.shape_cast %get3A_188 : vector<1x128x64xf32> to vector<128x64xf32>
    %convert_element_type3A_190 = arith.truncf %max3A_184 : vector<2000x128xf32> to vector<2000x128xbf16>
    %convert_element_type3A_191 = arith.truncf %get3A_189 : vector<128x64xf32> to vector<128x64xbf16>
    %dot_general3A_192 = arith.constant dense<0.000000e+00> : vector<2000x64xf32>
    %dot_general3A_193 = tpu.matmul %convert_element_type3A_190, %convert_element_type3A_191, %dot_general3A_192 {dimension_numbers = #tpu.dot_dimension_numbers<[1], [0], [0], [1], [0, 0, 1, 1], [], []>, transpose_lhs_hint = false} : vector<2000x128xbf16>, vector<128x64xbf16>, vector<2000x64xf32> -> vector<2000x64xf32>
    %add3A_194 = arith.addf %add3A_175, %dot_general3A_193 : vector<2000x64xf32>
    %get3A_195 = arith.constant 1 : index
    %get3A_196 = arith.constant 2 : index
    %get3A_197 = arith.constant 0 : index
    %get3A_198 = arith.constant 0 : index
    %get3A_199 = vector.load %arg1[%get3A_195, %get3A_196, %get3A_197, %get3A_198] : memref<2x5x2000x128xf32, #tpu.memory_space<vmem>>, vector<1x1x2000x128xf32>
    %get3A_200 = vector.shape_cast %get3A_199 : vector<1x1x2000x128xf32> to vector<2000x128xf32>
    %max3A_201 = arith.constant 0.000000e+00 : f32
    %max3A_202 = vector.broadcast %max3A_201 : f32 to vector<2000x128xf32>
    %max3A_203 = arith.maximumf %get3A_200, %max3A_202 : vector<2000x128xf32>
    %get3A_204 = arith.constant 1 : index
    %get3A_205 = arith.constant 256 : index
    %get3A_206 = arith.constant 0 : index
    %get3A_207 = vector.load %arg5[%get3A_204, %get3A_205, %get3A_206] : memref<2x704x64xf32, #tpu.memory_space<vmem>>, vector<1x128x64xf32>
    %get3A_208 = vector.shape_cast %get3A_207 : vector<1x128x64xf32> to vector<128x64xf32>
    %convert_element_type3A_209 = arith.truncf %max3A_203 : vector<2000x128xf32> to vector<2000x128xbf16>
    %convert_element_type3A_210 = arith.truncf %get3A_208 : vector<128x64xf32> to vector<128x64xbf16>
    %dot_general3A_211 = arith.constant dense<0.000000e+00> : vector<2000x64xf32>
    %dot_general3A_212 = tpu.matmul %convert_element_type3A_209, %convert_element_type3A_210, %dot_general3A_211 {dimension_numbers = #tpu.dot_dimension_numbers<[1], [0], [0], [1], [0, 0, 1, 1], [], []>, transpose_lhs_hint = false} : vector<2000x128xbf16>, vector<128x64xbf16>, vector<2000x64xf32> -> vector<2000x64xf32>
    %add3A_213 = arith.addf %add3A_194, %dot_general3A_212 : vector<2000x64xf32>
    %get3A_214 = arith.constant 1 : index
    %get3A_215 = arith.constant 3 : index
    %get3A_216 = arith.constant 0 : index
    %get3A_217 = arith.constant 0 : index
    %get3A_218 = vector.load %arg1[%get3A_214, %get3A_215, %get3A_216, %get3A_217] : memref<2x5x2000x128xf32, #tpu.memory_space<vmem>>, vector<1x1x2000x128xf32>
    %get3A_219 = vector.shape_cast %get3A_218 : vector<1x1x2000x128xf32> to vector<2000x128xf32>
    %max3A_220 = arith.constant 0.000000e+00 : f32
    %max3A_221 = vector.broadcast %max3A_220 : f32 to vector<2000x128xf32>
    %max3A_222 = arith.maximumf %get3A_219, %max3A_221 : vector<2000x128xf32>
    %get3A_223 = arith.constant 1 : index
    %get3A_224 = arith.constant 384 : index
    %get3A_225 = arith.constant 0 : index
    %get3A_226 = vector.load %arg5[%get3A_223, %get3A_224, %get3A_225] : memref<2x704x64xf32, #tpu.memory_space<vmem>>, vector<1x128x64xf32>
    %get3A_227 = vector.shape_cast %get3A_226 : vector<1x128x64xf32> to vector<128x64xf32>
    %convert_element_type3A_228 = arith.truncf %max3A_222 : vector<2000x128xf32> to vector<2000x128xbf16>
    %convert_element_type3A_229 = arith.truncf %get3A_227 : vector<128x64xf32> to vector<128x64xbf16>
    %dot_general3A_230 = arith.constant dense<0.000000e+00> : vector<2000x64xf32>
    %dot_general3A_231 = tpu.matmul %convert_element_type3A_228, %convert_element_type3A_229, %dot_general3A_230 {dimension_numbers = #tpu.dot_dimension_numbers<[1], [0], [0], [1], [0, 0, 1, 1], [], []>, transpose_lhs_hint = false} : vector<2000x128xbf16>, vector<128x64xbf16>, vector<2000x64xf32> -> vector<2000x64xf32>
    %add3A_232 = arith.addf %add3A_213, %dot_general3A_231 : vector<2000x64xf32>
    %get3A_233 = arith.constant 1 : index
    %get3A_234 = arith.constant 4 : index
    %get3A_235 = arith.constant 0 : index
    %get3A_236 = arith.constant 0 : index
    %get3A_237 = vector.load %arg1[%get3A_233, %get3A_234, %get3A_235, %get3A_236] : memref<2x5x2000x128xf32, #tpu.memory_space<vmem>>, vector<1x1x2000x128xf32>
    %get3A_238 = vector.shape_cast %get3A_237 : vector<1x1x2000x128xf32> to vector<2000x128xf32>
    %max3A_239 = arith.constant 0.000000e+00 : f32
    %max3A_240 = vector.broadcast %max3A_239 : f32 to vector<2000x128xf32>
    %max3A_241 = arith.maximumf %get3A_238, %max3A_240 : vector<2000x128xf32>
    %get3A_242 = arith.constant 1 : index
    %get3A_243 = arith.constant 512 : index
    %get3A_244 = arith.constant 0 : index
    %get3A_245 = vector.load %arg5[%get3A_242, %get3A_243, %get3A_244] : memref<2x704x64xf32, #tpu.memory_space<vmem>>, vector<1x128x64xf32>
    %get3A_246 = vector.shape_cast %get3A_245 : vector<1x128x64xf32> to vector<128x64xf32>
    %convert_element_type3A_247 = arith.truncf %max3A_241 : vector<2000x128xf32> to vector<2000x128xbf16>
    %convert_element_type3A_248 = arith.truncf %get3A_246 : vector<128x64xf32> to vector<128x64xbf16>
    %dot_general3A_249 = arith.constant dense<0.000000e+00> : vector<2000x64xf32>
    %dot_general3A_250 = tpu.matmul %convert_element_type3A_247, %convert_element_type3A_248, %dot_general3A_249 {dimension_numbers = #tpu.dot_dimension_numbers<[1], [0], [0], [1], [0, 0, 1, 1], [], []>, transpose_lhs_hint = false} : vector<2000x128xbf16>, vector<128x64xbf16>, vector<2000x64xf32> -> vector<2000x64xf32>
    %add3A_251 = arith.addf %add3A_232, %dot_general3A_250 : vector<2000x64xf32>
    %max3A_252 = arith.constant 0.000000e+00 : f32
    %max3A_253 = vector.broadcast %max3A_252 : f32 to vector<2000x64xf32>
    %max3A_254 = arith.maximumf %add3A_251, %max3A_253 : vector<2000x64xf32>
    %swap3A_255 = arith.constant 0 : index
    %swap3A_256 = arith.constant 0 : index
    %swap3A_257 = vector.load %arg7[%swap3A_255, %swap3A_256] : memref<2000x64xf32, #tpu.memory_space<vmem>>, vector<2000x64xf32>
    tpu.vector_store %arg7[%swap3A_255, %swap3A_256], %max3A_254 {strides = array<i32>} : memref<2000x64xf32, #tpu.memory_space<vmem>>, vector<2000x64xf32>,
    return
  }
  func.func @transform_0(%arg0: i32) -> (i32, i32, i32, i32) {
    %c0_i32 = arith.constant 0 : i32
    %c0_i32_0 = arith.constant 0 : i32
    %c0_i32_1 = arith.constant 0 : i32
    %c0_i32_2 = arith.constant 0 : i32
    return %c0_i32, %c0_i32_0, %arg0, %c0_i32_1 : i32, i32, i32, i32
  }
  func.func @transform_1(%arg0: i32) -> (i32, i32, i32) {
    %c0_i32 = arith.constant 0 : i32
    %c0_i32_0 = arith.constant 0 : i32
    %c0_i32_1 = arith.constant 0 : i32
    return %c0_i32, %arg0, %c0_i32_0 : i32, i32, i32
  }
  func.func @transform_2(%arg0: i32) -> (i32, i32) {
    %c0_i32 = arith.constant 0 : i32
    %c0_i32_0 = arith.constant 0 : i32
    %c0_i32_1 = arith.constant 0 : i32
    return %c0_i32, %c0_i32_0 : i32, i32
  }
  func.func @transform_3(%arg0: i32) -> (i32, i32, i32) {
    %c0_i32 = arith.constant 0 : i32
    %c0_i32_0 = arith.constant 0 : i32
    %c0_i32_1 = arith.constant 0 : i32
    %c0_i32_2 = arith.constant 0 : i32
    return %c0_i32, %c0_i32_0, %c0_i32_1 : i32, i32, i32
  }
  func.func @transform_4(%arg0: i32) -> (i32, i32, i32) {
    %c0_i32 = arith.constant 0 : i32
    %c0_i32_0 = arith.constant 0 : i32
    %c0_i32_1 = arith.constant 0 : i32
    %c0_i32_2 = arith.constant 0 : i32
    return %c0_i32, %c0_i32_0, %c0_i32_1 : i32, i32, i32
  }
  func.func @transform_5(%arg0: i32) -> (i32, i32) {
    %c0_i32 = arith.constant 0 : i32
    %c0_i32_0 = arith.constant 0 : i32
    return %arg0, %c0_i32 : i32, i32
  }
  func.func @transform_6(%arg0: i32) -> (i32, i32) {
    %c0_i32 = arith.constant 0 : i32
    %c0_i32_0 = arith.constant 0 : i32
    return %arg0, %c0_i32 : i32, i32
  }
}

</mosaic_0001>

<sc_bundles>
// kernel: kernel.5.cloned.1.call-start
scs
__scs_entry_jumppad:
0x0: {  	(pc) =	sbr.rel $0x88, $3  }
0x1: {  	(tag) =	ssettag $0x0;
	lr =	simm.s32 $0x1  }
0x2: {  	[smem:$0x3F95] =	sst lr;
	_ =	strace $0xD0000000  }
0x3: {  	_ = 	snop  }
0x4: {  	_ = 	snop  }
0x5: {  	_ = 	snop  }
0x6: {  	_ = 	snop  }
0x7: {  	_ = 	snop  }
__scs_overlays_trampoline_lowered:
0x8: {  	[smem:$0x3FA4] =	sst s0  }
0x9: {  	[smem:$0x3FA5] =	sst s1  }
0xa: {  	[smem:$0x3FA6] =	sst s2  }
0xb: {  	[smem:$0x3FA7] =	sst s3  }
0xc: {  	[smem:$0x3FA8] =	sst s4  }
0xd: {  	[smem:$0x3FA9] =	sst s5  }
0xe: {  	[smem:$0x3FAA] =	sst s6  }
0xf: {  	[smem:$0x3FAB] =	sst s7  }
0x10: {  	[smem:$0x3FAC] =	sst s8  }
0x11: {  	[smem:$0x3FAD] =	sst s9;
	s0 =	simm.s32 @!p0 $0x0  }
0x12: {  	s1 =	sld [smem:$0x3F93];
	s0 =	simm.s32 @p0 $0x1  }
0x13: {  	[smem:$0x3FAE] =	sst s0;
	s0 =	simm.s32 @!p1 $0x0  }
0x14: {  	s2 =	sld [smem:$0x3F92];
	s0 =	simm.s32 @p1 $0x1  }
0x15: {  	[smem:$0x3FAF] =	sst s0;
	s0 =	simm.s32 @!p2 $0x0  }
0x16: {  	s3 =	sld [smem:$0x3FDB];
	s0 =	simm.s32 @p2 $0x1  }
0x17: {  	s4 =	simm.s32 $0x1BF5;
	[smem:$0x3FB1] =	sst s0  }
0x18: {  	s0 =	sld [smem:$0x3F94];
	_ =	swait.ge [sflag:s4], $0x0  }
0x19: {  	s7 =	sld [smem:$0x3F95]  }
0x1a: {  	s8 =	sadd.s32 $0xFFFFE003, lr  }
0x1b: {  	s9 =	sadd.s32 $0xFFFFFEF7, lr;
	s5 =	simm.s32 $0xFFFFFFFF;
	p2 =	slt.u32 s8, $0xFFFFF086  }
0x1c: {  	p1 =	slt.u32 s9, $0xF7A;
	s5 =	simm.s32 @!p2 $0x0  }
0x1d: {  	s5 =	simm.s32 @p1 $0x1;
	p0 =	seq.s32 s7, s2  }
0x1e: {  	s7 =	smul.u32 @!p0 $0xF7A, s2;
	p2 =	seq.s32 @!p0 s5, $0x0  }
0x1f: {  	s9 =	smul.u32 $0xF7A, s1;
	s8 =	simm.s32 @!p0 $0x1BF5;
	p2 =	por !p2, p0  }
0x20: {  	[sflag:s8] =	ssyncset.s32 @!p0 $0xFFFFF086;
	s6 =	sadd.s32 @!p0 s3, s7;
	s7 =	simm.s32 @!p0 $0x108  }
0x21: {  	s3 =	sadd.s32 s3, s9;
	s6 =	sadd.s32 @!p0 $0x88, s6;
	s7 =	simm.s32 @p2 $0x1082  }
0x22: {  	[simem:s7], [sflag:s8] =	dma.local @!p0 [hbm:s6], $0xF7A  }
0x23: {  	s9 =	sor.u32 $0xD0000000, s2;
	s6 =	simm.s32 $0x108;
	_ =	swait.ge @!p0 [sflag:s8], $0x0  }
0x24: {  	s3 =	sadd.s32 $0x88, s3;
	s6 =	simm.s32 @!p1 $0x1082;
	[sflag:s4] =	ssyncset.s32 $0xFFFFF086  }
0x25: {  	[simem:s6], [sflag:s4] =	dma.local [hbm:s3], $0xF7A  }
0x26: {  	[smem:$0x3F95] =	sst s1;
	(tag) =	ssettag s2;
	_ =	strace s9  }
0x27: {  	s1 =	sld [smem:$0x3FA5]  }
0x28: {  	s2 =	sld [smem:$0x3FA6]  }
0x29: {  	s4 =	sld [smem:$0x3FA8]  }
0x2a: {  	p0 =	seq.s32 s5, $0x0;
	s5 =	sld [smem:$0x3FA9]  }
0x2b: {  	s6 =	sld [smem:$0x3FAA]  }
0x2c: {  	s7 =	sld [smem:$0x3FAB]  }
0x2d: {  	s3 =	simm.s32 $0x108;
	s8 =	sld [smem:$0x3FAC]  }
0x2e: {  	s3 =	simm.s32 @!p0 $0x1082;
	s9 =	sld [smem:$0x3FAD]  }
0x2f: {  	lr =	sadd.s32 s0, s3;
	s0 =	sld [smem:$0x3FA4]  }
0x30: {  	s3 =	sld [smem:$0x3FA7]  }
0x31: {  	[smem:$0x3FB0] =	sst s10  }
0x32: {  	s10 =	sld [smem:$0x3FAE];
	_ =	sdelay $0x3  }
0x33: {  	p0 =	seq.s32 s10, $0x1;
	s10 =	sld [smem:$0x3FB0];
	_ =	sdelay $0x3  }
0x34: {  	[smem:$0x3FB0] =	sst s10  }
0x35: {  	s10 =	sld [smem:$0x3FAF];
	_ =	sdelay $0x3  }
0x36: {  	p1 =	seq.s32 s10, $0x1;
	s10 =	sld [smem:$0x3FB0];
	_ =	sdelay $0x3  }
0x37: {  	[smem:$0x3FB0] =	sst s10  }
0x38: {  	s10 =	sld [smem:$0x3FB1]  }
0x39: {  	_ = 	snop;
	(pc) =	sbr.ind lr, $3  }
0x3a: {  	_ = 	snop  }
0x3b: {  	_ = 	snop  }
0x3c: {  	p2 =	seq.s32 s10, $0x1;
	s10 =	sld [smem:$0x3FB0]  }
0x3d: {  	_ =	shalt  }
0x3e: {  	_ =	shalt  }
0x3f: {  	_ =	shalt  }
0x40: {  	_ =	shalt  }
0x41: {  	_ =	shalt  }
0x42: {  	_ =	shalt  }
0x43: {  	_ =	shalt  }
0x44: {  	_ =	shalt  }
0x45: {  	_ =	shalt  }
0x46: {  	_ =	shalt  }
0x47: {  	_ =	shalt  }
0x48: {  	_ =	shalt  }
0x49: {  	_ =	shalt  }
0x4a: {  	_ =	shalt  }
0x4b: {  	_ =	shalt  }
0x4c: {  	_ =	shalt  }
0x4d: {  	_ =	shalt  }
0x4e: {  	_ =	shalt  }
0x4f: {  	_ =	shalt  }
0x50: {  	_ =	shalt  }
0x51: {  	_ =	shalt  }
0x52: {  	_ =	shalt  }
0x53: {  	_ =	shalt  }
0x54: {  	_ =	shalt  }
0x55: {  	_ =	shalt  }
0x56: {  	_ =	shalt  }
0x57: {  	_ =	shalt  }
0x58: {  	_ =	shalt  }
0x59: {  	_ =	shalt  }
0x5a: {  	_ =	shalt  }
0x5b: {  	_ =	shalt  }
0x5c: {  	_ =	shalt  }
0x5d: {  	_ =	shalt  }
0x5e: {  	_ =	shalt  }
0x5f: {  	_ =	shalt  }
0x60: {  	_ =	shalt  }
0x61: {  	_ =	shalt  }
0x62: {  	_ =	shalt  }
0x63: {  	_ =	shalt  }
0x64: {  	_ =	shalt  }
0x65: {  	_ =	shalt  }
0x66: {  	_ =	shalt  }
0x67: {  	_ =	shalt  }
0x68: {  	_ =	shalt  }
0x69: {  	_ =	shalt  }
0x6a: {  	_ =	shalt  }
0x6b: {  	_ =	shalt  }
0x6c: {  	_ =	shalt  }
0x6d: {  	_ =	shalt  }
0x6e: {  	_ =	shalt  }
0x6f: {  	_ =	shalt  }
0x70: {  	_ =	shalt  }
0x71: {  	_ =	shalt  }
0x72: {  	_ =	shalt  }
0x73: {  	_ =	shalt  }
0x74: {  	_ =	shalt  }
0x75: {  	_ =	shalt  }
0x76: {  	_ =	shalt  }
0x77: {  	_ =	shalt  }
0x78: {  	_ =	shalt  }
0x79: {  	_ =	shalt  }
0x7a: {  	_ =	shalt  }
0x7b: {  	_ =	shalt  }
0x7c: {  	_ =	shalt  }
0x7d: {  	_ =	shalt  }
0x7e: {  	_ =	shalt  }
0x7f: {  	_ =	shalt  }
0x80: {  	_ =	shalt  }
0x81: {  	_ =	shalt  }
0x82: {  	_ =	shalt  }
0x83: {  	_ =	shalt  }
0x84: {  	_ =	shalt  }
0x85: {  	_ =	shalt  }
0x86: {  	_ =	shalt  }
0x87: {  	_ =	shalt  }
.Lfunc_end0:
.L_simem_size_0:
called_computation_lowered:
.L_overlay_start_0:
0x88: {  	s2 =	sld [smem:$0x3FD9]  }
0x89: {  	s3 =	sld [smem:$0x3FFE];
	_ =	sdelay $0x1  }
0x8a: {  	s1 =	srdreg.scid  }
0x8b: {  	s0 =	sand.u32 $0x1, s1  }
0x8c: {  	s16 =	sshll.u32 s0, $0xA;
	s2 =	sadd.s32 s3, s2  }
0x8d: {  	s2 =	sadd.s32 s2, s16  }
0x8e: {  	[smem:$0x3FBC] =	sst s2  }
0x8f: {  	_ = 	snop  }
0x90: {  	(tm) =	ssettm $0x1  }
0x91: {  	s17 =	sld [smem:$0x3FFB];
	_ =	sdelay $0x3  }
0x92: {  	_ =	strace s17  }
0x93: {  	s2 =	sld [smem:$0x3FFC];
	_ =	sdelay $0x3  }
0x94: {  	_ =	strace s2  }
0x95: {  	s2 =	sld [smem:$0x3FFD];
	_ =	sdelay $0x3  }
0x96: {  	_ =	strace s2  }
0x97: {  	_ =	strace $0x8FFFFFFF  }
0x98: {  	s18 =	sld [smem:$0x3FDB];
	_ =	sdelay $0x1  }
0x99: {  	s19 =	simm.s32 $_scs_section_size  }
0x9a: {  	s4 =	simm.s32 $_size__tile_overlayer_lowered;
	s5 =	simm.s32 $_tile_overlayer_lowered  }
0x9b: {  	s22 =	simm.s32 $0x1BFF;
	s21 =	sshll.u32 s5, $0x1;
	s2 =	sadd.s32 s19, s18  }
0x9c: {  	s6 =	simm.s32 $0x0;
	s20 =	sshll.u32 s4, $0x1;
	s4 =	sadd.s32 s21, s2  }
0x9d: {  	[timem:s6], [sflag:s22] =	dma.local [hbm:s4], s20  }
0x9e: {  	_ =	swait.ge [sflag:s22], s20  }
0x9f: {  	s3 =	ssub.s32 $0x0, s20;
	[sflag:s22] =	ssyncset.done $0x0  }
0xa0: {  	[sflag:s22] =	ssyncadd.s32 s3;
	_ =	sdelay $0x1  }
0xa1: {  	s23 =	simm.s32 $0x1B8B  }
0xa2: {  	_ =	swait.ge [sflag:s23], $0x1  }
0xa3: {  	[sflag:s23] =	ssyncset.done $0x0  }
0xa4: {  	s25 =	simm.s32 $0x1B8E;
	s24 =	sld [smem:$0x3FFE];
	[sflag:s23] =	ssyncadd.s32 $0xFFFFFFFF  }
0xa5: {  	s26 =	simm.s32 $execute0_lowered;
	[smem:$0x3FD2] =	sst s25  }
0xa6: {  	s4 =	sshll.u32 s26, $0x1;
	_ =	strace $0x80000046;
	[dreg:$0x1] =	wrdreg $0xFFFFFFFF  }
0xa7: {  	s28 =	simm.s32 $_size_execute0_lowered;
	s2 =	sadd.s32 s2, s4;
	[dreg:$0x0] =	wrdreg $0x0  }
0xa8: {  	s4 =	sshll.u32 s28, $0x1;
	[dreg:$0x2] =	wrdreg s2  }
0xa9: {  	[dreg:$0x3] =	wrdreg s4  }
0xaa: {  	[dreg:$0x4] =	wrdreg $0xC0  }
0xab: {  	_ =	task [dreg:s6], $0x5FFFF  }
0xac: {  	[dreg:$0x1] =	wrdreg $0xFFFFFFFF  }
0xad: {  	[dreg:$0x0] =	wrdreg $0x60  }
0xae: {  	[dreg:$0x2] =	wrdreg s24  }
0xaf: {  	[dreg:$0x3] =	wrdreg $0xA8000  }
0xb0: {  	[dreg:$0x4] =	wrdreg $0x9  }
0xb1: {  	_ =	task.clear_ibuf [dreg:s6], $0x5FFFF;
	_ =	strace $0x90000046  }
0xb2: {  	s29 =	simm.s32 $0x9;
	_ =	strace $0x80000048  }
0xb3: {  	_ =	swait.ge [sflag:s29], $0x1  }
0xb4: {  	[sflag:s29] =	ssyncadd.s32 $0xFFFFFFFF  }
0xb5: {  	_ =	strace $0x90000048  }
0xb6: {  	_ =	sfence  }
0xb7: {  	s30 =	sld [smem:$0x0];
	_ =	sdelay $0x2  }
0xb8: {  	s31 =	sshll.u32 s1, $0xD;
	s1 =	sshrl.u32 s1, $0x2  }
0xb9: {  	s3 =	sand.u32 $0x4000, s31;
	s1 =	sadd.s32 s1, s30  }
0xba: {  	s0 =	sor.u32 s3, s0;
	s1 =	sshll.u32 s1, $0x11  }
0xbb: {  	s0 =	sor.u32 s1, s0  }
0xbc: {  	s0 =	sadd.s32 $0x8F2B, s0  }
0xbd: {  	[sflag:s0] =	ssyncadd.remote.s32 $0x1  }
0xbe: {  	_ =	sfence.sel $0xFFFF  }
0xbf: {  	[dreg:$0x0] =	wrdreg $0xFFFFFFFF;
	(pc) =	sbr.abs _section_cstart, $3  }
0xc0: {  	[dreg:$0x1] =	wrdreg $0xFFFFFFFF  }
0xc1: {  	_ =	task.clear_ibuf [dreg:s6], $0x2FFFF;
	_ =	strace $0x9FFFFFFF  }
0xc2: {  	(tm) =	ssettm $0x7FFFFFFF  }
0xc3: {  	_ =	shalt  }
tec
execute0_lowered:
.L_overlay_start_1:
0x0: {  	(tag) =	ssettag $0x1  }
0x1: {  	s0 =	rddreg [dreg:$0x0]  }
0x2: {  	s1 =	rddreg [dreg:$0x1];
	s2 =	simm.s32 $0x0;
	s3 =	srdreg.scid  }
0x3: {  	s13 =	stileid.u32;
	s14 =	simm.s32 $0x7;
	s15 =	simm.s32 $0x800  }
0x4: {  	s16 =	simm.s32 $0x1800;
	s17 =	simm.s32 $0x1;
	s18 =	simm.s32 $0x40  }
0x5: {  	s19 =	simm.s32 $0x2800;
	s21 =	simm.s32 $0x4800;
	s23 =	simm.s32 $0x6800  }
0x6: {  	s28 =	simm.s32 $0x3;
	s30 =	simm.s32 $0x4;
	s24 =	simm.s32 $0x2600  }
0x7: {  	s29 =	simm.s32 $0x2680;
	s31 =	simm.s32 $0x2700;
	[smem:$0x7FF] =	sst s2  }
0x8: {  	s4 =	sadd.s32 $0x2B200, s0;
	s5 =	sadd.s32 $0x3200, s0;
	s3 =	sand.u32 $0x1, s3  }
0x9: {  	s7 =	smul.u32 $0x4E000, s13;
	s6 =	sadd.s32 $0x17200, s0;
	s12 =	sadd.s32 $0x1B1C00, s0  }
0xa: {  	s11 =	smul.u32 $0x2700, s13;
	s10 =	sshll.u32 s13, $0x9;
	p0 =	seq.s32 s13, $0xF  }
0xb: {  	p1 =	sne.s32 s13, $0xF;
	s13 =	simm.s32 $0x5;
	_ =	strace $0x80000047  }
0xc: {  	s25 =	ssub.s32 $0x2, s3;
	s9 =	smul.u32 $0x5, s3;
	[dreg:$0x3] =	wrdreg s12  }
.Ltmp0:
0xd: {  	s8 =	sshrl.u32 s25, $0x1;
	s7 =	sshrl.u32 s7, $0x2;
	(pc) =	sbr.rel .LBB2_1-.Ltmp0, $4  }
0xe: {  	s26 =	sadd.s32 s12, s11;
	s12 =	sadd.s32 $0x124800, s1;
	s11 =	simm.s32 $0x6  }
0xf: {  	s0 =	ssub.s32 s25, s8;
	s8 =	sadd.s32 s7, s1;
	[dreg:$0x4] =	wrdreg s26  }
0x10: {  	s25 =	simm.s32 $0x8800;
	s26 =	simm.s32 $0x2;
	s0 =	smax.u32 s0, $0x1  }
0x11: {  	v0 =	vimm.f32 $0.0e+00;
	s7 =	simm.s32 $0x0;
	[dreg:$0x5] =	wrdreg s0;
	s0 =	simm.s32 $0x2780  }
.LBB2_20:
0x12: {  	s7 =	rddreg [dreg:$0x6]  }
0x13: {  	s3 =	rddreg [dreg:$0x5];
	s7 =	sadd.s32 $0x1, s7  }
0x14: {  	p2 =	sne.s32 s7, s3  }
.Ltmp1:
0x15: {  	_ = 	snop;
	(pc) =	sbr.rel @!p2 .LBB2_21-.Ltmp1, $1  }
0x16: {  	_ =	sdelay $0x3  }
.LBB2_1:
0x17: {  	[dreg:$0x6] =	wrdreg s7;
	s3 =	simm.s32 $0x0;
	s7 =	simm.s32 $0x200  }
.LBB2_2:
0x18: {  	p2 =	sne.s32 s7, $0x1E00;
	[tilespmem:s3+$0x70] =	vst v0  }
0x19: {  	[tilespmem:s3+$0x0] =	vst v0  }
0x1a: {  	[tilespmem:s3+$0x10] =	vst v0  }
.Ltmp2:
0x1b: {  	[tilespmem:s3+$0x20] =	vst v0;
	(pc) =	sbr.rel @p2 .LBB2_2-.Ltmp2, $4  }
0x1c: {  	[tilespmem:s3+$0x30] =	vst v0  }
0x1d: {  	[tilespmem:s3+$0x40] =	vst v0  }
0x1e: {  	[tilespmem:s3+$0x50] =	vst v0  }
0x1f: {  	[tilespmem:s3+$0x60] =	vst v0;
	s3 =	sshra.s32 s7, $0x2;
	s7 =	sadd.s32 $0x200, s7  }
0x20: {  	[tilespmem:s3+$0x70] =	vst v0  }
0x21: {  	[tilespmem:s3+$0x0] =	vst v0  }
0x22: {  	[tilespmem:s3+$0x10] =	vst v0  }
0x23: {  	[tilespmem:s3+$0x20] =	vst v0  }
.Ltmp3:
0x24: {  	[tilespmem:s3+$0x30] =	vst v0;
	(pc) =	sbr.rel @!p0 .LBB2_4-.Ltmp3, $4  }
0x25: {  	[tilespmem:s3+$0x40] =	vst v0  }
0x26: {  	[tilespmem:s3+$0x50] =	vst v0  }
0x27: {  	[tilespmem:s3+$0x60] =	vst v0;
	s3 =	simm.s32 $0x0  }
0x28: {  	s7 =	sshra.s32 s3, $0x2  }
0x29: {  	s7 =	sadd.s32 s7, s12  }
0x2a: {  	[spmem:s7] =	stream.linear.scatter [tilespmem:s2], [sflag:$0x7], $0x800, $0x38;
	[tilespmem:$0x1E800] =	vst v63  }
0x2b: {  	s3 =	sadd.s32 $0x2000, s3;
	_ =	swait.ge [sflag:s14], $0x800  }
.LBB2_8:
0x2c: {  	s7 =	sshra.s32 s3, $0x2;
	[sflag:s14] =	ssyncset.done $0x0;
	p2 =	sne.s32 s3, $0x4E000  }
.Ltmp4:
0x2d: {  	s7 =	sadd.s32 s7, s12;
	[sflag:s14] =	ssyncadd.s32 $0xFFFFF800;
	(pc) =	sbr.rel @p2 .LBB2_8-.Ltmp4, $3  }
0x2e: {  	[spmem:s7] =	stream.linear.scatter [tilespmem:s2], [sflag:$0x7], $0x800, $0x38;
	[tilespmem:$0x1E800] =	vst v63  }
0x2f: {  	s3 =	sadd.s32 $0x2000, s3;
	_ =	sdelay $0x1  }
0x30: {  	_ =	swait.ge [sflag:s14], $0x800  }
.Ltmp5:
0x31: {  	(pc) =	sbr.rel .LBB2_10-.Ltmp5, $3  }
0x32: {  	_ =	sdelay $0x1  }
0x33: {  	[sflag:s14] =	ssyncset.done $0x0  }
0x34: {  	[sflag:s14] =	ssyncadd.s32 $0xFFFFF800  }
.LBB2_4:
0x35: {  	s7 =	sadd.s32 s7, s8  }
0x36: {  	[spmem:s7] =	stream.linear.scatter [tilespmem:s2], [sflag:$0x7], $0x800, $0x38;
	[tilespmem:$0x1E800] =	vst v63  }
0x37: {  	s3 =	sadd.s32 $0x2000, s3;
	_ =	swait.ge [sflag:s14], $0x800  }
.LBB2_5:
0x38: {  	s7 =	sshra.s32 s3, $0x2;
	[sflag:s14] =	ssyncset.done $0x0;
	p2 =	seq.s32 s3, $0x4C000  }
.Ltmp6:
0x39: {  	s7 =	sadd.s32 s7, s8;
	[sflag:s14] =	ssyncadd.s32 $0xFFFFF800;
	(pc) =	sbr.rel @!p2 .LBB2_5-.Ltmp6, $3  }
0x3a: {  	[spmem:s7] =	stream.linear.scatter [tilespmem:s2], [sflag:$0x7], $0x800, $0x38;
	[tilespmem:$0x1E800] =	vst v63  }
0x3b: {  	s3 =	sadd.s32 $0x2000, s3;
	_ =	sdelay $0x1  }
0x3c: {  	_ =	swait.ge [sflag:s14], $0x800  }
0x3d: {  	[sflag:s14] =	ssyncset.done $0x0  }
0x3e: {  	[sflag:s14] =	ssyncadd.s32 $0xFFFFF800  }
.LBB2_10:
0x3f: {  	s3 =	simm.s32 $0x0  }
.LBB2_11:
0x40: {  	s7 =	sadd.s32 s9, s3  }
0x41: {  	s20 =	sshll.u32 s7, $0xD  }
0x42: {  	s20 =	sor.u32 s10, s20  }
0x43: {  	s22 =	sadd.s32 s5, s20  }
0x44: {  	[tilespmem:s15], [sflag:$0x1] =	stream.linear.gather [hbm4b:s22+s2], $0x1000, $0x38;
	[tilespmem:$0x1E800] =	vst v63  }
0x45: {  	s20 =	sadd.s32 s6, s20  }
0x46: {  	[tilespmem:s16], [sflag:$0x2] =	stream.linear.gather [hbm4b:s20+s2], $0x1000, $0x38;
	[tilespmem:$0x1E800] =	vst v63  }
0x47: {  	[bflag:$0x0] =	sbarrier.arrive $0xFFFF  }
0x48: {  	_ =	swait.ge [sflag:s17], $0x1000  }
0x49: {  	[sflag:s17] =	ssyncset.done $0x0  }
0x4a: {  	[sflag:s17] =	ssyncadd.s32 $0xFFFFF000  }
0x4b: {  	[tilespmem:s19], [sflag:$0x3] =	stream.indirect.gather [hbm4b:s4+s18], $0x80, s15, s18, $0xb8;
	[tilespmem:$0x1E800] =	vst v63  }
0x4c: {  	s22 =	simm.s32 $0x880  }
0x4d: {  	[tilespmem:s21], [sflag:$0x4] =	stream.indirect.gather [hbm4b:s4+s18], $0x80, s22, s18, $0xb8;
	[tilespmem:$0x1E800] =	vst v63  }
0x4e: {  	s22 =	simm.s32 $0x900  }
0x4f: {  	[tilespmem:s23], [sflag:$0x5] =	stream.indirect.gather [hbm4b:s4+s18], $0x80, s22, s18, $0xb8;
	[tilespmem:$0x1E800] =	vst v63  }
0x50: {  	s22 =	simm.s32 $0x980  }
0x51: {  	[tilespmem:s25], [sflag:$0x6] =	stream.indirect.gather [hbm4b:s4+s18], $0x80, s22, s18, $0xb8;
	[tilespmem:$0x1E800] =	vst v63  }
0x52: {  	_ =	swait.ge [sflag:s26], $0x1000  }
0x53: {  	[sflag:s26] =	ssyncset.done $0x0  }
0x54: {  	[sflag:s26] =	ssyncadd.s32 $0xFFFFF000  }
0x55: {  	_ =	swait.ge [sflag:s28], $0x2000  }
0x56: {  	[sflag:s28] =	ssyncset.done $0x0  }
0x57: {  	[sflag:s28] =	ssyncadd.s32 $0xFFFFE000  }
0x58: {  	[spmem:s1] =	stream.indirect.scatter.add.f32 [tilespmem:s19], [sflag:$0x7], $0x80, s16, s18, $0xb8;
	[tilespmem:$0x1E800] =	vst v63  }
0x59: {  	_ =	swait.ge [sflag:s14], $0x2000  }
0x5a: {  	[sflag:s14] =	ssyncset.done $0x0  }
0x5b: {  	s22 =	simm.s32 $0xA00;
	[sflag:s14] =	ssyncadd.s32 $0xFFFFE000  }
0x5c: {  	[tilespmem:s19], [sflag:$0x3] =	stream.indirect.gather [hbm4b:s4+s18], $0x80, s22, s18, $0xb8;
	[tilespmem:$0x1E800] =	vst v63  }
0x5d: {  	_ =	swait.ge [sflag:s30], $0x2000  }
0x5e: {  	[sflag:s30] =	ssyncset.done $0x0  }
0x5f: {  	s22 =	simm.s32 $0x1880;
	[sflag:s30] =	ssyncadd.s32 $0xFFFFE000  }
0x60: {  	[spmem:s1] =	stream.indirect.scatter.add.f32 [tilespmem:s21], [sflag:$0x7], $0x80, s22, s18, $0xb8;
	[tilespmem:$0x1E800] =	vst v63  }
0x61: {  	_ =	swait.ge [sflag:s14], $0x2000  }
0x62: {  	[sflag:s14] =	ssyncset.done $0x0  }
0x63: {  	s22 =	simm.s32 $0xA80;
	[sflag:s14] =	ssyncadd.s32 $0xFFFFE000  }
0x64: {  	[tilespmem:s21], [sflag:$0x4] =	stream.indirect.gather [hbm4b:s4+s18], $0x80, s22, s18, $0xb8;
	[tilespmem:$0x1E800] =	vst v63  }
0x65: {  	_ =	swait.ge [sflag:s13], $0x2000  }
0x66: {  	[sflag:s13] =	ssyncset.done $0x0  }
0x67: {  	s22 =	simm.s32 $0x1900;
	[sflag:s13] =	ssyncadd.s32 $0xFFFFE000  }
0x68: {  	[spmem:s1] =	stream.indirect.scatter.add.f32 [tilespmem:s23], [sflag:$0x7], $0x80, s22, s18, $0xb8;
	[tilespmem:$0x1E800] =	vst v63  }
0x69: {  	_ =	swait.ge [sflag:s14], $0x2000  }
0x6a: {  	[sflag:s14] =	ssyncset.done $0x0  }
0x6b: {  	s22 =	simm.s32 $0xB00;
	[sflag:s14] =	ssyncadd.s32 $0xFFFFE000  }
0x6c: {  	[tilespmem:s23], [sflag:$0x5] =	stream.indirect.gather [hbm4b:s4+s18], $0x80, s22, s18, $0xb8;
	[tilespmem:$0x1E800] =	vst v63  }
0x6d: {  	_ =	swait.ge [sflag:s11], $0x2000  }
0x6e: {  	[sflag:s11] =	ssyncset.done $0x0  }
0x6f: {  	s22 =	simm.s32 $0x1980;
	[sflag:s11] =	ssyncadd.s32 $0xFFFFE000  }
0x70: {  	[spmem:s1] =	stream.indirect.scatter.add.f32 [tilespmem:s25], [sflag:$0x7], $0x80, s22, s18, $0xb8;
	[tilespmem:$0x1E800] =	vst v63  }
0x71: {  	_ =	swait.ge [sflag:s14], $0x2000  }
0x72: {  	[sflag:s14] =	ssyncset.done $0x0  }
0x73: {  	s22 =	simm.s32 $0xB80;
	[sflag:s14] =	ssyncadd.s32 $0xFFFFE000  }
0x74: {  	[tilespmem:s25], [sflag:$0x6] =	stream.indirect.gather [hbm4b:s4+s18], $0x80, s22, s18, $0xb8;
	[tilespmem:$0x1E800] =	vst v63  }
0x75: {  	_ =	swait.ge [sflag:s28], $0x2000  }
0x76: {  	[sflag:s28] =	ssyncset.done $0x0  }
0x77: {  	s22 =	simm.s32 $0x1A00;
	[sflag:s28] =	ssyncadd.s32 $0xFFFFE000  }
0x78: {  	[spmem:s1] =	stream.indirect.scatter.add.f32 [tilespmem:s19], [sflag:$0x7], $0x80, s22, s18, $0xb8;
	[tilespmem:$0x1E800] =	vst v63  }
0x79: {  	_ =	swait.ge [sflag:s14], $0x2000  }
0x7a: {  	[sflag:s14] =	ssyncset.done $0x0  }
0x7b: {  	s22 =	simm.s32 $0xC00;
	[sflag:s14] =	ssyncadd.s32 $0xFFFFE000  }
0x7c: {  	[tilespmem:s19], [sflag:$0x3] =	stream.indirect.gather [hbm4b:s4+s18], $0x80, s22, s18, $0xb8;
	[tilespmem:$0x1E800] =	vst v63  }
0x7d: {  	_ =	swait.ge [sflag:s30], $0x2000  }
0x7e: {  	[sflag:s30] =	ssyncset.done $0x0  }
0x7f: {  	s22 =	simm.s32 $0x1A80;
	[sflag:s30] =	ssyncadd.s32 $0xFFFFE000  }
0x80: {  	[spmem:s1] =	stream.indirect.scatter.add.f32 [tilespmem:s21], [sflag:$0x7], $0x80, s22, s18, $0xb8;
	[tilespmem:$0x1E800] =	vst v63  }
0x81: {  	_ =	swait.ge [sflag:s14], $0x2000  }
0x82: {  	[sflag:s14] =	ssyncset.done $0x0  }
0x83: {  	s22 =	simm.s32 $0xC80;
	[sflag:s14] =	ssyncadd.s32 $0xFFFFE000  }
0x84: {  	[tilespmem:s21], [sflag:$0x4] =	stream.indirect.gather [hbm4b:s4+s18], $0x80, s22, s18, $0xb8;
	[tilespmem:$0x1E800] =	vst v63  }
0x85: {  	_ =	swait.ge [sflag:s13], $0x2000  }
0x86: {  	[sflag:s13] =	ssyncset.done $0x0  }
0x87: {  	s22 =	simm.s32 $0x1B00;
	[sflag:s13] =	ssyncadd.s32 $0xFFFFE000  }
0x88: {  	[spmem:s1] =	stream.indirect.scatter.add.f32 [tilespmem:s23], [sflag:$0x7], $0x80, s22, s18, $0xb8;
	[tilespmem:$0x1E800] =	vst v63  }
0x89: {  	_ =	swait.ge [sflag:s14], $0x2000  }
0x8a: {  	[sflag:s14] =	ssyncset.done $0x0  }
0x8b: {  	s22 =	simm.s32 $0xD00;
	[sflag:s14] =	ssyncadd.s32 $0xFFFFE000  }
0x8c: {  	[tilespmem:s23], [sflag:$0x5] =	stream.indirect.gather [hbm4b:s4+s18], $0x80, s22, s18, $0xb8;
	[tilespmem:$0x1E800] =	vst v63  }
0x8d: {  	_ =	swait.ge [sflag:s11], $0x2000  }
0x8e: {  	[sflag:s11] =	ssyncset.done $0x0  }
0x8f: {  	s22 =	simm.s32 $0x1B80;
	[sflag:s11] =	ssyncadd.s32 $0xFFFFE000  }
0x90: {  	[spmem:s1] =	stream.indirect.scatter.add.f32 [tilespmem:s25], [sflag:$0x7], $0x80, s22, s18, $0xb8;
	[tilespmem:$0x1E800] =	vst v63  }
0x91: {  	_ =	swait.ge [sflag:s14], $0x2000  }
0x92: {  	[sflag:s14] =	ssyncset.done $0x0  }
0x93: {  	s22 =	simm.s32 $0xD80;
	[sflag:s14] =	ssyncadd.s32 $0xFFFFE000  }
0x94: {  	[tilespmem:s25], [sflag:$0x6] =	stream.indirect.gather [hbm4b:s4+s18], $0x80, s22, s18, $0xb8;
	[tilespmem:$0x1E800] =	vst v63  }
0x95: {  	_ =	swait.ge [sflag:s28], $0x2000  }
0x96: {  	[sflag:s28] =	ssyncset.done $0x0  }
0x97: {  	s22 =	simm.s32 $0x1C00;
	[sflag:s28] =	ssyncadd.s32 $0xFFFFE000  }
0x98: {  	[spmem:s1] =	stream.indirect.scatter.add.f32 [tilespmem:s19], [sflag:$0x7], $0x80, s22, s18, $0xb8;
	[tilespmem:$0x1E800] =	vst v63  }
0x99: {  	_ =	swait.ge [sflag:s14], $0x2000  }
0x9a: {  	[sflag:s14] =	ssyncset.done $0x0  }
0x9b: {  	s22 =	simm.s32 $0xE00;
	[sflag:s14] =	ssyncadd.s32 $0xFFFFE000  }
0x9c: {  	[tilespmem:s19], [sflag:$0x3] =	stream.indirect.gather [hbm4b:s4+s18], $0x80, s22, s18, $0xb8;
	[tilespmem:$0x1E800] =	vst v63  }
0x9d: {  	_ =	swait.ge [sflag:s30], $0x2000  }
0x9e: {  	[sflag:s30] =	ssyncset.done $0x0  }
0x9f: {  	s22 =	simm.s32 $0x1C80;
	[sflag:s30] =	ssyncadd.s32 $0xFFFFE000  }
0xa0: {  	[spmem:s1] =	stream.indirect.scatter.add.f32 [tilespmem:s21], [sflag:$0x7], $0x80, s22, s18, $0xb8;
	[tilespmem:$0x1E800] =	vst v63  }
0xa1: {  	_ =	swait.ge [sflag:s14], $0x2000  }
0xa2: {  	[sflag:s14] =	ssyncset.done $0x0  }
0xa3: {  	s22 =	simm.s32 $0xE80;
	[sflag:s14] =	ssyncadd.s32 $0xFFFFE000  }
0xa4: {  	[tilespmem:s21], [sflag:$0x4] =	stream.indirect.gather [hbm4b:s4+s18], $0x80, s22, s18, $0xb8;
	[tilespmem:$0x1E800] =	vst v63  }
0xa5: {  	_ =	swait.ge [sflag:s13], $0x2000  }
0xa6: {  	[sflag:s13] =	ssyncset.done $0x0  }
0xa7: {  	s22 =	simm.s32 $0x1D00;
	[sflag:s13] =	ssyncadd.s32 $0xFFFFE000  }
0xa8: {  	[spmem:s1] =	stream.indirect.scatter.add.f32 [tilespmem:s23], [sflag:$0x7], $0x80, s22, s18, $0xb8;
	[tilespmem:$0x1E800] =	vst v63  }
0xa9: {  	_ =	swait.ge [sflag:s14], $0x2000  }
0xaa: {  	[sflag:s14] =	ssyncset.done $0x0  }
0xab: {  	s22 =	simm.s32 $0xF00;
	[sflag:s14] =	ssyncadd.s32 $0xFFFFE000  }
0xac: {  	[tilespmem:s23], [sflag:$0x5] =	stream.indirect.gather [hbm4b:s4+s18], $0x80, s22, s18, $0xb8;
	[tilespmem:$0x1E800] =	vst v63  }
0xad: {  	_ =	swait.ge [sflag:s11], $0x2000  }
0xae: {  	[sflag:s11] =	ssyncset.done $0x0  }
0xaf: {  	s22 =	simm.s32 $0x1D80;
	[sflag:s11] =	ssyncadd.s32 $0xFFFFE000  }
0xb0: {  	[spmem:s1] =	stream.indirect.scatter.add.f32 [tilespmem:s25], [sflag:$0x7], $0x80, s22, s18, $0xb8;
	[tilespmem:$0x1E800] =	vst v63  }
0xb1: {  	_ =	swait.ge [sflag:s14], $0x2000  }
0xb2: {  	[sflag:s14] =	ssyncset.done $0x0  }
0xb3: {  	s22 =	simm.s32 $0xF80;
	[sflag:s14] =	ssyncadd.s32 $0xFFFFE000  }
0xb4: {  	[tilespmem:s25], [sflag:$0x6] =	stream.indirect.gather [hbm4b:s4+s18], $0x80, s22, s18, $0xb8;
	[tilespmem:$0x1E800] =	vst v63  }
0xb5: {  	_ =	swait.ge [sflag:s28], $0x2000  }
0xb6: {  	[sflag:s28] =	ssyncset.done $0x0  }
0xb7: {  	s22 =	simm.s32 $0x1E00;
	[sflag:s28] =	ssyncadd.s32 $0xFFFFE000  }
0xb8: {  	[spmem:s1] =	stream.indirect.scatter.add.f32 [tilespmem:s19], [sflag:$0x7], $0x80, s22, s18, $0xb8;
	[tilespmem:$0x1E800] =	vst v63  }
0xb9: {  	_ =	swait.ge [sflag:s14], $0x2000  }
0xba: {  	[sflag:s14] =	ssyncset.done $0x0  }
0xbb: {  	s22 =	simm.s32 $0x1000;
	[sflag:s14] =	ssyncadd.s32 $0xFFFFE000  }
0xbc: {  	[tilespmem:s19], [sflag:$0x3] =	stream.indirect.gather [hbm4b:s4+s18], $0x80, s22, s18, $0xb8;
	[tilespmem:$0x1E800] =	vst v63  }
0xbd: {  	_ =	swait.ge [sflag:s30], $0x2000  }
0xbe: {  	[sflag:s30] =	ssyncset.done $0x0  }
0xbf: {  	s22 =	simm.s32 $0x1E80;
	[sflag:s30] =	ssyncadd.s32 $0xFFFFE000  }
0xc0: {  	[spmem:s1] =	stream.indirect.scatter.add.f32 [tilespmem:s21], [sflag:$0x7], $0x80, s22, s18, $0xb8;
	[tilespmem:$0x1E800] =	vst v63  }
0xc1: {  	_ =	swait.ge [sflag:s14], $0x2000  }
0xc2: {  	[sflag:s14] =	ssyncset.done $0x0  }
0xc3: {  	s22 =	simm.s32 $0x1080;
	[sflag:s14] =	ssyncadd.s32 $0xFFFFE000  }
0xc4: {  	[tilespmem:s21], [sflag:$0x4] =	stream.indirect.gather [hbm4b:s4+s18], $0x80, s22, s18, $0xb8;
	[tilespmem:$0x1E800] =	vst v63  }
0xc5: {  	_ =	swait.ge [sflag:s13], $0x2000  }
0xc6: {  	[sflag:s13] =	ssyncset.done $0x0  }
0xc7: {  	s22 =	simm.s32 $0x1F00;
	[sflag:s13] =	ssyncadd.s32 $0xFFFFE000  }
0xc8: {  	[spmem:s1] =	stream.indirect.scatter.add.f32 [tilespmem:s23], [sflag:$0x7], $0x80, s22, s18, $0xb8;
	[tilespmem:$0x1E800] =	vst v63  }
0xc9: {  	_ =	swait.ge [sflag:s14], $0x2000  }
0xca: {  	[sflag:s14] =	ssyncset.done $0x0  }
0xcb: {  	s22 =	simm.s32 $0x1100;
	[sflag:s14] =	ssyncadd.s32 $0xFFFFE000  }
0xcc: {  	[tilespmem:s23], [sflag:$0x5] =	stream.indirect.gather [hbm4b:s4+s18], $0x80, s22, s18, $0xb8;
	[tilespmem:$0x1E800] =	vst v63  }
0xcd: {  	_ =	swait.ge [sflag:s11], $0x2000  }
0xce: {  	[sflag:s11] =	ssyncset.done $0x0  }
0xcf: {  	s22 =	simm.s32 $0x1F80;
	[sflag:s11] =	ssyncadd.s32 $0xFFFFE000  }
0xd0: {  	[spmem:s1] =	stream.indirect.scatter.add.f32 [tilespmem:s25], [sflag:$0x7], $0x80, s22, s18, $0xb8;
	[tilespmem:$0x1E800] =	vst v63  }
0xd1: {  	_ =	swait.ge [sflag:s14], $0x2000  }
0xd2: {  	[sflag:s14] =	ssyncset.done $0x0  }
0xd3: {  	s22 =	simm.s32 $0x1180;
	[sflag:s14] =	ssyncadd.s32 $0xFFFFE000  }
0xd4: {  	[tilespmem:s25], [sflag:$0x6] =	stream.indirect.gather [hbm4b:s4+s18], $0x80, s22, s18, $0xb8;
	[tilespmem:$0x1E800] =	vst v63  }
0xd5: {  	_ =	swait.ge [sflag:s28], $0x2000  }
0xd6: {  	[sflag:s28] =	ssyncset.done $0x0  }
0xd7: {  	s22 =	simm.s32 $0x2000;
	[sflag:s28] =	ssyncadd.s32 $0xFFFFE000  }
0xd8: {  	[spmem:s1] =	stream.indirect.scatter.add.f32 [tilespmem:s19], [sflag:$0x7], $0x80, s22, s18, $0xb8;
	[tilespmem:$0x1E800] =	vst v63  }
0xd9: {  	_ =	swait.ge [sflag:s14], $0x2000  }
0xda: {  	[sflag:s14] =	ssyncset.done $0x0  }
0xdb: {  	s22 =	simm.s32 $0x1200;
	[sflag:s14] =	ssyncadd.s32 $0xFFFFE000  }
0xdc: {  	[tilespmem:s19], [sflag:$0x3] =	stream.indirect.gather [hbm4b:s4+s18], $0x80, s22, s18, $0xb8;
	[tilespmem:$0x1E800] =	vst v63  }
0xdd: {  	_ =	swait.ge [sflag:s30], $0x2000  }
0xde: {  	[sflag:s30] =	ssyncset.done $0x0  }
0xdf: {  	s22 =	simm.s32 $0x2080;
	[sflag:s30] =	ssyncadd.s32 $0xFFFFE000  }
0xe0: {  	[spmem:s1] =	stream.indirect.scatter.add.f32 [tilespmem:s21], [sflag:$0x7], $0x80, s22, s18, $0xb8;
	[tilespmem:$0x1E800] =	vst v63  }
0xe1: {  	_ =	swait.ge [sflag:s14], $0x2000  }
0xe2: {  	[sflag:s14] =	ssyncset.done $0x0  }
0xe3: {  	s22 =	simm.s32 $0x1280;
	[sflag:s14] =	ssyncadd.s32 $0xFFFFE000  }
0xe4: {  	[tilespmem:s21], [sflag:$0x4] =	stream.indirect.gather [hbm4b:s4+s18], $0x80, s22, s18, $0xb8;
	[tilespmem:$0x1E800] =	vst v63  }
0xe5: {  	_ =	swait.ge [sflag:s13], $0x2000  }
0xe6: {  	[sflag:s13] =	ssyncset.done $0x0  }
0xe7: {  	s22 =	simm.s32 $0x2100;
	[sflag:s13] =	ssyncadd.s32 $0xFFFFE000  }
0xe8: {  	[spmem:s1] =	stream.indirect.scatter.add.f32 [tilespmem:s23], [sflag:$0x7], $0x80, s22, s18, $0xb8;
	[tilespmem:$0x1E800] =	vst v63  }
0xe9: {  	_ =	swait.ge [sflag:s14], $0x2000  }
0xea: {  	[sflag:s14] =	ssyncset.done $0x0  }
0xeb: {  	s22 =	simm.s32 $0x1300;
	[sflag:s14] =	ssyncadd.s32 $0xFFFFE000  }
0xec: {  	[tilespmem:s23], [sflag:$0x5] =	stream.indirect.gather [hbm4b:s4+s18], $0x80, s22, s18, $0xb8;
	[tilespmem:$0x1E800] =	vst v63  }
0xed: {  	_ =	swait.ge [sflag:s11], $0x2000  }
0xee: {  	[sflag:s11] =	ssyncset.done $0x0  }
0xef: {  	s22 =	simm.s32 $0x2180;
	[sflag:s11] =	ssyncadd.s32 $0xFFFFE000  }
0xf0: {  	[spmem:s1] =	stream.indirect.scatter.add.f32 [tilespmem:s25], [sflag:$0x7], $0x80, s22, s18, $0xb8;
	[tilespmem:$0x1E800] =	vst v63  }
0xf1: {  	_ =	swait.ge [sflag:s14], $0x2000  }
0xf2: {  	[sflag:s14] =	ssyncset.done $0x0  }
0xf3: {  	s22 =	simm.s32 $0x1380;
	[sflag:s14] =	ssyncadd.s32 $0xFFFFE000  }
0xf4: {  	[tilespmem:s25], [sflag:$0x6] =	stream.indirect.gather [hbm4b:s4+s18], $0x80, s22, s18, $0xb8;
	[tilespmem:$0x1E800] =	vst v63  }
0xf5: {  	_ =	swait.ge [sflag:s28], $0x2000  }
0xf6: {  	[sflag:s28] =	ssyncset.done $0x0  }
0xf7: {  	s22 =	simm.s32 $0x2200;
	[sflag:s28] =	ssyncadd.s32 $0xFFFFE000  }
0xf8: {  	[spmem:s1] =	stream.indirect.scatter.add.f32 [tilespmem:s19], [sflag:$0x7], $0x80, s22, s18, $0xb8;
	[tilespmem:$0x1E800] =	vst v63  }
0xf9: {  	_ =	swait.ge [sflag:s14], $0x2000  }
0xfa: {  	[sflag:s14] =	ssyncset.done $0x0  }
0xfb: {  	s22 =	simm.s32 $0x1400;
	[sflag:s14] =	ssyncadd.s32 $0xFFFFE000  }
0xfc: {  	[tilespmem:s19], [sflag:$0x3] =	stream.indirect.gather [hbm4b:s4+s18], $0x80, s22, s18, $0xb8;
	[tilespmem:$0x1E800] =	vst v63  }
0xfd: {  	_ =	swait.ge [sflag:s30], $0x2000  }
0xfe: {  	[sflag:s30] =	ssyncset.done $0x0  }
0xff: {  	s22 =	simm.s32 $0x2280;
	[sflag:s30] =	ssyncadd.s32 $0xFFFFE000  }
0x100: {  	[spmem:s1] =	stream.indirect.scatter.add.f32 [tilespmem:s21], [sflag:$0x7], $0x80, s22, s18, $0xb8;
	[tilespmem:$0x1E800] =	vst v63  }
0x101: {  	_ =	swait.ge [sflag:s14], $0x2000  }
0x102: {  	[sflag:s14] =	ssyncset.done $0x0  }
0x103: {  	s22 =	simm.s32 $0x1480;
	[sflag:s14] =	ssyncadd.s32 $0xFFFFE000  }
0x104: {  	[tilespmem:s21], [sflag:$0x4] =	stream.indirect.gather [hbm4b:s4+s18], $0x80, s22, s18, $0xb8;
	[tilespmem:$0x1E800] =	vst v63  }
0x105: {  	_ =	swait.ge [sflag:s13], $0x2000  }
0x106: {  	[sflag:s13] =	ssyncset.done $0x0  }
0x107: {  	s22 =	simm.s32 $0x2300;
	[sflag:s13] =	ssyncadd.s32 $0xFFFFE000  }
0x108: {  	[spmem:s1] =	stream.indirect.scatter.add.f32 [tilespmem:s23], [sflag:$0x7], $0x80, s22, s18, $0xb8;
	[tilespmem:$0x1E800] =	vst v63  }
0x109: {  	_ =	swait.ge [sflag:s14], $0x2000  }
0x10a: {  	[sflag:s14] =	ssyncset.done $0x0  }
0x10b: {  	s22 =	simm.s32 $0x1500;
	[sflag:s14] =	ssyncadd.s32 $0xFFFFE000  }
0x10c: {  	[tilespmem:s23], [sflag:$0x5] =	stream.indirect.gather [hbm4b:s4+s18], $0x80, s22, s18, $0xb8;
	[tilespmem:$0x1E800] =	vst v63  }
0x10d: {  	_ =	swait.ge [sflag:s11], $0x2000  }
0x10e: {  	[sflag:s11] =	ssyncset.done $0x0  }
0x10f: {  	s22 =	simm.s32 $0x2380;
	[sflag:s11] =	ssyncadd.s32 $0xFFFFE000  }
0x110: {  	[spmem:s1] =	stream.indirect.scatter.add.f32 [tilespmem:s25], [sflag:$0x7], $0x80, s22, s18, $0xb8;
	[tilespmem:$0x1E800] =	vst v63  }
0x111: {  	_ =	swait.ge [sflag:s14], $0x2000  }
0x112: {  	[sflag:s14] =	ssyncset.done $0x0  }
0x113: {  	s22 =	simm.s32 $0x1580;
	[sflag:s14] =	ssyncadd.s32 $0xFFFFE000  }
0x114: {  	[tilespmem:s25], [sflag:$0x6] =	stream.indirect.gather [hbm4b:s4+s18], $0x80, s22, s18, $0xb8;
	[tilespmem:$0x1E800] =	vst v63  }
0x115: {  	_ =	swait.ge [sflag:s28], $0x2000  }
0x116: {  	[sflag:s28] =	ssyncset.done $0x0  }
0x117: {  	s22 =	simm.s32 $0x2400;
	[sflag:s28] =	ssyncadd.s32 $0xFFFFE000  }
0x118: {  	[spmem:s1] =	stream.indirect.scatter.add.f32 [tilespmem:s19], [sflag:$0x7], $0x80, s22, s18, $0xb8;
	[tilespmem:$0x1E800] =	vst v63  }
0x119: {  	_ =	swait.ge [sflag:s14], $0x2000  }
0x11a: {  	[sflag:s14] =	ssyncset.done $0x0  }
0x11b: {  	s22 =	simm.s32 $0x1600;
	[sflag:s14] =	ssyncadd.s32 $0xFFFFE000  }
0x11c: {  	[tilespmem:s19], [sflag:$0x3] =	stream.indirect.gather [hbm4b:s4+s18], $0x80, s22, s18, $0xb8;
	[tilespmem:$0x1E800] =	vst v63  }
0x11d: {  	_ =	swait.ge [sflag:s30], $0x2000  }
0x11e: {  	[sflag:s30] =	ssyncset.done $0x0  }
0x11f: {  	s22 =	simm.s32 $0x2480;
	[sflag:s30] =	ssyncadd.s32 $0xFFFFE000  }
0x120: {  	[spmem:s1] =	stream.indirect.scatter.add.f32 [tilespmem:s21], [sflag:$0x7], $0x80, s22, s18, $0xb8;
	[tilespmem:$0x1E800] =	vst v63  }
0x121: {  	_ =	swait.ge [sflag:s14], $0x2000  }
0x122: {  	[sflag:s14] =	ssyncset.done $0x0  }
0x123: {  	s22 =	simm.s32 $0x1680;
	[sflag:s14] =	ssyncadd.s32 $0xFFFFE000  }
0x124: {  	[tilespmem:s21], [sflag:$0x4] =	stream.indirect.gather [hbm4b:s4+s18], $0x80, s22, s18, $0xb8;
	[tilespmem:$0x1E800] =	vst v63  }
0x125: {  	_ =	swait.ge [sflag:s13], $0x2000  }
0x126: {  	[sflag:s13] =	ssyncset.done $0x0  }
0x127: {  	s22 =	simm.s32 $0x2500;
	[sflag:s13] =	ssyncadd.s32 $0xFFFFE000  }
0x128: {  	[spmem:s1] =	stream.indirect.scatter.add.f32 [tilespmem:s23], [sflag:$0x7], $0x80, s22, s18, $0xb8;
	[tilespmem:$0x1E800] =	vst v63  }
0x129: {  	_ =	swait.ge [sflag:s14], $0x2000  }
0x12a: {  	[sflag:s14] =	ssyncset.done $0x0  }
0x12b: {  	s22 =	simm.s32 $0x1700;
	[sflag:s14] =	ssyncadd.s32 $0xFFFFE000  }
0x12c: {  	[tilespmem:s23], [sflag:$0x5] =	stream.indirect.gather [hbm4b:s4+s18], $0x80, s22, s18, $0xb8;
	[tilespmem:$0x1E800] =	vst v63  }
0x12d: {  	_ =	swait.ge [sflag:s11], $0x2000  }
0x12e: {  	[sflag:s11] =	ssyncset.done $0x0  }
0x12f: {  	s22 =	simm.s32 $0x2580;
	[sflag:s11] =	ssyncadd.s32 $0xFFFFE000  }
0x130: {  	[spmem:s1] =	stream.indirect.scatter.add.f32 [tilespmem:s25], [sflag:$0x7], $0x80, s22, s18, $0xb8;
	[tilespmem:$0x1E800] =	vst v63  }
0x131: {  	_ =	swait.ge [sflag:s14], $0x2000  }
0x132: {  	[sflag:s14] =	ssyncset.done $0x0  }
0x133: {  	s22 =	simm.s32 $0x1780;
	[sflag:s14] =	ssyncadd.s32 $0xFFFFE000  }
0x134: {  	[tilespmem:s25], [sflag:$0x6] =	stream.indirect.gather [hbm4b:s4+s18], $0x80, s22, s18, $0xb8;
	[tilespmem:$0x1E800] =	vst v63  }
0x135: {  	_ =	swait.ge [sflag:s28], $0x2000  }
0x136: {  	[sflag:s28] =	ssyncset.done $0x0  }
0x137: {  	[sflag:s28] =	ssyncadd.s32 $0xFFFFE000  }
0x138: {  	[spmem:s1] =	stream.indirect.scatter.add.f32 [tilespmem:s19], [sflag:$0x7], $0x80, s24, s18, $0xb8;
	[tilespmem:$0x1E800] =	vst v63  }
0x139: {  	_ =	swait.ge [sflag:s14], $0x2000  }
0x13a: {  	[sflag:s14] =	ssyncset.done $0x0  }
0x13b: {  	[sflag:s14] =	ssyncadd.s32 $0xFFFFE000  }
0x13c: {  	_ =	swait.ge [sflag:s30], $0x2000  }
0x13d: {  	[sflag:s30] =	ssyncset.done $0x0  }
0x13e: {  	[sflag:s30] =	ssyncadd.s32 $0xFFFFE000  }
0x13f: {  	[spmem:s1] =	stream.indirect.scatter.add.f32 [tilespmem:s21], [sflag:$0x7], $0x80, s29, s18, $0xb8;
	[tilespmem:$0x1E800] =	vst v63  }
0x140: {  	_ =	swait.ge [sflag:s14], $0x2000  }
0x141: {  	[sflag:s14] =	ssyncset.done $0x0  }
0x142: {  	[sflag:s14] =	ssyncadd.s32 $0xFFFFE000  }
0x143: {  	_ =	swait.ge [sflag:s13], $0x2000  }
0x144: {  	[sflag:s13] =	ssyncset.done $0x0  }
0x145: {  	[sflag:s13] =	ssyncadd.s32 $0xFFFFE000  }
0x146: {  	[spmem:s1] =	stream.indirect.scatter.add.f32 [tilespmem:s23], [sflag:$0x7], $0x80, s31, s18, $0xb8;
	[tilespmem:$0x1E800] =	vst v63  }
0x147: {  	_ =	swait.ge [sflag:s14], $0x2000  }
0x148: {  	[sflag:s14] =	ssyncset.done $0x0  }
0x149: {  	[sflag:s14] =	ssyncadd.s32 $0xFFFFE000  }
0x14a: {  	_ =	swait.ge [sflag:s11], $0x2000  }
0x14b: {  	[sflag:s11] =	ssyncset.done $0x0  }
0x14c: {  	[sflag:s11] =	ssyncadd.s32 $0xFFFFE000  }
0x14d: {  	[spmem:s1] =	stream.indirect.scatter.add.f32 [tilespmem:s25], [sflag:$0x7], $0x80, s0, s18, $0xb8;
	[tilespmem:$0x1E800] =	vst v63  }
.Ltmp7:
0x14e: {  	_ =	swait.ge [sflag:s14], $0x2000;
	(pc) =	sbr.rel @p1 .LBB2_16-.Ltmp7, $3  }
0x14f: {  	[sflag:s14] =	ssyncset.done $0x0  }
0x150: {  	[sflag:s14] =	ssyncadd.s32 $0xFFFFE000  }
0x151: {  	[bflag:$0x0] =	sbarrier.arrive $0xFFFF;
	_ =	sdelay $0x1  }
0x152: {  	s7 =	smul.u32 $0x138800, s7;
	_ =	sdelay $0x1  }
0x153: {  	s20 =	rddreg [dreg:$0x3];
	s7 =	sshrl.u32 s7, $0x3  }
0x154: {  	s22 =	simm.s32 $0x1FC7;
	p2 =	seq.s32 s3, $0x4;
	s7 =	sadd.s32 s20, s7  }
.Ltmp8:
0x155: {  	s20 =	sshrl.u32 s12, $0x3;
	s7 =	sadd.s32 $0x24900, s7;
	(pc) =	sbr.rel @p2 .LBB2_20-.Ltmp8, $4  }
0x156: {  	[hbm:s7], [sflag:s22] =	dma.local [spmem:s20], $0x2800  }
0x157: {  	_ =	swait.ge [sflag:s14], $0x2800  }
0x158: {  	[sflag:s14] =	ssyncset.done $0x0  }
0x159: {  	s7 =	simm.s32 $0x0;
	[sflag:s14] =	ssyncadd.s32 $0xFFFFD800  }
0x15a: {  	s20 =	sshra.s32 s7, $0x2  }
0x15b: {  	s20 =	sadd.s32 s20, s12  }
0x15c: {  	[spmem:s20] =	stream.linear.scatter [tilespmem:s2], [sflag:$0x7], $0x800, $0x38;
	[tilespmem:$0x1E800] =	vst v63  }
0x15d: {  	s7 =	sadd.s32 $0x2000, s7;
	_ =	swait.ge [sflag:s14], $0x800  }
.LBB2_14:
0x15e: {  	s20 =	sshra.s32 s7, $0x2;
	[sflag:s14] =	ssyncset.done $0x0;
	p2 =	sne.s32 s7, $0x4E000  }
.Ltmp9:
0x15f: {  	s20 =	sadd.s32 s20, s12;
	[sflag:s14] =	ssyncadd.s32 $0xFFFFF800;
	(pc) =	sbr.rel @p2 .LBB2_14-.Ltmp9, $3  }
0x160: {  	[spmem:s20] =	stream.linear.scatter [tilespmem:s2], [sflag:$0x7], $0x800, $0x38;
	[tilespmem:$0x1E800] =	vst v63  }
0x161: {  	s7 =	sadd.s32 $0x2000, s7;
	_ =	sdelay $0x1  }
0x162: {  	_ =	swait.ge [sflag:s14], $0x800  }
.Ltmp10:
0x163: {  	(pc) =	sbr.rel .LBB2_11-.Ltmp10, $3  }
0x164: {  	_ =	sdelay $0x1  }
0x165: {  	[sflag:s14] =	ssyncset.done $0x0  }
0x166: {  	s3 =	sadd.s32 $0x1, s3;
	[sflag:s14] =	ssyncadd.s32 $0xFFFFF800  }
.LBB2_16:
0x167: {  	s7 =	smul.u32 $0x27100, s7  }
0x168: {  	s20 =	stileid.u32;
	s22 =	rddreg [dreg:$0x4]  }
0x169: {  	p2 =	seq.s32 s3, $0x4;
	s20 =	sshll.u32 s20, $0x6;
	s7 =	sadd.s32 s22, s7  }
.Ltmp11:
0x16a: {  	s20 =	sor.u32 $0x1C07, s20;
	s22 =	sshrl.u32 s8, $0x3;
	(pc) =	sbr.rel @p2 .LBB2_20-.Ltmp11, $4  }
0x16b: {  	[hbm:s7], [sflag:s20] =	dma.local [spmem:s22], $0x2700  }
0x16c: {  	_ =	swait.ge [sflag:s14], $0x2700  }
0x16d: {  	[sflag:s14] =	ssyncset.done $0x0  }
0x16e: {  	s7 =	simm.s32 $0x0;
	[sflag:s14] =	ssyncadd.s32 $0xFFFFD900  }
0x16f: {  	s20 =	sshra.s32 s7, $0x2  }
0x170: {  	s20 =	sadd.s32 s20, s8  }
0x171: {  	[spmem:s20] =	stream.linear.scatter [tilespmem:s2], [sflag:$0x7], $0x800, $0x38;
	[tilespmem:$0x1E800] =	vst v63  }
0x172: {  	s7 =	sadd.s32 $0x2000, s7;
	_ =	swait.ge [sflag:s14], $0x800  }
.LBB2_18:
0x173: {  	s20 =	sshra.s32 s7, $0x2;
	[sflag:s14] =	ssyncset.done $0x0;
	p2 =	seq.s32 s7, $0x4C000  }
.Ltmp12:
0x174: {  	s20 =	sadd.s32 s20, s8;
	[sflag:s14] =	ssyncadd.s32 $0xFFFFF800;
	(pc) =	sbr.rel @!p2 .LBB2_18-.Ltmp12, $3  }
0x175: {  	[spmem:s20] =	stream.linear.scatter [tilespmem:s2], [sflag:$0x7], $0x800, $0x38;
	[tilespmem:$0x1E800] =	vst v63  }
0x176: {  	s7 =	sadd.s32 $0x2000, s7;
	_ =	sdelay $0x1  }
0x177: {  	_ =	swait.ge [sflag:s14], $0x800  }
.Ltmp13:
0x178: {  	(pc) =	sbr.rel .LBB2_11-.Ltmp13, $3  }
0x179: {  	_ =	sdelay $0x1  }
0x17a: {  	[sflag:s14] =	ssyncset.done $0x0  }
0x17b: {  	s3 =	sadd.s32 $0x1, s3;
	[sflag:s14] =	ssyncadd.s32 $0xFFFFF800  }
.LBB2_21:
0x17c: {  	_ =	sfence.sel $0x180000  }
0x17d: {  	[bflag:$0x0] =	sbarrier.arrive $0xFFFF  }
0x17e: {  	_ =	strace $0x90000047  }
0x17f: {  	s0 =	stileid.u32;
	[bflag:$0x2] =	sbarrier.arrive $0xFFFF  }
0x180: {  	p0 =	sne.s32 s0, $0x0;
	s0 =	rddreg [dreg:$0x2]  }
0x181: {  	s0 =	sadd.s32 @!p0 $0x100000, s0  }
0x182: {  	[sflag:s0] =	ssyncadd.tile.s32 @!p0 $0x1;
	_ =	shalt  }
.Lfunc_end2:
_tile_overlayer_lowered:
.L_overlay_start_2:
0x183: {  	(tag) =	ssettag $0x2  }
0x184: {  	s0 =	rddreg [dreg:$0x0];
	s2 =	stileid.u32  }
0x185: {  	s1 =	rddreg [dreg:$0x1];
	p0 =	sne.s32 s2, $0x0  }
0x186: {  	s3 =	rddreg [dreg:$0x2];
	[bflag:$0x3] =	sbarrier.arrive $0xFFFF;
	s2 =	simm.s32 @!p0 $0x1C07  }
0x187: {  	[timem:s3], [sflag:s2] =	dma.local @!p0 [hbm:s0], s1  }
0x188: {  	s0 =	simm.s32 @!p0 $0x7  }
0x189: {  	_ =	swait.ge @!p0 [sflag:s0], s1  }
0x18a: {  	s1 =	ssub.s32 @!p0 $0x0, s1;
	[sflag:s0] =	ssyncset.done @!p0 $0x0  }
0x18b: {  	[sflag:s0] =	ssyncadd.s32 @!p0 s1  }
0x18c: {  	[bflag:$0x3] =	sbarrier.arrive $0xFFFF  }
0x18d: {  	_ =	shalt  }

</sc_bundles>
